<compile_context>
chip_gen: v7x
topology: tpu7x:2x2x1
jax: 0.10.2.dev20260603
libtpu: 0.0.44.dev20260713+nightly
codegen_flags: <defaults>
</compile_context>

<pallas_src>
import functools

import jax
import jax.numpy as jnp
from jax import lax
from jax.experimental import pallas as pl
from jax.experimental.pallas import tpu as pltpu
from jax.experimental.pallas import tpu_sc as plsc

B, T, K = 64, 1024, 768
N_MASK, N_UNMASK = 768, 256
M_ROWS = B * N_MASK
U_ROWS = B * N_UNMASK
OUT_ROWS = B * T

NC, NS = 2, 16
NW = NC * NS
CHUNK = 64
M_CHUNKS = M_ROWS // CHUNK
U_CHUNKS = U_ROWS // CHUNK
M_PER_W = M_CHUNKS // NW
U_PER_W = U_CHUNKS // NW

LN_BLK = 1024


def _ln_body(x_ref, p_ref, g_ref, b_ref, o_ref):
    x = x_ref[...] + p_ref[...]
    mu = jnp.mean(x, axis=-1, keepdims=True)
    xc = x - mu
    var = jnp.mean(xc * xc, axis=-1, keepdims=True)
    o_ref[...] = (xc / jnp.sqrt(var + 1e-5)) * g_ref[...] + b_ref[...]


def _layer_norm_tc(x, pos, gamma, beta):
    return pl.pallas_call(
        _ln_body,
        grid=(U_ROWS // LN_BLK,),
        in_specs=[
            pl.BlockSpec((LN_BLK, K), lambda i: (i, 0)),
            pl.BlockSpec((LN_BLK, K), lambda i: (i, 0)),
            pl.BlockSpec((1, K), lambda i: (0, 0)),
            pl.BlockSpec((1, K), lambda i: (0, 0)),
        ],
        out_specs=pl.BlockSpec((LN_BLK, K), lambda i: (i, 0)),
        out_shape=jax.ShapeDtypeStruct((U_ROWS, K), jnp.float32),
    )(x, pos, gamma.reshape(1, K), beta.reshape(1, K))


def _run_stream(src_hbm, out_hbm, idx_all, rows0, rows1, l0, l1, s0, s1,
                base_chunk, npairs):

    def load(c, rows, sem):
        pltpu.async_copy(src_hbm.at[pl.ds(c * CHUNK, CHUNK)], rows, sem)

    def wait_load(rows, sem):
        pltpu.make_async_copy(src_hbm.at[pl.ds(0, CHUNK)], rows, sem).wait()

    def scatter(j, rows, sem):
        pltpu.async_copy(rows, out_hbm.at[idx_all.at[j]], sem)

    def wait_scatter(j, rows, sem):
        pltpu.make_async_copy(rows, out_hbm.at[idx_all.at[j]], sem).wait()

    load(base_chunk, rows0, l0)

    def pair(p, carry):
        c0 = base_chunk + 2 * p
        j0 = 2 * p
        wait_load(rows0, l0)
        scatter(j0, rows0, s0)

        @pl.when(p > 0)
        def _():
            wait_scatter(j0 - 1, rows1, s1)

        load(c0 + 1, rows1, l1)
        wait_load(rows1, l1)
        scatter(j0 + 1, rows1, s1)
        wait_scatter(j0, rows0, s0)

        @pl.when(p + 1 < npairs)
        def _():
            load(c0 + 2, rows0, l0)

        return carry

    lax.fori_loop(0, npairs, pair, 0)
    wait_scatter(2 * npairs - 1, rows1, s1)


_SC_MESH = plsc.VectorSubcoreMesh(core_axis_name="c", subcore_axis_name="s")


@functools.partial(
    pl.kernel,
    mesh=_SC_MESH,
    out_type=jax.ShapeDtypeStruct((OUT_ROWS, K), jnp.float32),
    scratch_types=[
        pltpu.VMEM((M_PER_W, CHUNK), jnp.int32),
        pltpu.VMEM((CHUNK, K), jnp.float32),
        pltpu.VMEM((CHUNK, K), jnp.float32),
        pltpu.SemaphoreType.DMA,
        pltpu.SemaphoreType.DMA,
        pltpu.SemaphoreType.DMA,
        pltpu.SemaphoreType.DMA,
    ],
)
def _sc_scatter_mask(mask_hbm, midx_hbm, out_hbm,
                     idx_all, rows0, rows1, l0, l1, s0, s1):
    wid = lax.axis_index("s") * NC + lax.axis_index("c")
    pltpu.sync_copy(midx_hbm.at[pl.ds(wid * M_PER_W, M_PER_W)], idx_all)
    base = (2 * wid) * T
    for j in range(M_PER_W):
        off = base + (j // (M_PER_W // 2)) * T
        for v in range(CHUNK // 16):
            idx_all[j, pl.ds(v * 16, 16)] = idx_all[j, pl.ds(v * 16, 16)] + off
    _run_stream(mask_hbm, out_hbm, idx_all, rows0, rows1, l0, l1, s0, s1,
                wid * M_PER_W, M_PER_W // 2)


@functools.partial(
    pl.kernel,
    mesh=_SC_MESH,
    out_type=(),
    scratch_types=[
        pltpu.VMEM((U_PER_W, CHUNK), jnp.int32),
        pltpu.VMEM((CHUNK, K), jnp.float32),
        pltpu.VMEM((CHUNK, K), jnp.float32),
        pltpu.SemaphoreType.DMA,
        pltpu.SemaphoreType.DMA,
        pltpu.SemaphoreType.DMA,
        pltpu.SemaphoreType.DMA,
    ],
)
def _sc_scatter_unmask(enc_hbm, uidx_hbm, dec_hbm,
                       idx_all, rows0, rows1, l0, l1, s0, s1):
    wid = lax.axis_index("s") * NC + lax.axis_index("c")
    pltpu.sync_copy(uidx_hbm.at[pl.ds(wid * U_PER_W, U_PER_W)], idx_all)
    base = (2 * wid) * T
    for j in range(U_PER_W):
        off = base + (j // (U_PER_W // 2)) * T
        for v in range(CHUNK // 16):
            idx_all[j, pl.ds(v * 16, 16)] = idx_all[j, pl.ds(v * 16, 16)] + off
    _run_stream(enc_hbm, dec_hbm, idx_all, rows0, rows1, l0, l1, s0, s1,
                wid * U_PER_W, U_PER_W // 2)


def kernel(encoder_output, mask_embedding, unmasked_positions, gamma, beta,
           mask_id, unmask_id):
    midx = mask_id.astype(jnp.int32).reshape(M_CHUNKS, CHUNK)
    uidx = unmask_id.astype(jnp.int32).reshape(U_CHUNKS, CHUNK)

    dec = _sc_scatter_mask(mask_embedding.reshape(M_ROWS, K), midx)
    enc = _layer_norm_tc(
        encoder_output.reshape(U_ROWS, K),
        unmasked_positions.reshape(U_ROWS, K),
        gamma, beta,
    )
    dec_ref = jax.new_ref(dec)
    _sc_scatter_unmask(enc, uidx, dec_ref)
    return dec_ref[...].reshape(B, T, K)

# --- scband reference (transcript-rebuilt; emitter-appended) ---
"""Pipeline reference for scband-mae-create-decoder-input-raw-35751307772079 (READ-ONLY COPY).

The authoritative reference and input builder live on the scoring server;
editing this copy changes nothing except your own understanding.
"""

import jax, jax.numpy as jnp
import numpy as np

B, T, K = 64, 1024, 768
N_MASK, N_UNMASK = 768, 256


def _layer_norm(x, gamma, beta, eps=1e-5):
    mu = jnp.mean(x, axis=-1, keepdims=True)
    var = jnp.mean((x - mu) ** 2, axis=-1, keepdims=True)
    xhat = (x - mu) / jnp.sqrt(var + eps)
    return xhat * gamma + beta


def setup_inputs(seed: int = 0) -> dict:
    key = jax.random.key(seed)
    k0, k1, k2, k3 = jax.random.split(key, 4)
    encoder_output = jax.random.normal(k0, (B, N_UNMASK, K), dtype=jnp.float32)
    mask_embedding = jax.random.normal(k1, (B, N_MASK, K), dtype=jnp.float32)
    unmasked_positions = jax.random.normal(k2, (B, N_UNMASK, K), dtype=jnp.float32)
    # per-batch random permutation of [0, T) split into masked / unmasked index sets
    perm_keys = jax.random.split(k3, B)
    perms = jax.vmap(lambda kk: jax.random.permutation(kk, T))(perm_keys)
    mask_id = perms[:, :N_MASK]
    unmask_id = perms[:, N_MASK:]
    gamma = jnp.ones((K,), dtype=jnp.float32)
    beta = jnp.zeros((K,), dtype=jnp.float32)
    return {
        "encoder_output": encoder_output,
        "mask_embedding": mask_embedding,
        "unmasked_positions": unmasked_positions,
        "gamma": gamma,
        "beta": beta,
        "mask_id": mask_id,
        "unmask_id": unmask_id,
    }


def reference(encoder_output, mask_embedding, unmasked_positions, gamma, beta, mask_id, unmask_id):
    # re-add positional embeddings + LayerNorm
    enc = _layer_norm(encoder_output + unmasked_positions, gamma, beta)
    # scatter-overwrite into zero-initialized decoder input buffer
    dec = jnp.zeros((B, T, K), dtype=enc.dtype)
    bidx = jnp.arange(B)[:, None]
    dec = dec.at[bidx, mask_id, :].set(mask_embedding)
    dec = dec.at[bidx, unmask_id, :].set(enc)
    return dec

if __name__ == "__main__":
    import jax
    _d = setup_inputs()
    print(jax.jit(kernel)(*tuple(_d.values())))

</pallas_src>

<mosaic_0001>
#map = affine_map<(d0, d1) -> (0, 0)>
module attributes {stable_mosaic.version = 14 : i64} {
  func.func @_sc_scatter_mask(%arg0: i32, %arg1: i32, %arg2: memref<49152x768xf32, #tpu.memory_space<hbm>>, %arg3: memref<768x64xi32, #tpu.memory_space<hbm>>, %arg4: memref<65536x768xf32, #tpu.memory_space<hbm>>, %arg5: memref<24x64xi32, #tpu.memory_space<vmem>>, %arg6: memref<64x768xf32, #tpu.memory_space<vmem>>, %arg7: memref<64x768xf32, #tpu.memory_space<vmem>>, %arg8: memref<!tpu.dma_semaphore, #tpu.memory_space<semaphore_mem>>, %arg9: memref<!tpu.dma_semaphore, #tpu.memory_space<semaphore_mem>>, %arg10: memref<!tpu.dma_semaphore, #tpu.memory_space<semaphore_mem>>, %arg11: memref<!tpu.dma_semaphore, #tpu.memory_space<semaphore_mem>>) attributes {dimension_semantics = [#tpu.dimension_semantics<core_parallel>, #tpu.dimension_semantics<subcore_parallel>], iteration_bounds = array<i64: 2, 16>, scalar_prefetch = 0 : i64, scratch_operands = 7 : i64, tpu.core_type = #tpu.core_type<sc_vector_subcore>, window_params = [{transform_indices = #map}, {transform_indices = #map}, {transform_indices = #map}]} {
    %mul3A = arith.constant 2 : i32
    %mul3A_0 = arith.muli %arg1, %mul3A : i32
    %add3A = arith.addi %mul3A_0, %arg0 : i32
    %mul3A_1 = arith.constant 24 : i32
    %mul3A_2 = arith.muli %add3A, %mul3A_1 : i32
    "tpu.region"() ({
      %run_scoped3A = tpu.sem_alloc : memref<!tpu.dma_semaphore, #tpu.memory_space<semaphore_mem>>
      %dma_start3A_1319 = arith.constant 0 : i32
      %dma_start3A_1320 = tpu.memref_slice %arg3[%mul3A_2, %dma_start3A_1319] : memref<768x64xi32, #tpu.memory_space<hbm>> -> memref<24x64xi32, #tpu.memory_space<hbm>>
      %dma_start3A_1321 = arith.constant 0 : i32
      %dma_start3A_1322 = tpu.memref_slice %arg3[%mul3A_2, %dma_start3A_1321] : memref<768x64xi32, #tpu.memory_space<hbm>> -> memref<24x64xi32, #tpu.memory_space<hbm>>
      tpu.enqueue_dma source(%dma_start3A_1322 : memref<24x64xi32, #tpu.memory_space<hbm>>) target(%arg5 : memref<24x64xi32, #tpu.memory_space<vmem>>) target_semaphore(%run_scoped3A : memref<!tpu.dma_semaphore, #tpu.memory_space<semaphore_mem>>)
      %dma_wait3A_1323 = arith.constant 0 : i32
      %dma_wait3A_1324 = tpu.memref_slice %arg3[%mul3A_2, %dma_wait3A_1323] : memref<768x64xi32, #tpu.memory_space<hbm>> -> memref<24x64xi32, #tpu.memory_space<hbm>>
      %dma_wait3A_1325 = arith.constant 0 : i32
      %dma_wait3A_1326 = tpu.memref_slice %arg3[%mul3A_2, %dma_wait3A_1325] : memref<768x64xi32, #tpu.memory_space<hbm>> -> memref<24x64xi32, #tpu.memory_space<hbm>>
      tpu.wait_dma2 semaphore(%run_scoped3A : memref<!tpu.dma_semaphore, #tpu.memory_space<semaphore_mem>>) src(%dma_wait3A_1326 : memref<24x64xi32, #tpu.memory_space<hbm>>) dst(%arg5 : memref<24x64xi32, #tpu.memory_space<vmem>>)
      tpu.yield
    }) : () -> ()
    %mul3A_3 = arith.constant 2 : i32
    %mul3A_4 = arith.muli %mul3A_3, %add3A : i32
    %mul3A_5 = arith.constant 1024 : i32
    %mul3A_6 = arith.muli %mul3A_4, %mul3A_5 : i32
    %add3A_7 = arith.constant 0 : i32
    %add3A_8 = arith.addi %mul3A_6, %add3A_7 : i32
    %get3A = arith.constant 0 : i32
    %get3A_9 = arith.index_cast %get3A : i32 to index
    %get3A_10 = arith.constant 0 : index
    %get3A_11 = tpu.vector_load %arg5[%get3A_9, %get3A_10] {strides = array<i32>} : memref<24x64xi32, #tpu.memory_space<vmem>>, vector<1x16xi32>,
    %get3A_12 = vector.shape_cast %get3A_11 : vector<1x16xi32> to vector<16xi32>
    %add3A_13 = vector.broadcast %add3A_8 : i32 to vector<16xi32>
    %add3A_14 = arith.addi %get3A_12, %add3A_13 : vector<16xi32>
    %swap3A = arith.constant 0 : i32
    %swap3A_15 = arith.index_cast %swap3A : i32 to index
    %swap3A_16 = arith.constant 0 : index
    %swap3A_17 = tpu.vector_load %arg5[%swap3A_15, %swap3A_16] {strides = array<i32>} : memref<24x64xi32, #tpu.memory_space<vmem>>, vector<1x16xi32>,
    %swap3A_18 = vector.shape_cast %swap3A_17 : vector<1x16xi32> to vector<16xi32>
    %swap3A_19 = vector.shape_cast %add3A_14 : vector<16xi32> to vector<1x16xi32>
    tpu.vector_store %arg5[%swap3A_15, %swap3A_16], %swap3A_19 {strides = array<i32>} : memref<24x64xi32, #tpu.memory_space<vmem>>, vector<1x16xi32>,
    %get3A_20 = arith.constant 0 : i32
    %get3A_21 = arith.index_cast %get3A_20 : i32 to index
    %get3A_22 = arith.constant 16 : index
    %get3A_23 = tpu.vector_load %arg5[%get3A_21, %get3A_22] {strides = array<i32>} : memref<24x64xi32, #tpu.memory_space<vmem>>, vector<1x16xi32>,
    %get3A_24 = vector.shape_cast %get3A_23 : vector<1x16xi32> to vector<16xi32>
    %add3A_25 = vector.broadcast %add3A_8 : i32 to vector<16xi32>
    %add3A_26 = arith.addi %get3A_24, %add3A_25 : vector<16xi32>
    %swap3A_27 = arith.constant 0 : i32
    %swap3A_28 = arith.index_cast %swap3A_27 : i32 to index
    %swap3A_29 = arith.constant 16 : index
    %swap3A_30 = tpu.vector_load %arg5[%swap3A_28, %swap3A_29] {strides = array<i32>} : memref<24x64xi32, #tpu.memory_space<vmem>>, vector<1x16xi32>,
    %swap3A_31 = vector.shape_cast %swap3A_30 : vector<1x16xi32> to vector<16xi32>
    %swap3A_32 = vector.shape_cast %add3A_26 : vector<16xi32> to vector<1x16xi32>
    tpu.vector_store %arg5[%swap3A_28, %swap3A_29], %swap3A_32 {strides = array<i32>} : memref<24x64xi32, #tpu.memory_space<vmem>>, vector<1x16xi32>,
    %get3A_33 = arith.constant 0 : i32
    %get3A_34 = arith.index_cast %get3A_33 : i32 to index
    %get3A_35 = arith.constant 32 : index
    %get3A_36 = tpu.vector_load %arg5[%get3A_34, %get3A_35] {strides = array<i32>} : memref<24x64xi32, #tpu.memory_space<vmem>>, vector<1x16xi32>,
    %get3A_37 = vector.shape_cast %get3A_36 : vector<1x16xi32> to vector<16xi32>
    %add3A_38 = vector.broadcast %add3A_8 : i32 to vector<16xi32>
    %add3A_39 = arith.addi %get3A_37, %add3A_38 : vector<16xi32>
    %swap3A_40 = arith.constant 0 : i32
    %swap3A_41 = arith.index_cast %swap3A_40 : i32 to index
    %swap3A_42 = arith.constant 32 : index
    %swap3A_43 = tpu.vector_load %arg5[%swap3A_41, %swap3A_42] {strides = array<i32>} : memref<24x64xi32, #tpu.memory_space<vmem>>, vector<1x16xi32>,
    %swap3A_44 = vector.shape_cast %swap3A_43 : vector<1x16xi32> to vector<16xi32>
    %swap3A_45 = vector.shape_cast %add3A_39 : vector<16xi32> to vector<1x16xi32>
    tpu.vector_store %arg5[%swap3A_41, %swap3A_42], %swap3A_45 {strides = array<i32>} : memref<24x64xi32, #tpu.memory_space<vmem>>, vector<1x16xi32>,
    %get3A_46 = arith.constant 0 : i32
    %get3A_47 = arith.index_cast %get3A_46 : i32 to index
    %get3A_48 = arith.constant 48 : index
    %get3A_49 = tpu.vector_load %arg5[%get3A_47, %get3A_48] {strides = array<i32>} : memref<24x64xi32, #tpu.memory_space<vmem>>, vector<1x16xi32>,
    %get3A_50 = vector.shape_cast %get3A_49 : vector<1x16xi32> to vector<16xi32>
    %add3A_51 = vector.broadcast %add3A_8 : i32 to vector<16xi32>
    %add3A_52 = arith.addi %get3A_50, %add3A_51 : vector<16xi32>
    %swap3A_53 = arith.constant 0 : i32
    %swap3A_54 = arith.index_cast %swap3A_53 : i32 to index
    %swap3A_55 = arith.constant 48 : index
    %swap3A_56 = tpu.vector_load %arg5[%swap3A_54, %swap3A_55] {strides = array<i32>} : memref<24x64xi32, #tpu.memory_space<vmem>>, vector<1x16xi32>,
    %swap3A_57 = vector.shape_cast %swap3A_56 : vector<1x16xi32> to vector<16xi32>
    %swap3A_58 = vector.shape_cast %add3A_52 : vector<16xi32> to vector<1x16xi32>
    tpu.vector_store %arg5[%swap3A_54, %swap3A_55], %swap3A_58 {strides = array<i32>} : memref<24x64xi32, #tpu.memory_space<vmem>>, vector<1x16xi32>,
    %add3A_59 = arith.constant 0 : i32
    %add3A_60 = arith.addi %mul3A_6, %add3A_59 : i32
    %get3A_61 = arith.constant 1 : i32
    %get3A_62 = arith.index_cast %get3A_61 : i32 to index
    %get3A_63 = arith.constant 0 : index
    %get3A_64 = tpu.vector_load %arg5[%get3A_62, %get3A_63] {strides = array<i32>} : memref<24x64xi32, #tpu.memory_space<vmem>>, vector<1x16xi32>,
    %get3A_65 = vector.shape_cast %get3A_64 : vector<1x16xi32> to vector<16xi32>
    %add3A_66 = vector.broadcast %add3A_60 : i32 to vector<16xi32>
    %add3A_67 = arith.addi %get3A_65, %add3A_66 : vector<16xi32>
    %swap3A_68 = arith.constant 1 : i32
    %swap3A_69 = arith.index_cast %swap3A_68 : i32 to index
    %swap3A_70 = arith.constant 0 : index
    %swap3A_71 = tpu.vector_load %arg5[%swap3A_69, %swap3A_70] {strides = array<i32>} : memref<24x64xi32, #tpu.memory_space<vmem>>, vector<1x16xi32>,
    %swap3A_72 = vector.shape_cast %swap3A_71 : vector<1x16xi32> to vector<16xi32>
    %swap3A_73 = vector.shape_cast %add3A_67 : vector<16xi32> to vector<1x16xi32>
    tpu.vector_store %arg5[%swap3A_69, %swap3A_70], %swap3A_73 {strides = array<i32>} : memref<24x64xi32, #tpu.memory_space<vmem>>, vector<1x16xi32>,
    %get3A_74 = arith.constant 1 : i32
    %get3A_75 = arith.index_cast %get3A_74 : i32 to index
    %get3A_76 = arith.constant 16 : index
    %get3A_77 = tpu.vector_load %arg5[%get3A_75, %get3A_76] {strides = array<i32>} : memref<24x64xi32, #tpu.memory_space<vmem>>, vector<1x16xi32>,
    %get3A_78 = vector.shape_cast %get3A_77 : vector<1x16xi32> to vector<16xi32>
    %add3A_79 = vector.broadcast %add3A_60 : i32 to vector<16xi32>
    %add3A_80 = arith.addi %get3A_78, %add3A_79 : vector<16xi32>
    %swap3A_81 = arith.constant 1 : i32
    %swap3A_82 = arith.index_cast %swap3A_81 : i32 to index
    %swap3A_83 = arith.constant 16 : index
    %swap3A_84 = tpu.vector_load %arg5[%swap3A_82, %swap3A_83] {strides = array<i32>} : memref<24x64xi32, #tpu.memory_space<vmem>>, vector<1x16xi32>,
    %swap3A_85 = vector.shape_cast %swap3A_84 : vector<1x16xi32> to vector<16xi32>
    %swap3A_86 = vector.shape_cast %add3A_80 : vector<16xi32> to vector<1x16xi32>
    tpu.vector_store %arg5[%swap3A_82, %swap3A_83], %swap3A_86 {strides = array<i32>} : memref<24x64xi32, #tpu.memory_space<vmem>>, vector<1x16xi32>,
    %get3A_87 = arith.constant 1 : i32
    %get3A_88 = arith.index_cast %get3A_87 : i32 to index
    %get3A_89 = arith.constant 32 : index
    %get3A_90 = tpu.vector_load %arg5[%get3A_88, %get3A_89] {strides = array<i32>} : memref<24x64xi32, #tpu.memory_space<vmem>>, vector<1x16xi32>,
    %get3A_91 = vector.shape_cast %get3A_90 : vector<1x16xi32> to vector<16xi32>
    %add3A_92 = vector.broadcast %add3A_60 : i32 to vector<16xi32>
    %add3A_93 = arith.addi %get3A_91, %add3A_92 : vector<16xi32>
    %swap3A_94 = arith.constant 1 : i32
    %swap3A_95 = arith.index_cast %swap3A_94 : i32 to index
    %swap3A_96 = arith.constant 32 : index
    %swap3A_97 = tpu.vector_load %arg5[%swap3A_95, %swap3A_96] {strides = array<i32>} : memref<24x64xi32, #tpu.memory_space<vmem>>, vector<1x16xi32>,
    %swap3A_98 = vector.shape_cast %swap3A_97 : vector<1x16xi32> to vector<16xi32>
    %swap3A_99 = vector.shape_cast %add3A_93 : vector<16xi32> to vector<1x16xi32>
    tpu.vector_store %arg5[%swap3A_95, %swap3A_96], %swap3A_99 {strides = array<i32>} : memref<24x64xi32, #tpu.memory_space<vmem>>, vector<1x16xi32>,
    %get3A_100 = arith.constant 1 : i32
    %get3A_101 = arith.index_cast %get3A_100 : i32 to index
    %get3A_102 = arith.constant 48 : index
    %get3A_103 = tpu.vector_load %arg5[%get3A_101, %get3A_102] {strides = array<i32>} : memref<24x64xi32, #tpu.memory_space<vmem>>, vector<1x16xi32>,
    %get3A_104 = vector.shape_cast %get3A_103 : vector<1x16xi32> to vector<16xi32>
    %add3A_105 = vector.broadcast %add3A_60 : i32 to vector<16xi32>
    %add3A_106 = arith.addi %get3A_104, %add3A_105 : vector<16xi32>
    %swap3A_107 = arith.constant 1 : i32
    %swap3A_108 = arith.index_cast %swap3A_107 : i32 to index
    %swap3A_109 = arith.constant 48 : index
    %swap3A_110 = tpu.vector_load %arg5[%swap3A_108, %swap3A_109] {strides = array<i32>} : memref<24x64xi32, #tpu.memory_space<vmem>>, vector<1x16xi32>,
    %swap3A_111 = vector.shape_cast %swap3A_110 : vector<1x16xi32> to vector<16xi32>
    %swap3A_112 = vector.shape_cast %add3A_106 : vector<16xi32> to vector<1x16xi32>
    tpu.vector_store %arg5[%swap3A_108, %swap3A_109], %swap3A_112 {strides = array<i32>} : memref<24x64xi32, #tpu.memory_space<vmem>>, vector<1x16xi32>,
    %add3A_113 = arith.constant 0 : i32
    %add3A_114 = arith.addi %mul3A_6, %add3A_113 : i32
    %get3A_115 = arith.constant 2 : i32
    %get3A_116 = arith.index_cast %get3A_115 : i32 to index
    %get3A_117 = arith.constant 0 : index
    %get3A_118 = tpu.vector_load %arg5[%get3A_116, %get3A_117] {strides = array<i32>} : memref<24x64xi32, #tpu.memory_space<vmem>>, vector<1x16xi32>,
    %get3A_119 = vector.shape_cast %get3A_118 : vector<1x16xi32> to vector<16xi32>
    %add3A_120 = vector.broadcast %add3A_114 : i32 to vector<16xi32>
    %add3A_121 = arith.addi %get3A_119, %add3A_120 : vector<16xi32>
    %swap3A_122 = arith.constant 2 : i32
    %swap3A_123 = arith.index_cast %swap3A_122 : i32 to index
    %swap3A_124 = arith.constant 0 : index
    %swap3A_125 = tpu.vector_load %arg5[%swap3A_123, %swap3A_124] {strides = array<i32>} : memref<24x64xi32, #tpu.memory_space<vmem>>, vector<1x16xi32>,
    %swap3A_126 = vector.shape_cast %swap3A_125 : vector<1x16xi32> to vector<16xi32>
    %swap3A_127 = vector.shape_cast %add3A_121 : vector<16xi32> to vector<1x16xi32>
    tpu.vector_store %arg5[%swap3A_123, %swap3A_124], %swap3A_127 {strides = array<i32>} : memref<24x64xi32, #tpu.memory_space<vmem>>, vector<1x16xi32>,
    %get3A_128 = arith.constant 2 : i32
    %get3A_129 = arith.index_cast %get3A_128 : i32 to index
    %get3A_130 = arith.constant 16 : index
    %get3A_131 = tpu.vector_load %arg5[%get3A_129, %get3A_130] {strides = array<i32>} : memref<24x64xi32, #tpu.memory_space<vmem>>, vector<1x16xi32>,
    %get3A_132 = vector.shape_cast %get3A_131 : vector<1x16xi32> to vector<16xi32>
    %add3A_133 = vector.broadcast %add3A_114 : i32 to vector<16xi32>
    %add3A_134 = arith.addi %get3A_132, %add3A_133 : vector<16xi32>
    %swap3A_135 = arith.constant 2 : i32
    %swap3A_136 = arith.index_cast %swap3A_135 : i32 to index
    %swap3A_137 = arith.constant 16 : index
    %swap3A_138 = tpu.vector_load %arg5[%swap3A_136, %swap3A_137] {strides = array<i32>} : memref<24x64xi32, #tpu.memory_space<vmem>>, vector<1x16xi32>,
    %swap3A_139 = vector.shape_cast %swap3A_138 : vector<1x16xi32> to vector<16xi32>
    %swap3A_140 = vector.shape_cast %add3A_134 : vector<16xi32> to vector<1x16xi32>
    tpu.vector_store %arg5[%swap3A_136, %swap3A_137], %swap3A_140 {strides = array<i32>} : memref<24x64xi32, #tpu.memory_space<vmem>>, vector<1x16xi32>,
    %get3A_141 = arith.constant 2 : i32
    %get3A_142 = arith.index_cast %get3A_141 : i32 to index
    %get3A_143 = arith.constant 32 : index
    %get3A_144 = tpu.vector_load %arg5[%get3A_142, %get3A_143] {strides = array<i32>} : memref<24x64xi32, #tpu.memory_space<vmem>>, vector<1x16xi32>,
    %get3A_145 = vector.shape_cast %get3A_144 : vector<1x16xi32> to vector<16xi32>
    %add3A_146 = vector.broadcast %add3A_114 : i32 to vector<16xi32>
    %add3A_147 = arith.addi %get3A_145, %add3A_146 : vector<16xi32>
    %swap3A_148 = arith.constant 2 : i32
    %swap3A_149 = arith.index_cast %swap3A_148 : i32 to index
    %swap3A_150 = arith.constant 32 : index
    %swap3A_151 = tpu.vector_load %arg5[%swap3A_149, %swap3A_150] {strides = array<i32>} : memref<24x64xi32, #tpu.memory_space<vmem>>, vector<1x16xi32>,
    %swap3A_152 = vector.shape_cast %swap3A_151 : vector<1x16xi32> to vector<16xi32>
    %swap3A_153 = vector.shape_cast %add3A_147 : vector<16xi32> to vector<1x16xi32>
    tpu.vector_store %arg5[%swap3A_149, %swap3A_150], %swap3A_153 {strides = array<i32>} : memref<24x64xi32, #tpu.memory_space<vmem>>, vector<1x16xi32>,
    %get3A_154 = arith.constant 2 : i32
    %get3A_155 = arith.index_cast %get3A_154 : i32 to index
    %get3A_156 = arith.constant 48 : index
    %get3A_157 = tpu.vector_load %arg5[%get3A_155, %get3A_156] {strides = array<i32>} : memref<24x64xi32, #tpu.memory_space<vmem>>, vector<1x16xi32>,
    %get3A_158 = vector.shape_cast %get3A_157 : vector<1x16xi32> to vector<16xi32>
    %add3A_159 = vector.broadcast %add3A_114 : i32 to vector<16xi32>
    %add3A_160 = arith.addi %get3A_158, %add3A_159 : vector<16xi32>
    %swap3A_161 = arith.constant 2 : i32
    %swap3A_162 = arith.index_cast %swap3A_161 : i32 to index
    %swap3A_163 = arith.constant 48 : index
    %swap3A_164 = tpu.vector_load %arg5[%swap3A_162, %swap3A_163] {strides = array<i32>} : memref<24x64xi32, #tpu.memory_space<vmem>>, vector<1x16xi32>,
    %swap3A_165 = vector.shape_cast %swap3A_164 : vector<1x16xi32> to vector<16xi32>
    %swap3A_166 = vector.shape_cast %add3A_160 : vector<16xi32> to vector<1x16xi32>
    tpu.vector_store %arg5[%swap3A_162, %swap3A_163], %swap3A_166 {strides = array<i32>} : memref<24x64xi32, #tpu.memory_space<vmem>>, vector<1x16xi32>,
    %add3A_167 = arith.constant 0 : i32
    %add3A_168 = arith.addi %mul3A_6, %add3A_167 : i32
    %get3A_169 = arith.constant 3 : i32
    %get3A_170 = arith.index_cast %get3A_169 : i32 to index
    %get3A_171 = arith.constant 0 : index
    %get3A_172 = tpu.vector_load %arg5[%get3A_170, %get3A_171] {strides = array<i32>} : memref<24x64xi32, #tpu.memory_space<vmem>>, vector<1x16xi32>,
    %get3A_173 = vector.shape_cast %get3A_172 : vector<1x16xi32> to vector<16xi32>
    %add3A_174 = vector.broadcast %add3A_168 : i32 to vector<16xi32>
    %add3A_175 = arith.addi %get3A_173, %add3A_174 : vector<16xi32>
    %swap3A_176 = arith.constant 3 : i32
    %swap3A_177 = arith.index_cast %swap3A_176 : i32 to index
    %swap3A_178 = arith.constant 0 : index
    %swap3A_179 = tpu.vector_load %arg5[%swap3A_177, %swap3A_178] {strides = array<i32>} : memref<24x64xi32, #tpu.memory_space<vmem>>, vector<1x16xi32>,
    %swap3A_180 = vector.shape_cast %swap3A_179 : vector<1x16xi32> to vector<16xi32>
    %swap3A_181 = vector.shape_cast %add3A_175 : vector<16xi32> to vector<1x16xi32>
    tpu.vector_store %arg5[%swap3A_177, %swap3A_178], %swap3A_181 {strides = array<i32>} : memref<24x64xi32, #tpu.memory_space<vmem>>, vector<1x16xi32>,
    %get3A_182 = arith.constant 3 : i32
    %get3A_183 = arith.index_cast %get3A_182 : i32 to index
    %get3A_184 = arith.constant 16 : index
    %get3A_185 = tpu.vector_load %arg5[%get3A_183, %get3A_184] {strides = array<i32>} : memref<24x64xi32, #tpu.memory_space<vmem>>, vector<1x16xi32>,
    %get3A_186 = vector.shape_cast %get3A_185 : vector<1x16xi32> to vector<16xi32>
    %add3A_187 = vector.broadcast %add3A_168 : i32 to vector<16xi32>
    %add3A_188 = arith.addi %get3A_186, %add3A_187 : vector<16xi32>
    %swap3A_189 = arith.constant 3 : i32
    %swap3A_190 = arith.index_cast %swap3A_189 : i32 to index
    %swap3A_191 = arith.constant 16 : index
    %swap3A_192 = tpu.vector_load %arg5[%swap3A_190, %swap3A_191] {strides = array<i32>} : memref<24x64xi32, #tpu.memory_space<vmem>>, vector<1x16xi32>,
    %swap3A_193 = vector.shape_cast %swap3A_192 : vector<1x16xi32> to vector<16xi32>
    %swap3A_194 = vector.shape_cast %add3A_188 : vector<16xi32> to vector<1x16xi32>
    tpu.vector_store %arg5[%swap3A_190, %swap3A_191], %swap3A_194 {strides = array<i32>} : memref<24x64xi32, #tpu.memory_space<vmem>>, vector<1x16xi32>,
    %get3A_195 = arith.constant 3 : i32
    %get3A_196 = arith.index_cast %get3A_195 : i32 to index
    %get3A_197 = arith.constant 32 : index
    %get3A_198 = tpu.vector_load %arg5[%get3A_196, %get3A_197] {strides = array<i32>} : memref<24x64xi32, #tpu.memory_space<vmem>>, vector<1x16xi32>,
    %get3A_199 = vector.shape_cast %get3A_198 : vector<1x16xi32> to vector<16xi32>
    %add3A_200 = vector.broadcast %add3A_168 : i32 to vector<16xi32>
    %add3A_201 = arith.addi %get3A_199, %add3A_200 : vector<16xi32>
    %swap3A_202 = arith.constant 3 : i32
    %swap3A_203 = arith.index_cast %swap3A_202 : i32 to index
    %swap3A_204 = arith.constant 32 : index
    %swap3A_205 = tpu.vector_load %arg5[%swap3A_203, %swap3A_204] {strides = array<i32>} : memref<24x64xi32, #tpu.memory_space<vmem>>, vector<1x16xi32>,
    %swap3A_206 = vector.shape_cast %swap3A_205 : vector<1x16xi32> to vector<16xi32>
    %swap3A_207 = vector.shape_cast %add3A_201 : vector<16xi32> to vector<1x16xi32>
    tpu.vector_store %arg5[%swap3A_203, %swap3A_204], %swap3A_207 {strides = array<i32>} : memref<24x64xi32, #tpu.memory_space<vmem>>, vector<1x16xi32>,
    %get3A_208 = arith.constant 3 : i32
    %get3A_209 = arith.index_cast %get3A_208 : i32 to index
    %get3A_210 = arith.constant 48 : index
    %get3A_211 = tpu.vector_load %arg5[%get3A_209, %get3A_210] {strides = array<i32>} : memref<24x64xi32, #tpu.memory_space<vmem>>, vector<1x16xi32>,
    %get3A_212 = vector.shape_cast %get3A_211 : vector<1x16xi32> to vector<16xi32>
    %add3A_213 = vector.broadcast %add3A_168 : i32 to vector<16xi32>
    %add3A_214 = arith.addi %get3A_212, %add3A_213 : vector<16xi32>
    %swap3A_215 = arith.constant 3 : i32
    %swap3A_216 = arith.index_cast %swap3A_215 : i32 to index
    %swap3A_217 = arith.constant 48 : index
    %swap3A_218 = tpu.vector_load %arg5[%swap3A_216, %swap3A_217] {strides = array<i32>} : memref<24x64xi32, #tpu.memory_space<vmem>>, vector<1x16xi32>,
    %swap3A_219 = vector.shape_cast %swap3A_218 : vector<1x16xi32> to vector<16xi32>
    %swap3A_220 = vector.shape_cast %add3A_214 : vector<16xi32> to vector<1x16xi32>
    tpu.vector_store %arg5[%swap3A_216, %swap3A_217], %swap3A_220 {strides = array<i32>} : memref<24x64xi32, #tpu.memory_space<vmem>>, vector<1x16xi32>,
    %add3A_221 = arith.constant 0 : i32
    %add3A_222 = arith.addi %mul3A_6, %add3A_221 : i32
    %get3A_223 = arith.constant 4 : i32
    %get3A_224 = arith.index_cast %get3A_223 : i32 to index
    %get3A_225 = arith.constant 0 : index
    %get3A_226 = tpu.vector_load %arg5[%get3A_224, %get3A_225] {strides = array<i32>} : memref<24x64xi32, #tpu.memory_space<vmem>>, vector<1x16xi32>,
    %get3A_227 = vector.shape_cast %get3A_226 : vector<1x16xi32> to vector<16xi32>
    %add3A_228 = vector.broadcast %add3A_222 : i32 to vector<16xi32>
    %add3A_229 = arith.addi %get3A_227, %add3A_228 : vector<16xi32>
    %swap3A_230 = arith.constant 4 : i32
    %swap3A_231 = arith.index_cast %swap3A_230 : i32 to index
    %swap3A_232 = arith.constant 0 : index
    %swap3A_233 = tpu.vector_load %arg5[%swap3A_231, %swap3A_232] {strides = array<i32>} : memref<24x64xi32, #tpu.memory_space<vmem>>, vector<1x16xi32>,
    %swap3A_234 = vector.shape_cast %swap3A_233 : vector<1x16xi32> to vector<16xi32>
    %swap3A_235 = vector.shape_cast %add3A_229 : vector<16xi32> to vector<1x16xi32>
    tpu.vector_store %arg5[%swap3A_231, %swap3A_232], %swap3A_235 {strides = array<i32>} : memref<24x64xi32, #tpu.memory_space<vmem>>, vector<1x16xi32>,
    %get3A_236 = arith.constant 4 : i32
    %get3A_237 = arith.index_cast %get3A_236 : i32 to index
    %get3A_238 = arith.constant 16 : index
    %get3A_239 = tpu.vector_load %arg5[%get3A_237, %get3A_238] {strides = array<i32>} : memref<24x64xi32, #tpu.memory_space<vmem>>, vector<1x16xi32>,
    %get3A_240 = vector.shape_cast %get3A_239 : vector<1x16xi32> to vector<16xi32>
    %add3A_241 = vector.broadcast %add3A_222 : i32 to vector<16xi32>
    %add3A_242 = arith.addi %get3A_240, %add3A_241 : vector<16xi32>
    %swap3A_243 = arith.constant 4 : i32
    %swap3A_244 = arith.index_cast %swap3A_243 : i32 to index
    %swap3A_245 = arith.constant 16 : index
    %swap3A_246 = tpu.vector_load %arg5[%swap3A_244, %swap3A_245] {strides = array<i32>} : memref<24x64xi32, #tpu.memory_space<vmem>>, vector<1x16xi32>,
    %swap3A_247 = vector.shape_cast %swap3A_246 : vector<1x16xi32> to vector<16xi32>
    %swap3A_248 = vector.shape_cast %add3A_242 : vector<16xi32> to vector<1x16xi32>
    tpu.vector_store %arg5[%swap3A_244, %swap3A_245], %swap3A_248 {strides = array<i32>} : memref<24x64xi32, #tpu.memory_space<vmem>>, vector<1x16xi32>,
    %get3A_249 = arith.constant 4 : i32
    %get3A_250 = arith.index_cast %get3A_249 : i32 to index
    %get3A_251 = arith.constant 32 : index
    %get3A_252 = tpu.vector_load %arg5[%get3A_250, %get3A_251] {strides = array<i32>} : memref<24x64xi32, #tpu.memory_space<vmem>>, vector<1x16xi32>,
    %get3A_253 = vector.shape_cast %get3A_252 : vector<1x16xi32> to vector<16xi32>
    %add3A_254 = vector.broadcast %add3A_222 : i32 to vector<16xi32>
    %add3A_255 = arith.addi %get3A_253, %add3A_254 : vector<16xi32>
    %swap3A_256 = arith.constant 4 : i32
    %swap3A_257 = arith.index_cast %swap3A_256 : i32 to index
    %swap3A_258 = arith.constant 32 : index
    %swap3A_259 = tpu.vector_load %arg5[%swap3A_257, %swap3A_258] {strides = array<i32>} : memref<24x64xi32, #tpu.memory_space<vmem>>, vector<1x16xi32>,
    %swap3A_260 = vector.shape_cast %swap3A_259 : vector<1x16xi32> to vector<16xi32>
    %swap3A_261 = vector.shape_cast %add3A_255 : vector<16xi32> to vector<1x16xi32>
    tpu.vector_store %arg5[%swap3A_257, %swap3A_258], %swap3A_261 {strides = array<i32>} : memref<24x64xi32, #tpu.memory_space<vmem>>, vector<1x16xi32>,
    %get3A_262 = arith.constant 4 : i32
    %get3A_263 = arith.index_cast %get3A_262 : i32 to index
    %get3A_264 = arith.constant 48 : index
    %get3A_265 = tpu.vector_load %arg5[%get3A_263, %get3A_264] {strides = array<i32>} : memref<24x64xi32, #tpu.memory_space<vmem>>, vector<1x16xi32>,
    %get3A_266 = vector.shape_cast %get3A_265 : vector<1x16xi32> to vector<16xi32>
    %add3A_267 = vector.broadcast %add3A_222 : i32 to vector<16xi32>
    %add3A_268 = arith.addi %get3A_266, %add3A_267 : vector<16xi32>
    %swap3A_269 = arith.constant 4 : i32
    %swap3A_270 = arith.index_cast %swap3A_269 : i32 to index
    %swap3A_271 = arith.constant 48 : index
    %swap3A_272 = tpu.vector_load %arg5[%swap3A_270, %swap3A_271] {strides = array<i32>} : memref<24x64xi32, #tpu.memory_space<vmem>>, vector<1x16xi32>,
    %swap3A_273 = vector.shape_cast %swap3A_272 : vector<1x16xi32> to vector<16xi32>
    %swap3A_274 = vector.shape_cast %add3A_268 : vector<16xi32> to vector<1x16xi32>
    tpu.vector_store %arg5[%swap3A_270, %swap3A_271], %swap3A_274 {strides = array<i32>} : memref<24x64xi32, #tpu.memory_space<vmem>>, vector<1x16xi32>,
    %add3A_275 = arith.constant 0 : i32
    %add3A_276 = arith.addi %mul3A_6, %add3A_275 : i32
    %get3A_277 = arith.constant 5 : i32
    %get3A_278 = arith.index_cast %get3A_277 : i32 to index
    %get3A_279 = arith.constant 0 : index
    %get3A_280 = tpu.vector_load %arg5[%get3A_278, %get3A_279] {strides = array<i32>} : memref<24x64xi32, #tpu.memory_space<vmem>>, vector<1x16xi32>,
    %get3A_281 = vector.shape_cast %get3A_280 : vector<1x16xi32> to vector<16xi32>
    %add3A_282 = vector.broadcast %add3A_276 : i32 to vector<16xi32>
    %add3A_283 = arith.addi %get3A_281, %add3A_282 : vector<16xi32>
    %swap3A_284 = arith.constant 5 : i32
    %swap3A_285 = arith.index_cast %swap3A_284 : i32 to index
    %swap3A_286 = arith.constant 0 : index
    %swap3A_287 = tpu.vector_load %arg5[%swap3A_285, %swap3A_286] {strides = array<i32>} : memref<24x64xi32, #tpu.memory_space<vmem>>, vector<1x16xi32>,
    %swap3A_288 = vector.shape_cast %swap3A_287 : vector<1x16xi32> to vector<16xi32>
    %swap3A_289 = vector.shape_cast %add3A_283 : vector<16xi32> to vector<1x16xi32>
    tpu.vector_store %arg5[%swap3A_285, %swap3A_286], %swap3A_289 {strides = array<i32>} : memref<24x64xi32, #tpu.memory_space<vmem>>, vector<1x16xi32>,
    %get3A_290 = arith.constant 5 : i32
    %get3A_291 = arith.index_cast %get3A_290 : i32 to index
    %get3A_292 = arith.constant 16 : index
    %get3A_293 = tpu.vector_load %arg5[%get3A_291, %get3A_292] {strides = array<i32>} : memref<24x64xi32, #tpu.memory_space<vmem>>, vector<1x16xi32>,
    %get3A_294 = vector.shape_cast %get3A_293 : vector<1x16xi32> to vector<16xi32>
    %add3A_295 = vector.broadcast %add3A_276 : i32 to vector<16xi32>
    %add3A_296 = arith.addi %get3A_294, %add3A_295 : vector<16xi32>
    %swap3A_297 = arith.constant 5 : i32
    %swap3A_298 = arith.index_cast %swap3A_297 : i32 to index
    %swap3A_299 = arith.constant 16 : index
    %swap3A_300 = tpu.vector_load %arg5[%swap3A_298, %swap3A_299] {strides = array<i32>} : memref<24x64xi32, #tpu.memory_space<vmem>>, vector<1x16xi32>,
    %swap3A_301 = vector.shape_cast %swap3A_300 : vector<1x16xi32> to vector<16xi32>
    %swap3A_302 = vector.shape_cast %add3A_296 : vector<16xi32> to vector<1x16xi32>
    tpu.vector_store %arg5[%swap3A_298, %swap3A_299], %swap3A_302 {strides = array<i32>} : memref<24x64xi32, #tpu.memory_space<vmem>>, vector<1x16xi32>,
    %get3A_303 = arith.constant 5 : i32
    %get3A_304 = arith.index_cast %get3A_303 : i32 to index
    %get3A_305 = arith.constant 32 : index
    %get3A_306 = tpu.vector_load %arg5[%get3A_304, %get3A_305] {strides = array<i32>} : memref<24x64xi32, #tpu.memory_space<vmem>>, vector<1x16xi32>,
    %get3A_307 = vector.shape_cast %get3A_306 : vector<1x16xi32> to vector<16xi32>
    %add3A_308 = vector.broadcast %add3A_276 : i32 to vector<16xi32>
    %add3A_309 = arith.addi %get3A_307, %add3A_308 : vector<16xi32>
    %swap3A_310 = arith.constant 5 : i32
    %swap3A_311 = arith.index_cast %swap3A_310 : i32 to index
    %swap3A_312 = arith.constant 32 : index
    %swap3A_313 = tpu.vector_load %arg5[%swap3A_311, %swap3A_312] {strides = array<i32>} : memref<24x64xi32, #tpu.memory_space<vmem>>, vector<1x16xi32>,
    %swap3A_314 = vector.shape_cast %swap3A_313 : vector<1x16xi32> to vector<16xi32>
    %swap3A_315 = vector.shape_cast %add3A_309 : vector<16xi32> to vector<1x16xi32>
    tpu.vector_store %arg5[%swap3A_311, %swap3A_312], %swap3A_315 {strides = array<i32>} : memref<24x64xi32, #tpu.memory_space<vmem>>, vector<1x16xi32>,
    %get3A_316 = arith.constant 5 : i32
    %get3A_317 = arith.index_cast %get3A_316 : i32 to index
    %get3A_318 = arith.constant 48 : index
    %get3A_319 = tpu.vector_load %arg5[%get3A_317, %get3A_318] {strides = array<i32>} : memref<24x64xi32, #tpu.memory_space<vmem>>, vector<1x16xi32>,
    %get3A_320 = vector.shape_cast %get3A_319 : vector<1x16xi32> to vector<16xi32>
    %add3A_321 = vector.broadcast %add3A_276 : i32 to vector<16xi32>
    %add3A_322 = arith.addi %get3A_320, %add3A_321 : vector<16xi32>
    %swap3A_323 = arith.constant 5 : i32
    %swap3A_324 = arith.index_cast %swap3A_323 : i32 to index
    %swap3A_325 = arith.constant 48 : index
    %swap3A_326 = tpu.vector_load %arg5[%swap3A_324, %swap3A_325] {strides = array<i32>} : memref<24x64xi32, #tpu.memory_space<vmem>>, vector<1x16xi32>,
    %swap3A_327 = vector.shape_cast %swap3A_326 : vector<1x16xi32> to vector<16xi32>
    %swap3A_328 = vector.shape_cast %add3A_322 : vector<16xi32> to vector<1x16xi32>
    tpu.vector_store %arg5[%swap3A_324, %swap3A_325], %swap3A_328 {strides = array<i32>} : memref<24x64xi32, #tpu.memory_space<vmem>>, vector<1x16xi32>,
    %add3A_329 = arith.constant 0 : i32
    %add3A_330 = arith.addi %mul3A_6, %add3A_329 : i32
    %get3A_331 = arith.constant 6 : i32
    %get3A_332 = arith.index_cast %get3A_331 : i32 to index
    %get3A_333 = arith.constant 0 : index
    %get3A_334 = tpu.vector_load %arg5[%get3A_332, %get3A_333] {strides = array<i32>} : memref<24x64xi32, #tpu.memory_space<vmem>>, vector<1x16xi32>,
    %get3A_335 = vector.shape_cast %get3A_334 : vector<1x16xi32> to vector<16xi32>
    %add3A_336 = vector.broadcast %add3A_330 : i32 to vector<16xi32>
    %add3A_337 = arith.addi %get3A_335, %add3A_336 : vector<16xi32>
    %swap3A_338 = arith.constant 6 : i32
    %swap3A_339 = arith.index_cast %swap3A_338 : i32 to index
    %swap3A_340 = arith.constant 0 : index
    %swap3A_341 = tpu.vector_load %arg5[%swap3A_339, %swap3A_340] {strides = array<i32>} : memref<24x64xi32, #tpu.memory_space<vmem>>, vector<1x16xi32>,
    %swap3A_342 = vector.shape_cast %swap3A_341 : vector<1x16xi32> to vector<16xi32>
    %swap3A_343 = vector.shape_cast %add3A_337 : vector<16xi32> to vector<1x16xi32>
    tpu.vector_store %arg5[%swap3A_339, %swap3A_340], %swap3A_343 {strides = array<i32>} : memref<24x64xi32, #tpu.memory_space<vmem>>, vector<1x16xi32>,
    %get3A_344 = arith.constant 6 : i32
    %get3A_345 = arith.index_cast %get3A_344 : i32 to index
    %get3A_346 = arith.constant 16 : index
    %get3A_347 = tpu.vector_load %arg5[%get3A_345, %get3A_346] {strides = array<i32>} : memref<24x64xi32, #tpu.memory_space<vmem>>, vector<1x16xi32>,
    %get3A_348 = vector.shape_cast %get3A_347 : vector<1x16xi32> to vector<16xi32>
    %add3A_349 = vector.broadcast %add3A_330 : i32 to vector<16xi32>
    %add3A_350 = arith.addi %get3A_348, %add3A_349 : vector<16xi32>
    %swap3A_351 = arith.constant 6 : i32
    %swap3A_352 = arith.index_cast %swap3A_351 : i32 to index
    %swap3A_353 = arith.constant 16 : index
    %swap3A_354 = tpu.vector_load %arg5[%swap3A_352, %swap3A_353] {strides = array<i32>} : memref<24x64xi32, #tpu.memory_space<vmem>>, vector<1x16xi32>,
    %swap3A_355 = vector.shape_cast %swap3A_354 : vector<1x16xi32> to vector<16xi32>
    %swap3A_356 = vector.shape_cast %add3A_350 : vector<16xi32> to vector<1x16xi32>
    tpu.vector_store %arg5[%swap3A_352, %swap3A_353], %swap3A_356 {strides = array<i32>} : memref<24x64xi32, #tpu.memory_space<vmem>>, vector<1x16xi32>,
    %get3A_357 = arith.constant 6 : i32
    %get3A_358 = arith.index_cast %get3A_357 : i32 to index
    %get3A_359 = arith.constant 32 : index
    %get3A_360 = tpu.vector_load %arg5[%get3A_358, %get3A_359] {strides = array<i32>} : memref<24x64xi32, #tpu.memory_space<vmem>>, vector<1x16xi32>,
    %get3A_361 = vector.shape_cast %get3A_360 : vector<1x16xi32> to vector<16xi32>
    %add3A_362 = vector.broadcast %add3A_330 : i32 to vector<16xi32>
    %add3A_363 = arith.addi %get3A_361, %add3A_362 : vector<16xi32>
    %swap3A_364 = arith.constant 6 : i32
    %swap3A_365 = arith.index_cast %swap3A_364 : i32 to index
    %swap3A_366 = arith.constant 32 : index
    %swap3A_367 = tpu.vector_load %arg5[%swap3A_365, %swap3A_366] {strides = array<i32>} : memref<24x64xi32, #tpu.memory_space<vmem>>, vector<1x16xi32>,
    %swap3A_368 = vector.shape_cast %swap3A_367 : vector<1x16xi32> to vector<16xi32>
    %swap3A_369 = vector.shape_cast %add3A_363 : vector<16xi32> to vector<1x16xi32>
    tpu.vector_store %arg5[%swap3A_365, %swap3A_366], %swap3A_369 {strides = array<i32>} : memref<24x64xi32, #tpu.memory_space<vmem>>, vector<1x16xi32>,
    %get3A_370 = arith.constant 6 : i32
    %get3A_371 = arith.index_cast %get3A_370 : i32 to index
    %get3A_372 = arith.constant 48 : index
    %get3A_373 = tpu.vector_load %arg5[%get3A_371, %get3A_372] {strides = array<i32>} : memref<24x64xi32, #tpu.memory_space<vmem>>, vector<1x16xi32>,
    %get3A_374 = vector.shape_cast %get3A_373 : vector<1x16xi32> to vector<16xi32>
    %add3A_375 = vector.broadcast %add3A_330 : i32 to vector<16xi32>
    %add3A_376 = arith.addi %get3A_374, %add3A_375 : vector<16xi32>
    %swap3A_377 = arith.constant 6 : i32
    %swap3A_378 = arith.index_cast %swap3A_377 : i32 to index
    %swap3A_379 = arith.constant 48 : index
    %swap3A_380 = tpu.vector_load %arg5[%swap3A_378, %swap3A_379] {strides = array<i32>} : memref<24x64xi32, #tpu.memory_space<vmem>>, vector<1x16xi32>,
    %swap3A_381 = vector.shape_cast %swap3A_380 : vector<1x16xi32> to vector<16xi32>
    %swap3A_382 = vector.shape_cast %add3A_376 : vector<16xi32> to vector<1x16xi32>
    tpu.vector_store %arg5[%swap3A_378, %swap3A_379], %swap3A_382 {strides = array<i32>} : memref<24x64xi32, #tpu.memory_space<vmem>>, vector<1x16xi32>,
    %add3A_383 = arith.constant 0 : i32
    %add3A_384 = arith.addi %mul3A_6, %add3A_383 : i32
    %get3A_385 = arith.constant 7 : i32
    %get3A_386 = arith.index_cast %get3A_385 : i32 to index
    %get3A_387 = arith.constant 0 : index
    %get3A_388 = tpu.vector_load %arg5[%get3A_386, %get3A_387] {strides = array<i32>} : memref<24x64xi32, #tpu.memory_space<vmem>>, vector<1x16xi32>,
    %get3A_389 = vector.shape_cast %get3A_388 : vector<1x16xi32> to vector<16xi32>
    %add3A_390 = vector.broadcast %add3A_384 : i32 to vector<16xi32>
    %add3A_391 = arith.addi %get3A_389, %add3A_390 : vector<16xi32>
    %swap3A_392 = arith.constant 7 : i32
    %swap3A_393 = arith.index_cast %swap3A_392 : i32 to index
    %swap3A_394 = arith.constant 0 : index
    %swap3A_395 = tpu.vector_load %arg5[%swap3A_393, %swap3A_394] {strides = array<i32>} : memref<24x64xi32, #tpu.memory_space<vmem>>, vector<1x16xi32>,
    %swap3A_396 = vector.shape_cast %swap3A_395 : vector<1x16xi32> to vector<16xi32>
    %swap3A_397 = vector.shape_cast %add3A_391 : vector<16xi32> to vector<1x16xi32>
    tpu.vector_store %arg5[%swap3A_393, %swap3A_394], %swap3A_397 {strides = array<i32>} : memref<24x64xi32, #tpu.memory_space<vmem>>, vector<1x16xi32>,
    %get3A_398 = arith.constant 7 : i32
    %get3A_399 = arith.index_cast %get3A_398 : i32 to index
    %get3A_400 = arith.constant 16 : index
    %get3A_401 = tpu.vector_load %arg5[%get3A_399, %get3A_400] {strides = array<i32>} : memref<24x64xi32, #tpu.memory_space<vmem>>, vector<1x16xi32>,
    %get3A_402 = vector.shape_cast %get3A_401 : vector<1x16xi32> to vector<16xi32>
    %add3A_403 = vector.broadcast %add3A_384 : i32 to vector<16xi32>
    %add3A_404 = arith.addi %get3A_402, %add3A_403 : vector<16xi32>
    %swap3A_405 = arith.constant 7 : i32
    %swap3A_406 = arith.index_cast %swap3A_405 : i32 to index
    %swap3A_407 = arith.constant 16 : index
    %swap3A_408 = tpu.vector_load %arg5[%swap3A_406, %swap3A_407] {strides = array<i32>} : memref<24x64xi32, #tpu.memory_space<vmem>>, vector<1x16xi32>,
    %swap3A_409 = vector.shape_cast %swap3A_408 : vector<1x16xi32> to vector<16xi32>
    %swap3A_410 = vector.shape_cast %add3A_404 : vector<16xi32> to vector<1x16xi32>
    tpu.vector_store %arg5[%swap3A_406, %swap3A_407], %swap3A_410 {strides = array<i32>} : memref<24x64xi32, #tpu.memory_space<vmem>>, vector<1x16xi32>,
    %get3A_411 = arith.constant 7 : i32
    %get3A_412 = arith.index_cast %get3A_411 : i32 to index
    %get3A_413 = arith.constant 32 : index
    %get3A_414 = tpu.vector_load %arg5[%get3A_412, %get3A_413] {strides = array<i32>} : memref<24x64xi32, #tpu.memory_space<vmem>>, vector<1x16xi32>,
    %get3A_415 = vector.shape_cast %get3A_414 : vector<1x16xi32> to vector<16xi32>
    %add3A_416 = vector.broadcast %add3A_384 : i32 to vector<16xi32>
    %add3A_417 = arith.addi %get3A_415, %add3A_416 : vector<16xi32>
    %swap3A_418 = arith.constant 7 : i32
    %swap3A_419 = arith.index_cast %swap3A_418 : i32 to index
    %swap3A_420 = arith.constant 32 : index
    %swap3A_421 = tpu.vector_load %arg5[%swap3A_419, %swap3A_420] {strides = array<i32>} : memref<24x64xi32, #tpu.memory_space<vmem>>, vector<1x16xi32>,
    %swap3A_422 = vector.shape_cast %swap3A_421 : vector<1x16xi32> to vector<16xi32>
    %swap3A_423 = vector.shape_cast %add3A_417 : vector<16xi32> to vector<1x16xi32>
    tpu.vector_store %arg5[%swap3A_419, %swap3A_420], %swap3A_423 {strides = array<i32>} : memref<24x64xi32, #tpu.memory_space<vmem>>, vector<1x16xi32>,
    %get3A_424 = arith.constant 7 : i32
    %get3A_425 = arith.index_cast %get3A_424 : i32 to index
    %get3A_426 = arith.constant 48 : index
    %get3A_427 = tpu.vector_load %arg5[%get3A_425, %get3A_426] {strides = array<i32>} : memref<24x64xi32, #tpu.memory_space<vmem>>, vector<1x16xi32>,
    %get3A_428 = vector.shape_cast %get3A_427 : vector<1x16xi32> to vector<16xi32>
    %add3A_429 = vector.broadcast %add3A_384 : i32 to vector<16xi32>
    %add3A_430 = arith.addi %get3A_428, %add3A_429 : vector<16xi32>
    %swap3A_431 = arith.constant 7 : i32
    %swap3A_432 = arith.index_cast %swap3A_431 : i32 to index
    %swap3A_433 = arith.constant 48 : index
    %swap3A_434 = tpu.vector_load %arg5[%swap3A_432, %swap3A_433] {strides = array<i32>} : memref<24x64xi32, #tpu.memory_space<vmem>>, vector<1x16xi32>,
    %swap3A_435 = vector.shape_cast %swap3A_434 : vector<1x16xi32> to vector<16xi32>
    %swap3A_436 = vector.shape_cast %add3A_430 : vector<16xi32> to vector<1x16xi32>
    tpu.vector_store %arg5[%swap3A_432, %swap3A_433], %swap3A_436 {strides = array<i32>} : memref<24x64xi32, #tpu.memory_space<vmem>>, vector<1x16xi32>,
    %add3A_437 = arith.constant 0 : i32
    %add3A_438 = arith.addi %mul3A_6, %add3A_437 : i32
    %get3A_439 = arith.constant 8 : i32
    %get3A_440 = arith.index_cast %get3A_439 : i32 to index
    %get3A_441 = arith.constant 0 : index
    %get3A_442 = tpu.vector_load %arg5[%get3A_440, %get3A_441] {strides = array<i32>} : memref<24x64xi32, #tpu.memory_space<vmem>>, vector<1x16xi32>,
    %get3A_443 = vector.shape_cast %get3A_442 : vector<1x16xi32> to vector<16xi32>
    %add3A_444 = vector.broadcast %add3A_438 : i32 to vector<16xi32>
    %add3A_445 = arith.addi %get3A_443, %add3A_444 : vector<16xi32>
    %swap3A_446 = arith.constant 8 : i32
    %swap3A_447 = arith.index_cast %swap3A_446 : i32 to index
    %swap3A_448 = arith.constant 0 : index
    %swap3A_449 = tpu.vector_load %arg5[%swap3A_447, %swap3A_448] {strides = array<i32>} : memref<24x64xi32, #tpu.memory_space<vmem>>, vector<1x16xi32>,
    %swap3A_450 = vector.shape_cast %swap3A_449 : vector<1x16xi32> to vector<16xi32>
    %swap3A_451 = vector.shape_cast %add3A_445 : vector<16xi32> to vector<1x16xi32>
    tpu.vector_store %arg5[%swap3A_447, %swap3A_448], %swap3A_451 {strides = array<i32>} : memref<24x64xi32, #tpu.memory_space<vmem>>, vector<1x16xi32>,
    %get3A_452 = arith.constant 8 : i32
    %get3A_453 = arith.index_cast %get3A_452 : i32 to index
    %get3A_454 = arith.constant 16 : index
    %get3A_455 = tpu.vector_load %arg5[%get3A_453, %get3A_454] {strides = array<i32>} : memref<24x64xi32, #tpu.memory_space<vmem>>, vector<1x16xi32>,
    %get3A_456 = vector.shape_cast %get3A_455 : vector<1x16xi32> to vector<16xi32>
    %add3A_457 = vector.broadcast %add3A_438 : i32 to vector<16xi32>
    %add3A_458 = arith.addi %get3A_456, %add3A_457 : vector<16xi32>
    %swap3A_459 = arith.constant 8 : i32
    %swap3A_460 = arith.index_cast %swap3A_459 : i32 to index
    %swap3A_461 = arith.constant 16 : index
    %swap3A_462 = tpu.vector_load %arg5[%swap3A_460, %swap3A_461] {strides = array<i32>} : memref<24x64xi32, #tpu.memory_space<vmem>>, vector<1x16xi32>,
    %swap3A_463 = vector.shape_cast %swap3A_462 : vector<1x16xi32> to vector<16xi32>
    %swap3A_464 = vector.shape_cast %add3A_458 : vector<16xi32> to vector<1x16xi32>
    tpu.vector_store %arg5[%swap3A_460, %swap3A_461], %swap3A_464 {strides = array<i32>} : memref<24x64xi32, #tpu.memory_space<vmem>>, vector<1x16xi32>,
    %get3A_465 = arith.constant 8 : i32
    %get3A_466 = arith.index_cast %get3A_465 : i32 to index
    %get3A_467 = arith.constant 32 : index
    %get3A_468 = tpu.vector_load %arg5[%get3A_466, %get3A_467] {strides = array<i32>} : memref<24x64xi32, #tpu.memory_space<vmem>>, vector<1x16xi32>,
    %get3A_469 = vector.shape_cast %get3A_468 : vector<1x16xi32> to vector<16xi32>
    %add3A_470 = vector.broadcast %add3A_438 : i32 to vector<16xi32>
    %add3A_471 = arith.addi %get3A_469, %add3A_470 : vector<16xi32>
    %swap3A_472 = arith.constant 8 : i32
    %swap3A_473 = arith.index_cast %swap3A_472 : i32 to index
    %swap3A_474 = arith.constant 32 : index
    %swap3A_475 = tpu.vector_load %arg5[%swap3A_473, %swap3A_474] {strides = array<i32>} : memref<24x64xi32, #tpu.memory_space<vmem>>, vector<1x16xi32>,
    %swap3A_476 = vector.shape_cast %swap3A_475 : vector<1x16xi32> to vector<16xi32>
    %swap3A_477 = vector.shape_cast %add3A_471 : vector<16xi32> to vector<1x16xi32>
    tpu.vector_store %arg5[%swap3A_473, %swap3A_474], %swap3A_477 {strides = array<i32>} : memref<24x64xi32, #tpu.memory_space<vmem>>, vector<1x16xi32>,
    %get3A_478 = arith.constant 8 : i32
    %get3A_479 = arith.index_cast %get3A_478 : i32 to index
    %get3A_480 = arith.constant 48 : index
    %get3A_481 = tpu.vector_load %arg5[%get3A_479, %get3A_480] {strides = array<i32>} : memref<24x64xi32, #tpu.memory_space<vmem>>, vector<1x16xi32>,
    %get3A_482 = vector.shape_cast %get3A_481 : vector<1x16xi32> to vector<16xi32>
    %add3A_483 = vector.broadcast %add3A_438 : i32 to vector<16xi32>
    %add3A_484 = arith.addi %get3A_482, %add3A_483 : vector<16xi32>
    %swap3A_485 = arith.constant 8 : i32
    %swap3A_486 = arith.index_cast %swap3A_485 : i32 to index
    %swap3A_487 = arith.constant 48 : index
    %swap3A_488 = tpu.vector_load %arg5[%swap3A_486, %swap3A_487] {strides = array<i32>} : memref<24x64xi32, #tpu.memory_space<vmem>>, vector<1x16xi32>,
    %swap3A_489 = vector.shape_cast %swap3A_488 : vector<1x16xi32> to vector<16xi32>
    %swap3A_490 = vector.shape_cast %add3A_484 : vector<16xi32> to vector<1x16xi32>
    tpu.vector_store %arg5[%swap3A_486, %swap3A_487], %swap3A_490 {strides = array<i32>} : memref<24x64xi32, #tpu.memory_space<vmem>>, vector<1x16xi32>,
    %add3A_491 = arith.constant 0 : i32
    %add3A_492 = arith.addi %mul3A_6, %add3A_491 : i32
    %get3A_493 = arith.constant 9 : i32
    %get3A_494 = arith.index_cast %get3A_493 : i32 to index
    %get3A_495 = arith.constant 0 : index
    %get3A_496 = tpu.vector_load %arg5[%get3A_494, %get3A_495] {strides = array<i32>} : memref<24x64xi32, #tpu.memory_space<vmem>>, vector<1x16xi32>,
    %get3A_497 = vector.shape_cast %get3A_496 : vector<1x16xi32> to vector<16xi32>
    %add3A_498 = vector.broadcast %add3A_492 : i32 to vector<16xi32>
    %add3A_499 = arith.addi %get3A_497, %add3A_498 : vector<16xi32>
    %swap3A_500 = arith.constant 9 : i32
    %swap3A_501 = arith.index_cast %swap3A_500 : i32 to index
    %swap3A_502 = arith.constant 0 : index
    %swap3A_503 = tpu.vector_load %arg5[%swap3A_501, %swap3A_502] {strides = array<i32>} : memref<24x64xi32, #tpu.memory_space<vmem>>, vector<1x16xi32>,
    %swap3A_504 = vector.shape_cast %swap3A_503 : vector<1x16xi32> to vector<16xi32>
    %swap3A_505 = vector.shape_cast %add3A_499 : vector<16xi32> to vector<1x16xi32>
    tpu.vector_store %arg5[%swap3A_501, %swap3A_502], %swap3A_505 {strides = array<i32>} : memref<24x64xi32, #tpu.memory_space<vmem>>, vector<1x16xi32>,
    %get3A_506 = arith.constant 9 : i32
    %get3A_507 = arith.index_cast %get3A_506 : i32 to index
    %get3A_508 = arith.constant 16 : index
    %get3A_509 = tpu.vector_load %arg5[%get3A_507, %get3A_508] {strides = array<i32>} : memref<24x64xi32, #tpu.memory_space<vmem>>, vector<1x16xi32>,
    %get3A_510 = vector.shape_cast %get3A_509 : vector<1x16xi32> to vector<16xi32>
    %add3A_511 = vector.broadcast %add3A_492 : i32 to vector<16xi32>
    %add3A_512 = arith.addi %get3A_510, %add3A_511 : vector<16xi32>
    %swap3A_513 = arith.constant 9 : i32
    %swap3A_514 = arith.index_cast %swap3A_513 : i32 to index
    %swap3A_515 = arith.constant 16 : index
    %swap3A_516 = tpu.vector_load %arg5[%swap3A_514, %swap3A_515] {strides = array<i32>} : memref<24x64xi32, #tpu.memory_space<vmem>>, vector<1x16xi32>,
    %swap3A_517 = vector.shape_cast %swap3A_516 : vector<1x16xi32> to vector<16xi32>
    %swap3A_518 = vector.shape_cast %add3A_512 : vector<16xi32> to vector<1x16xi32>
    tpu.vector_store %arg5[%swap3A_514, %swap3A_515], %swap3A_518 {strides = array<i32>} : memref<24x64xi32, #tpu.memory_space<vmem>>, vector<1x16xi32>,
    %get3A_519 = arith.constant 9 : i32
    %get3A_520 = arith.index_cast %get3A_519 : i32 to index
    %get3A_521 = arith.constant 32 : index
    %get3A_522 = tpu.vector_load %arg5[%get3A_520, %get3A_521] {strides = array<i32>} : memref<24x64xi32, #tpu.memory_space<vmem>>, vector<1x16xi32>,
    %get3A_523 = vector.shape_cast %get3A_522 : vector<1x16xi32> to vector<16xi32>
    %add3A_524 = vector.broadcast %add3A_492 : i32 to vector<16xi32>
    %add3A_525 = arith.addi %get3A_523, %add3A_524 : vector<16xi32>
    %swap3A_526 = arith.constant 9 : i32
    %swap3A_527 = arith.index_cast %swap3A_526 : i32 to index
    %swap3A_528 = arith.constant 32 : index
    %swap3A_529 = tpu.vector_load %arg5[%swap3A_527, %swap3A_528] {strides = array<i32>} : memref<24x64xi32, #tpu.memory_space<vmem>>, vector<1x16xi32>,
    %swap3A_530 = vector.shape_cast %swap3A_529 : vector<1x16xi32> to vector<16xi32>
    %swap3A_531 = vector.shape_cast %add3A_525 : vector<16xi32> to vector<1x16xi32>
    tpu.vector_store %arg5[%swap3A_527, %swap3A_528], %swap3A_531 {strides = array<i32>} : memref<24x64xi32, #tpu.memory_space<vmem>>, vector<1x16xi32>,
    %get3A_532 = arith.constant 9 : i32
    %get3A_533 = arith.index_cast %get3A_532 : i32 to index
    %get3A_534 = arith.constant 48 : index
    %get3A_535 = tpu.vector_load %arg5[%get3A_533, %get3A_534] {strides = array<i32>} : memref<24x64xi32, #tpu.memory_space<vmem>>, vector<1x16xi32>,
    %get3A_536 = vector.shape_cast %get3A_535 : vector<1x16xi32> to vector<16xi32>
    %add3A_537 = vector.broadcast %add3A_492 : i32 to vector<16xi32>
    %add3A_538 = arith.addi %get3A_536, %add3A_537 : vector<16xi32>
    %swap3A_539 = arith.constant 9 : i32
    %swap3A_540 = arith.index_cast %swap3A_539 : i32 to index
    %swap3A_541 = arith.constant 48 : index
    %swap3A_542 = tpu.vector_load %arg5[%swap3A_540, %swap3A_541] {strides = array<i32>} : memref<24x64xi32, #tpu.memory_space<vmem>>, vector<1x16xi32>,
    %swap3A_543 = vector.shape_cast %swap3A_542 : vector<1x16xi32> to vector<16xi32>
    %swap3A_544 = vector.shape_cast %add3A_538 : vector<16xi32> to vector<1x16xi32>
    tpu.vector_store %arg5[%swap3A_540, %swap3A_541], %swap3A_544 {strides = array<i32>} : memref<24x64xi32, #tpu.memory_space<vmem>>, vector<1x16xi32>,
    %add3A_545 = arith.constant 0 : i32
    %add3A_546 = arith.addi %mul3A_6, %add3A_545 : i32
    %get3A_547 = arith.constant 10 : i32
    %get3A_548 = arith.index_cast %get3A_547 : i32 to index
    %get3A_549 = arith.constant 0 : index
    %get3A_550 = tpu.vector_load %arg5[%get3A_548, %get3A_549] {strides = array<i32>} : memref<24x64xi32, #tpu.memory_space<vmem>>, vector<1x16xi32>,
    %get3A_551 = vector.shape_cast %get3A_550 : vector<1x16xi32> to vector<16xi32>
    %add3A_552 = vector.broadcast %add3A_546 : i32 to vector<16xi32>
    %add3A_553 = arith.addi %get3A_551, %add3A_552 : vector<16xi32>
    %swap3A_554 = arith.constant 10 : i32
    %swap3A_555 = arith.index_cast %swap3A_554 : i32 to index
    %swap3A_556 = arith.constant 0 : index
    %swap3A_557 = tpu.vector_load %arg5[%swap3A_555, %swap3A_556] {strides = array<i32>} : memref<24x64xi32, #tpu.memory_space<vmem>>, vector<1x16xi32>,
    %swap3A_558 = vector.shape_cast %swap3A_557 : vector<1x16xi32> to vector<16xi32>
    %swap3A_559 = vector.shape_cast %add3A_553 : vector<16xi32> to vector<1x16xi32>
    tpu.vector_store %arg5[%swap3A_555, %swap3A_556], %swap3A_559 {strides = array<i32>} : memref<24x64xi32, #tpu.memory_space<vmem>>, vector<1x16xi32>,
    %get3A_560 = arith.constant 10 : i32
    %get3A_561 = arith.index_cast %get3A_560 : i32 to index
    %get3A_562 = arith.constant 16 : index
    %get3A_563 = tpu.vector_load %arg5[%get3A_561, %get3A_562] {strides = array<i32>} : memref<24x64xi32, #tpu.memory_space<vmem>>, vector<1x16xi32>,
    %get3A_564 = vector.shape_cast %get3A_563 : vector<1x16xi32> to vector<16xi32>
    %add3A_565 = vector.broadcast %add3A_546 : i32 to vector<16xi32>
    %add3A_566 = arith.addi %get3A_564, %add3A_565 : vector<16xi32>
    %swap3A_567 = arith.constant 10 : i32
    %swap3A_568 = arith.index_cast %swap3A_567 : i32 to index
    %swap3A_569 = arith.constant 16 : index
    %swap3A_570 = tpu.vector_load %arg5[%swap3A_568, %swap3A_569] {strides = array<i32>} : memref<24x64xi32, #tpu.memory_space<vmem>>, vector<1x16xi32>,
    %swap3A_571 = vector.shape_cast %swap3A_570 : vector<1x16xi32> to vector<16xi32>
    %swap3A_572 = vector.shape_cast %add3A_566 : vector<16xi32> to vector<1x16xi32>
    tpu.vector_store %arg5[%swap3A_568, %swap3A_569], %swap3A_572 {strides = array<i32>} : memref<24x64xi32, #tpu.memory_space<vmem>>, vector<1x16xi32>,
    %get3A_573 = arith.constant 10 : i32
    %get3A_574 = arith.index_cast %get3A_573 : i32 to index
    %get3A_575 = arith.constant 32 : index
    %get3A_576 = tpu.vector_load %arg5[%get3A_574, %get3A_575] {strides = array<i32>} : memref<24x64xi32, #tpu.memory_space<vmem>>, vector<1x16xi32>,
    %get3A_577 = vector.shape_cast %get3A_576 : vector<1x16xi32> to vector<16xi32>
    %add3A_578 = vector.broadcast %add3A_546 : i32 to vector<16xi32>
    %add3A_579 = arith.addi %get3A_577, %add3A_578 : vector<16xi32>
    %swap3A_580 = arith.constant 10 : i32
    %swap3A_581 = arith.index_cast %swap3A_580 : i32 to index
    %swap3A_582 = arith.constant 32 : index
    %swap3A_583 = tpu.vector_load %arg5[%swap3A_581, %swap3A_582] {strides = array<i32>} : memref<24x64xi32, #tpu.memory_space<vmem>>, vector<1x16xi32>,
    %swap3A_584 = vector.shape_cast %swap3A_583 : vector<1x16xi32> to vector<16xi32>
    %swap3A_585 = vector.shape_cast %add3A_579 : vector<16xi32> to vector<1x16xi32>
    tpu.vector_store %arg5[%swap3A_581, %swap3A_582], %swap3A_585 {strides = array<i32>} : memref<24x64xi32, #tpu.memory_space<vmem>>, vector<1x16xi32>,
    %get3A_586 = arith.constant 10 : i32
    %get3A_587 = arith.index_cast %get3A_586 : i32 to index
    %get3A_588 = arith.constant 48 : index
    %get3A_589 = tpu.vector_load %arg5[%get3A_587, %get3A_588] {strides = array<i32>} : memref<24x64xi32, #tpu.memory_space<vmem>>, vector<1x16xi32>,
    %get3A_590 = vector.shape_cast %get3A_589 : vector<1x16xi32> to vector<16xi32>
    %add3A_591 = vector.broadcast %add3A_546 : i32 to vector<16xi32>
    %add3A_592 = arith.addi %get3A_590, %add3A_591 : vector<16xi32>
    %swap3A_593 = arith.constant 10 : i32
    %swap3A_594 = arith.index_cast %swap3A_593 : i32 to index
    %swap3A_595 = arith.constant 48 : index
    %swap3A_596 = tpu.vector_load %arg5[%swap3A_594, %swap3A_595] {strides = array<i32>} : memref<24x64xi32, #tpu.memory_space<vmem>>, vector<1x16xi32>,
    %swap3A_597 = vector.shape_cast %swap3A_596 : vector<1x16xi32> to vector<16xi32>
    %swap3A_598 = vector.shape_cast %add3A_592 : vector<16xi32> to vector<1x16xi32>
    tpu.vector_store %arg5[%swap3A_594, %swap3A_595], %swap3A_598 {strides = array<i32>} : memref<24x64xi32, #tpu.memory_space<vmem>>, vector<1x16xi32>,
    %add3A_599 = arith.constant 0 : i32
    %add3A_600 = arith.addi %mul3A_6, %add3A_599 : i32
    %get3A_601 = arith.constant 11 : i32
    %get3A_602 = arith.index_cast %get3A_601 : i32 to index
    %get3A_603 = arith.constant 0 : index
    %get3A_604 = tpu.vector_load %arg5[%get3A_602, %get3A_603] {strides = array<i32>} : memref<24x64xi32, #tpu.memory_space<vmem>>, vector<1x16xi32>,
    %get3A_605 = vector.shape_cast %get3A_604 : vector<1x16xi32> to vector<16xi32>
    %add3A_606 = vector.broadcast %add3A_600 : i32 to vector<16xi32>
    %add3A_607 = arith.addi %get3A_605, %add3A_606 : vector<16xi32>
    %swap3A_608 = arith.constant 11 : i32
    %swap3A_609 = arith.index_cast %swap3A_608 : i32 to index
    %swap3A_610 = arith.constant 0 : index
    %swap3A_611 = tpu.vector_load %arg5[%swap3A_609, %swap3A_610] {strides = array<i32>} : memref<24x64xi32, #tpu.memory_space<vmem>>, vector<1x16xi32>,
    %swap3A_612 = vector.shape_cast %swap3A_611 : vector<1x16xi32> to vector<16xi32>
    %swap3A_613 = vector.shape_cast %add3A_607 : vector<16xi32> to vector<1x16xi32>
    tpu.vector_store %arg5[%swap3A_609, %swap3A_610], %swap3A_613 {strides = array<i32>} : memref<24x64xi32, #tpu.memory_space<vmem>>, vector<1x16xi32>,
    %get3A_614 = arith.constant 11 : i32
    %get3A_615 = arith.index_cast %get3A_614 : i32 to index
    %get3A_616 = arith.constant 16 : index
    %get3A_617 = tpu.vector_load %arg5[%get3A_615, %get3A_616] {strides = array<i32>} : memref<24x64xi32, #tpu.memory_space<vmem>>, vector<1x16xi32>,
    %get3A_618 = vector.shape_cast %get3A_617 : vector<1x16xi32> to vector<16xi32>
    %add3A_619 = vector.broadcast %add3A_600 : i32 to vector<16xi32>
    %add3A_620 = arith.addi %get3A_618, %add3A_619 : vector<16xi32>
    %swap3A_621 = arith.constant 11 : i32
    %swap3A_622 = arith.index_cast %swap3A_621 : i32 to index
    %swap3A_623 = arith.constant 16 : index
    %swap3A_624 = tpu.vector_load %arg5[%swap3A_622, %swap3A_623] {strides = array<i32>} : memref<24x64xi32, #tpu.memory_space<vmem>>, vector<1x16xi32>,
    %swap3A_625 = vector.shape_cast %swap3A_624 : vector<1x16xi32> to vector<16xi32>
    %swap3A_626 = vector.shape_cast %add3A_620 : vector<16xi32> to vector<1x16xi32>
    tpu.vector_store %arg5[%swap3A_622, %swap3A_623], %swap3A_626 {strides = array<i32>} : memref<24x64xi32, #tpu.memory_space<vmem>>, vector<1x16xi32>,
    %get3A_627 = arith.constant 11 : i32
    %get3A_628 = arith.index_cast %get3A_627 : i32 to index
    %get3A_629 = arith.constant 32 : index
    %get3A_630 = tpu.vector_load %arg5[%get3A_628, %get3A_629] {strides = array<i32>} : memref<24x64xi32, #tpu.memory_space<vmem>>, vector<1x16xi32>,
    %get3A_631 = vector.shape_cast %get3A_630 : vector<1x16xi32> to vector<16xi32>
    %add3A_632 = vector.broadcast %add3A_600 : i32 to vector<16xi32>
    %add3A_633 = arith.addi %get3A_631, %add3A_632 : vector<16xi32>
    %swap3A_634 = arith.constant 11 : i32
    %swap3A_635 = arith.index_cast %swap3A_634 : i32 to index
    %swap3A_636 = arith.constant 32 : index
    %swap3A_637 = tpu.vector_load %arg5[%swap3A_635, %swap3A_636] {strides = array<i32>} : memref<24x64xi32, #tpu.memory_space<vmem>>, vector<1x16xi32>,
    %swap3A_638 = vector.shape_cast %swap3A_637 : vector<1x16xi32> to vector<16xi32>
    %swap3A_639 = vector.shape_cast %add3A_633 : vector<16xi32> to vector<1x16xi32>
    tpu.vector_store %arg5[%swap3A_635, %swap3A_636], %swap3A_639 {strides = array<i32>} : memref<24x64xi32, #tpu.memory_space<vmem>>, vector<1x16xi32>,
    %get3A_640 = arith.constant 11 : i32
    %get3A_641 = arith.index_cast %get3A_640 : i32 to index
    %get3A_642 = arith.constant 48 : index
    %get3A_643 = tpu.vector_load %arg5[%get3A_641, %get3A_642] {strides = array<i32>} : memref<24x64xi32, #tpu.memory_space<vmem>>, vector<1x16xi32>,
    %get3A_644 = vector.shape_cast %get3A_643 : vector<1x16xi32> to vector<16xi32>
    %add3A_645 = vector.broadcast %add3A_600 : i32 to vector<16xi32>
    %add3A_646 = arith.addi %get3A_644, %add3A_645 : vector<16xi32>
    %swap3A_647 = arith.constant 11 : i32
    %swap3A_648 = arith.index_cast %swap3A_647 : i32 to index
    %swap3A_649 = arith.constant 48 : index
    %swap3A_650 = tpu.vector_load %arg5[%swap3A_648, %swap3A_649] {strides = array<i32>} : memref<24x64xi32, #tpu.memory_space<vmem>>, vector<1x16xi32>,
    %swap3A_651 = vector.shape_cast %swap3A_650 : vector<1x16xi32> to vector<16xi32>
    %swap3A_652 = vector.shape_cast %add3A_646 : vector<16xi32> to vector<1x16xi32>
    tpu.vector_store %arg5[%swap3A_648, %swap3A_649], %swap3A_652 {strides = array<i32>} : memref<24x64xi32, #tpu.memory_space<vmem>>, vector<1x16xi32>,
    %add3A_653 = arith.constant 1024 : i32
    %add3A_654 = arith.addi %mul3A_6, %add3A_653 : i32
    %get3A_655 = arith.constant 12 : i32
    %get3A_656 = arith.index_cast %get3A_655 : i32 to index
    %get3A_657 = arith.constant 0 : index
    %get3A_658 = tpu.vector_load %arg5[%get3A_656, %get3A_657] {strides = array<i32>} : memref<24x64xi32, #tpu.memory_space<vmem>>, vector<1x16xi32>,
    %get3A_659 = vector.shape_cast %get3A_658 : vector<1x16xi32> to vector<16xi32>
    %add3A_660 = vector.broadcast %add3A_654 : i32 to vector<16xi32>
    %add3A_661 = arith.addi %get3A_659, %add3A_660 : vector<16xi32>
    %swap3A_662 = arith.constant 12 : i32
    %swap3A_663 = arith.index_cast %swap3A_662 : i32 to index
    %swap3A_664 = arith.constant 0 : index
    %swap3A_665 = tpu.vector_load %arg5[%swap3A_663, %swap3A_664] {strides = array<i32>} : memref<24x64xi32, #tpu.memory_space<vmem>>, vector<1x16xi32>,
    %swap3A_666 = vector.shape_cast %swap3A_665 : vector<1x16xi32> to vector<16xi32>
    %swap3A_667 = vector.shape_cast %add3A_661 : vector<16xi32> to vector<1x16xi32>
    tpu.vector_store %arg5[%swap3A_663, %swap3A_664], %swap3A_667 {strides = array<i32>} : memref<24x64xi32, #tpu.memory_space<vmem>>, vector<1x16xi32>,
    %get3A_668 = arith.constant 12 : i32
    %get3A_669 = arith.index_cast %get3A_668 : i32 to index
    %get3A_670 = arith.constant 16 : index
    %get3A_671 = tpu.vector_load %arg5[%get3A_669, %get3A_670] {strides = array<i32>} : memref<24x64xi32, #tpu.memory_space<vmem>>, vector<1x16xi32>,
    %get3A_672 = vector.shape_cast %get3A_671 : vector<1x16xi32> to vector<16xi32>
    %add3A_673 = vector.broadcast %add3A_654 : i32 to vector<16xi32>
    %add3A_674 = arith.addi %get3A_672, %add3A_673 : vector<16xi32>
    %swap3A_675 = arith.constant 12 : i32
    %swap3A_676 = arith.index_cast %swap3A_675 : i32 to index
    %swap3A_677 = arith.constant 16 : index
    %swap3A_678 = tpu.vector_load %arg5[%swap3A_676, %swap3A_677] {strides = array<i32>} : memref<24x64xi32, #tpu.memory_space<vmem>>, vector<1x16xi32>,
    %swap3A_679 = vector.shape_cast %swap3A_678 : vector<1x16xi32> to vector<16xi32>
    %swap3A_680 = vector.shape_cast %add3A_674 : vector<16xi32> to vector<1x16xi32>
    tpu.vector_store %arg5[%swap3A_676, %swap3A_677], %swap3A_680 {strides = array<i32>} : memref<24x64xi32, #tpu.memory_space<vmem>>, vector<1x16xi32>,
    %get3A_681 = arith.constant 12 : i32
    %get3A_682 = arith.index_cast %get3A_681 : i32 to index
    %get3A_683 = arith.constant 32 : index
    %get3A_684 = tpu.vector_load %arg5[%get3A_682, %get3A_683] {strides = array<i32>} : memref<24x64xi32, #tpu.memory_space<vmem>>, vector<1x16xi32>,
    %get3A_685 = vector.shape_cast %get3A_684 : vector<1x16xi32> to vector<16xi32>
    %add3A_686 = vector.broadcast %add3A_654 : i32 to vector<16xi32>
    %add3A_687 = arith.addi %get3A_685, %add3A_686 : vector<16xi32>
    %swap3A_688 = arith.constant 12 : i32
    %swap3A_689 = arith.index_cast %swap3A_688 : i32 to index
    %swap3A_690 = arith.constant 32 : index
    %swap3A_691 = tpu.vector_load %arg5[%swap3A_689, %swap3A_690] {strides = array<i32>} : memref<24x64xi32, #tpu.memory_space<vmem>>, vector<1x16xi32>,
    %swap3A_692 = vector.shape_cast %swap3A_691 : vector<1x16xi32> to vector<16xi32>
    %swap3A_693 = vector.shape_cast %add3A_687 : vector<16xi32> to vector<1x16xi32>
    tpu.vector_store %arg5[%swap3A_689, %swap3A_690], %swap3A_693 {strides = array<i32>} : memref<24x64xi32, #tpu.memory_space<vmem>>, vector<1x16xi32>,
    %get3A_694 = arith.constant 12 : i32
    %get3A_695 = arith.index_cast %get3A_694 : i32 to index
    %get3A_696 = arith.constant 48 : index
    %get3A_697 = tpu.vector_load %arg5[%get3A_695, %get3A_696] {strides = array<i32>} : memref<24x64xi32, #tpu.memory_space<vmem>>, vector<1x16xi32>,
    %get3A_698 = vector.shape_cast %get3A_697 : vector<1x16xi32> to vector<16xi32>
    %add3A_699 = vector.broadcast %add3A_654 : i32 to vector<16xi32>
    %add3A_700 = arith.addi %get3A_698, %add3A_699 : vector<16xi32>
    %swap3A_701 = arith.constant 12 : i32
    %swap3A_702 = arith.index_cast %swap3A_701 : i32 to index
    %swap3A_703 = arith.constant 48 : index
    %swap3A_704 = tpu.vector_load %arg5[%swap3A_702, %swap3A_703] {strides = array<i32>} : memref<24x64xi32, #tpu.memory_space<vmem>>, vector<1x16xi32>,
    %swap3A_705 = vector.shape_cast %swap3A_704 : vector<1x16xi32> to vector<16xi32>
    %swap3A_706 = vector.shape_cast %add3A_700 : vector<16xi32> to vector<1x16xi32>
    tpu.vector_store %arg5[%swap3A_702, %swap3A_703], %swap3A_706 {strides = array<i32>} : memref<24x64xi32, #tpu.memory_space<vmem>>, vector<1x16xi32>,
    %add3A_707 = arith.constant 1024 : i32
    %add3A_708 = arith.addi %mul3A_6, %add3A_707 : i32
    %get3A_709 = arith.constant 13 : i32
    %get3A_710 = arith.index_cast %get3A_709 : i32 to index
    %get3A_711 = arith.constant 0 : index
    %get3A_712 = tpu.vector_load %arg5[%get3A_710, %get3A_711] {strides = array<i32>} : memref<24x64xi32, #tpu.memory_space<vmem>>, vector<1x16xi32>,
    %get3A_713 = vector.shape_cast %get3A_712 : vector<1x16xi32> to vector<16xi32>
    %add3A_714 = vector.broadcast %add3A_708 : i32 to vector<16xi32>
    %add3A_715 = arith.addi %get3A_713, %add3A_714 : vector<16xi32>
    %swap3A_716 = arith.constant 13 : i32
    %swap3A_717 = arith.index_cast %swap3A_716 : i32 to index
    %swap3A_718 = arith.constant 0 : index
    %swap3A_719 = tpu.vector_load %arg5[%swap3A_717, %swap3A_718] {strides = array<i32>} : memref<24x64xi32, #tpu.memory_space<vmem>>, vector<1x16xi32>,
    %swap3A_720 = vector.shape_cast %swap3A_719 : vector<1x16xi32> to vector<16xi32>
    %swap3A_721 = vector.shape_cast %add3A_715 : vector<16xi32> to vector<1x16xi32>
    tpu.vector_store %arg5[%swap3A_717, %swap3A_718], %swap3A_721 {strides = array<i32>} : memref<24x64xi32, #tpu.memory_space<vmem>>, vector<1x16xi32>,
    %get3A_722 = arith.constant 13 : i32
    %get3A_723 = arith.index_cast %get3A_722 : i32 to index
    %get3A_724 = arith.constant 16 : index
    %get3A_725 = tpu.vector_load %arg5[%get3A_723, %get3A_724] {strides = array<i32>} : memref<24x64xi32, #tpu.memory_space<vmem>>, vector<1x16xi32>,
    %get3A_726 = vector.shape_cast %get3A_725 : vector<1x16xi32> to vector<16xi32>
    %add3A_727 = vector.broadcast %add3A_708 : i32 to vector<16xi32>
    %add3A_728 = arith.addi %get3A_726, %add3A_727 : vector<16xi32>
    %swap3A_729 = arith.constant 13 : i32
    %swap3A_730 = arith.index_cast %swap3A_729 : i32 to index
    %swap3A_731 = arith.constant 16 : index
    %swap3A_732 = tpu.vector_load %arg5[%swap3A_730, %swap3A_731] {strides = array<i32>} : memref<24x64xi32, #tpu.memory_space<vmem>>, vector<1x16xi32>,
    %swap3A_733 = vector.shape_cast %swap3A_732 : vector<1x16xi32> to vector<16xi32>
    %swap3A_734 = vector.shape_cast %add3A_728 : vector<16xi32> to vector<1x16xi32>
    tpu.vector_store %arg5[%swap3A_730, %swap3A_731], %swap3A_734 {strides = array<i32>} : memref<24x64xi32, #tpu.memory_space<vmem>>, vector<1x16xi32>,
    %get3A_735 = arith.constant 13 : i32
    %get3A_736 = arith.index_cast %get3A_735 : i32 to index
    %get3A_737 = arith.constant 32 : index
    %get3A_738 = tpu.vector_load %arg5[%get3A_736, %get3A_737] {strides = array<i32>} : memref<24x64xi32, #tpu.memory_space<vmem>>, vector<1x16xi32>,
    %get3A_739 = vector.shape_cast %get3A_738 : vector<1x16xi32> to vector<16xi32>
    %add3A_740 = vector.broadcast %add3A_708 : i32 to vector<16xi32>
    %add3A_741 = arith.addi %get3A_739, %add3A_740 : vector<16xi32>
    %swap3A_742 = arith.constant 13 : i32
    %swap3A_743 = arith.index_cast %swap3A_742 : i32 to index
    %swap3A_744 = arith.constant 32 : index
    %swap3A_745 = tpu.vector_load %arg5[%swap3A_743, %swap3A_744] {strides = array<i32>} : memref<24x64xi32, #tpu.memory_space<vmem>>, vector<1x16xi32>,
    %swap3A_746 = vector.shape_cast %swap3A_745 : vector<1x16xi32> to vector<16xi32>
    %swap3A_747 = vector.shape_cast %add3A_741 : vector<16xi32> to vector<1x16xi32>
    tpu.vector_store %arg5[%swap3A_743, %swap3A_744], %swap3A_747 {strides = array<i32>} : memref<24x64xi32, #tpu.memory_space<vmem>>, vector<1x16xi32>,
    %get3A_748 = arith.constant 13 : i32
    %get3A_749 = arith.index_cast %get3A_748 : i32 to index
    %get3A_750 = arith.constant 48 : index
    %get3A_751 = tpu.vector_load %arg5[%get3A_749, %get3A_750] {strides = array<i32>} : memref<24x64xi32, #tpu.memory_space<vmem>>, vector<1x16xi32>,
    %get3A_752 = vector.shape_cast %get3A_751 : vector<1x16xi32> to vector<16xi32>
    %add3A_753 = vector.broadcast %add3A_708 : i32 to vector<16xi32>
    %add3A_754 = arith.addi %get3A_752, %add3A_753 : vector<16xi32>
    %swap3A_755 = arith.constant 13 : i32
    %swap3A_756 = arith.index_cast %swap3A_755 : i32 to index
    %swap3A_757 = arith.constant 48 : index
    %swap3A_758 = tpu.vector_load %arg5[%swap3A_756, %swap3A_757] {strides = array<i32>} : memref<24x64xi32, #tpu.memory_space<vmem>>, vector<1x16xi32>,
    %swap3A_759 = vector.shape_cast %swap3A_758 : vector<1x16xi32> to vector<16xi32>
    %swap3A_760 = vector.shape_cast %add3A_754 : vector<16xi32> to vector<1x16xi32>
    tpu.vector_store %arg5[%swap3A_756, %swap3A_757], %swap3A_760 {strides = array<i32>} : memref<24x64xi32, #tpu.memory_space<vmem>>, vector<1x16xi32>,
    %add3A_761 = arith.constant 1024 : i32
    %add3A_762 = arith.addi %mul3A_6, %add3A_761 : i32
    %get3A_763 = arith.constant 14 : i32
    %get3A_764 = arith.index_cast %get3A_763 : i32 to index
    %get3A_765 = arith.constant 0 : index
    %get3A_766 = tpu.vector_load %arg5[%get3A_764, %get3A_765] {strides = array<i32>} : memref<24x64xi32, #tpu.memory_space<vmem>>, vector<1x16xi32>,
    %get3A_767 = vector.shape_cast %get3A_766 : vector<1x16xi32> to vector<16xi32>
    %add3A_768 = vector.broadcast %add3A_762 : i32 to vector<16xi32>
    %add3A_769 = arith.addi %get3A_767, %add3A_768 : vector<16xi32>
    %swap3A_770 = arith.constant 14 : i32
    %swap3A_771 = arith.index_cast %swap3A_770 : i32 to index
    %swap3A_772 = arith.constant 0 : index
    %swap3A_773 = tpu.vector_load %arg5[%swap3A_771, %swap3A_772] {strides = array<i32>} : memref<24x64xi32, #tpu.memory_space<vmem>>, vector<1x16xi32>,
    %swap3A_774 = vector.shape_cast %swap3A_773 : vector<1x16xi32> to vector<16xi32>
    %swap3A_775 = vector.shape_cast %add3A_769 : vector<16xi32> to vector<1x16xi32>
    tpu.vector_store %arg5[%swap3A_771, %swap3A_772], %swap3A_775 {strides = array<i32>} : memref<24x64xi32, #tpu.memory_space<vmem>>, vector<1x16xi32>,
    %get3A_776 = arith.constant 14 : i32
    %get3A_777 = arith.index_cast %get3A_776 : i32 to index
    %get3A_778 = arith.constant 16 : index
    %get3A_779 = tpu.vector_load %arg5[%get3A_777, %get3A_778] {strides = array<i32>} : memref<24x64xi32, #tpu.memory_space<vmem>>, vector<1x16xi32>,
    %get3A_780 = vector.shape_cast %get3A_779 : vector<1x16xi32> to vector<16xi32>
    %add3A_781 = vector.broadcast %add3A_762 : i32 to vector<16xi32>
    %add3A_782 = arith.addi %get3A_780, %add3A_781 : vector<16xi32>
    %swap3A_783 = arith.constant 14 : i32
    %swap3A_784 = arith.index_cast %swap3A_783 : i32 to index
    %swap3A_785 = arith.constant 16 : index
    %swap3A_786 = tpu.vector_load %arg5[%swap3A_784, %swap3A_785] {strides = array<i32>} : memref<24x64xi32, #tpu.memory_space<vmem>>, vector<1x16xi32>,
    %swap3A_787 = vector.shape_cast %swap3A_786 : vector<1x16xi32> to vector<16xi32>
    %swap3A_788 = vector.shape_cast %add3A_782 : vector<16xi32> to vector<1x16xi32>
    tpu.vector_store %arg5[%swap3A_784, %swap3A_785], %swap3A_788 {strides = array<i32>} : memref<24x64xi32, #tpu.memory_space<vmem>>, vector<1x16xi32>,
    %get3A_789 = arith.constant 14 : i32
    %get3A_790 = arith.index_cast %get3A_789 : i32 to index
    %get3A_791 = arith.constant 32 : index
    %get3A_792 = tpu.vector_load %arg5[%get3A_790, %get3A_791] {strides = array<i32>} : memref<24x64xi32, #tpu.memory_space<vmem>>, vector<1x16xi32>,
    %get3A_793 = vector.shape_cast %get3A_792 : vector<1x16xi32> to vector<16xi32>
    %add3A_794 = vector.broadcast %add3A_762 : i32 to vector<16xi32>
    %add3A_795 = arith.addi %get3A_793, %add3A_794 : vector<16xi32>
    %swap3A_796 = arith.constant 14 : i32
    %swap3A_797 = arith.index_cast %swap3A_796 : i32 to index
    %swap3A_798 = arith.constant 32 : index
    %swap3A_799 = tpu.vector_load %arg5[%swap3A_797, %swap3A_798] {strides = array<i32>} : memref<24x64xi32, #tpu.memory_space<vmem>>, vector<1x16xi32>,
    %swap3A_800 = vector.shape_cast %swap3A_799 : vector<1x16xi32> to vector<16xi32>
    %swap3A_801 = vector.shape_cast %add3A_795 : vector<16xi32> to vector<1x16xi32>
    tpu.vector_store %arg5[%swap3A_797, %swap3A_798], %swap3A_801 {strides = array<i32>} : memref<24x64xi32, #tpu.memory_space<vmem>>, vector<1x16xi32>,
    %get3A_802 = arith.constant 14 : i32
    %get3A_803 = arith.index_cast %get3A_802 : i32 to index
    %get3A_804 = arith.constant 48 : index
    %get3A_805 = tpu.vector_load %arg5[%get3A_803, %get3A_804] {strides = array<i32>} : memref<24x64xi32, #tpu.memory_space<vmem>>, vector<1x16xi32>,
    %get3A_806 = vector.shape_cast %get3A_805 : vector<1x16xi32> to vector<16xi32>
    %add3A_807 = vector.broadcast %add3A_762 : i32 to vector<16xi32>
    %add3A_808 = arith.addi %get3A_806, %add3A_807 : vector<16xi32>
    %swap3A_809 = arith.constant 14 : i32
    %swap3A_810 = arith.index_cast %swap3A_809 : i32 to index
    %swap3A_811 = arith.constant 48 : index
    %swap3A_812 = tpu.vector_load %arg5[%swap3A_810, %swap3A_811] {strides = array<i32>} : memref<24x64xi32, #tpu.memory_space<vmem>>, vector<1x16xi32>,
    %swap3A_813 = vector.shape_cast %swap3A_812 : vector<1x16xi32> to vector<16xi32>
    %swap3A_814 = vector.shape_cast %add3A_808 : vector<16xi32> to vector<1x16xi32>
    tpu.vector_store %arg5[%swap3A_810, %swap3A_811], %swap3A_814 {strides = array<i32>} : memref<24x64xi32, #tpu.memory_space<vmem>>, vector<1x16xi32>,
    %add3A_815 = arith.constant 1024 : i32
    %add3A_816 = arith.addi %mul3A_6, %add3A_815 : i32
    %get3A_817 = arith.constant 15 : i32
    %get3A_818 = arith.index_cast %get3A_817 : i32 to index
    %get3A_819 = arith.constant 0 : index
    %get3A_820 = tpu.vector_load %arg5[%get3A_818, %get3A_819] {strides = array<i32>} : memref<24x64xi32, #tpu.memory_space<vmem>>, vector<1x16xi32>,
    %get3A_821 = vector.shape_cast %get3A_820 : vector<1x16xi32> to vector<16xi32>
    %add3A_822 = vector.broadcast %add3A_816 : i32 to vector<16xi32>
    %add3A_823 = arith.addi %get3A_821, %add3A_822 : vector<16xi32>
    %swap3A_824 = arith.constant 15 : i32
    %swap3A_825 = arith.index_cast %swap3A_824 : i32 to index
    %swap3A_826 = arith.constant 0 : index
    %swap3A_827 = tpu.vector_load %arg5[%swap3A_825, %swap3A_826] {strides = array<i32>} : memref<24x64xi32, #tpu.memory_space<vmem>>, vector<1x16xi32>,
    %swap3A_828 = vector.shape_cast %swap3A_827 : vector<1x16xi32> to vector<16xi32>
    %swap3A_829 = vector.shape_cast %add3A_823 : vector<16xi32> to vector<1x16xi32>
    tpu.vector_store %arg5[%swap3A_825, %swap3A_826], %swap3A_829 {strides = array<i32>} : memref<24x64xi32, #tpu.memory_space<vmem>>, vector<1x16xi32>,
    %get3A_830 = arith.constant 15 : i32
    %get3A_831 = arith.index_cast %get3A_830 : i32 to index
    %get3A_832 = arith.constant 16 : index
    %get3A_833 = tpu.vector_load %arg5[%get3A_831, %get3A_832] {strides = array<i32>} : memref<24x64xi32, #tpu.memory_space<vmem>>, vector<1x16xi32>,
    %get3A_834 = vector.shape_cast %get3A_833 : vector<1x16xi32> to vector<16xi32>
    %add3A_835 = vector.broadcast %add3A_816 : i32 to vector<16xi32>
    %add3A_836 = arith.addi %get3A_834, %add3A_835 : vector<16xi32>
    %swap3A_837 = arith.constant 15 : i32
    %swap3A_838 = arith.index_cast %swap3A_837 : i32 to index
    %swap3A_839 = arith.constant 16 : index
    %swap3A_840 = tpu.vector_load %arg5[%swap3A_838, %swap3A_839] {strides = array<i32>} : memref<24x64xi32, #tpu.memory_space<vmem>>, vector<1x16xi32>,
    %swap3A_841 = vector.shape_cast %swap3A_840 : vector<1x16xi32> to vector<16xi32>
    %swap3A_842 = vector.shape_cast %add3A_836 : vector<16xi32> to vector<1x16xi32>
    tpu.vector_store %arg5[%swap3A_838, %swap3A_839], %swap3A_842 {strides = array<i32>} : memref<24x64xi32, #tpu.memory_space<vmem>>, vector<1x16xi32>,
    %get3A_843 = arith.constant 15 : i32
    %get3A_844 = arith.index_cast %get3A_843 : i32 to index
    %get3A_845 = arith.constant 32 : index
    %get3A_846 = tpu.vector_load %arg5[%get3A_844, %get3A_845] {strides = array<i32>} : memref<24x64xi32, #tpu.memory_space<vmem>>, vector<1x16xi32>,
    %get3A_847 = vector.shape_cast %get3A_846 : vector<1x16xi32> to vector<16xi32>
    %add3A_848 = vector.broadcast %add3A_816 : i32 to vector<16xi32>
    %add3A_849 = arith.addi %get3A_847, %add3A_848 : vector<16xi32>
    %swap3A_850 = arith.constant 15 : i32
    %swap3A_851 = arith.index_cast %swap3A_850 : i32 to index
    %swap3A_852 = arith.constant 32 : index
    %swap3A_853 = tpu.vector_load %arg5[%swap3A_851, %swap3A_852] {strides = array<i32>} : memref<24x64xi32, #tpu.memory_space<vmem>>, vector<1x16xi32>,
    %swap3A_854 = vector.shape_cast %swap3A_853 : vector<1x16xi32> to vector<16xi32>
    %swap3A_855 = vector.shape_cast %add3A_849 : vector<16xi32> to vector<1x16xi32>
    tpu.vector_store %arg5[%swap3A_851, %swap3A_852], %swap3A_855 {strides = array<i32>} : memref<24x64xi32, #tpu.memory_space<vmem>>, vector<1x16xi32>,
    %get3A_856 = arith.constant 15 : i32
    %get3A_857 = arith.index_cast %get3A_856 : i32 to index
    %get3A_858 = arith.constant 48 : index
    %get3A_859 = tpu.vector_load %arg5[%get3A_857, %get3A_858] {strides = array<i32>} : memref<24x64xi32, #tpu.memory_space<vmem>>, vector<1x16xi32>,
    %get3A_860 = vector.shape_cast %get3A_859 : vector<1x16xi32> to vector<16xi32>
    %add3A_861 = vector.broadcast %add3A_816 : i32 to vector<16xi32>
    %add3A_862 = arith.addi %get3A_860, %add3A_861 : vector<16xi32>
    %swap3A_863 = arith.constant 15 : i32
    %swap3A_864 = arith.index_cast %swap3A_863 : i32 to index
    %swap3A_865 = arith.constant 48 : index
    %swap3A_866 = tpu.vector_load %arg5[%swap3A_864, %swap3A_865] {strides = array<i32>} : memref<24x64xi32, #tpu.memory_space<vmem>>, vector<1x16xi32>,
    %swap3A_867 = vector.shape_cast %swap3A_866 : vector<1x16xi32> to vector<16xi32>
    %swap3A_868 = vector.shape_cast %add3A_862 : vector<16xi32> to vector<1x16xi32>
    tpu.vector_store %arg5[%swap3A_864, %swap3A_865], %swap3A_868 {strides = array<i32>} : memref<24x64xi32, #tpu.memory_space<vmem>>, vector<1x16xi32>,
    %add3A_869 = arith.constant 1024 : i32
    %add3A_870 = arith.addi %mul3A_6, %add3A_869 : i32
    %get3A_871 = arith.constant 16 : i32
    %get3A_872 = arith.index_cast %get3A_871 : i32 to index
    %get3A_873 = arith.constant 0 : index
    %get3A_874 = tpu.vector_load %arg5[%get3A_872, %get3A_873] {strides = array<i32>} : memref<24x64xi32, #tpu.memory_space<vmem>>, vector<1x16xi32>,
    %get3A_875 = vector.shape_cast %get3A_874 : vector<1x16xi32> to vector<16xi32>
    %add3A_876 = vector.broadcast %add3A_870 : i32 to vector<16xi32>
    %add3A_877 = arith.addi %get3A_875, %add3A_876 : vector<16xi32>
    %swap3A_878 = arith.constant 16 : i32
    %swap3A_879 = arith.index_cast %swap3A_878 : i32 to index
    %swap3A_880 = arith.constant 0 : index
    %swap3A_881 = tpu.vector_load %arg5[%swap3A_879, %swap3A_880] {strides = array<i32>} : memref<24x64xi32, #tpu.memory_space<vmem>>, vector<1x16xi32>,
    %swap3A_882 = vector.shape_cast %swap3A_881 : vector<1x16xi32> to vector<16xi32>
    %swap3A_883 = vector.shape_cast %add3A_877 : vector<16xi32> to vector<1x16xi32>
    tpu.vector_store %arg5[%swap3A_879, %swap3A_880], %swap3A_883 {strides = array<i32>} : memref<24x64xi32, #tpu.memory_space<vmem>>, vector<1x16xi32>,
    %get3A_884 = arith.constant 16 : i32
    %get3A_885 = arith.index_cast %get3A_884 : i32 to index
    %get3A_886 = arith.constant 16 : index
    %get3A_887 = tpu.vector_load %arg5[%get3A_885, %get3A_886] {strides = array<i32>} : memref<24x64xi32, #tpu.memory_space<vmem>>, vector<1x16xi32>,
    %get3A_888 = vector.shape_cast %get3A_887 : vector<1x16xi32> to vector<16xi32>
    %add3A_889 = vector.broadcast %add3A_870 : i32 to vector<16xi32>
    %add3A_890 = arith.addi %get3A_888, %add3A_889 : vector<16xi32>
    %swap3A_891 = arith.constant 16 : i32
    %swap3A_892 = arith.index_cast %swap3A_891 : i32 to index
    %swap3A_893 = arith.constant 16 : index
    %swap3A_894 = tpu.vector_load %arg5[%swap3A_892, %swap3A_893] {strides = array<i32>} : memref<24x64xi32, #tpu.memory_space<vmem>>, vector<1x16xi32>,
    %swap3A_895 = vector.shape_cast %swap3A_894 : vector<1x16xi32> to vector<16xi32>
    %swap3A_896 = vector.shape_cast %add3A_890 : vector<16xi32> to vector<1x16xi32>
    tpu.vector_store %arg5[%swap3A_892, %swap3A_893], %swap3A_896 {strides = array<i32>} : memref<24x64xi32, #tpu.memory_space<vmem>>, vector<1x16xi32>,
    %get3A_897 = arith.constant 16 : i32
    %get3A_898 = arith.index_cast %get3A_897 : i32 to index
    %get3A_899 = arith.constant 32 : index
    %get3A_900 = tpu.vector_load %arg5[%get3A_898, %get3A_899] {strides = array<i32>} : memref<24x64xi32, #tpu.memory_space<vmem>>, vector<1x16xi32>,
    %get3A_901 = vector.shape_cast %get3A_900 : vector<1x16xi32> to vector<16xi32>
    %add3A_902 = vector.broadcast %add3A_870 : i32 to vector<16xi32>
    %add3A_903 = arith.addi %get3A_901, %add3A_902 : vector<16xi32>
    %swap3A_904 = arith.constant 16 : i32
    %swap3A_905 = arith.index_cast %swap3A_904 : i32 to index
    %swap3A_906 = arith.constant 32 : index
    %swap3A_907 = tpu.vector_load %arg5[%swap3A_905, %swap3A_906] {strides = array<i32>} : memref<24x64xi32, #tpu.memory_space<vmem>>, vector<1x16xi32>,
    %swap3A_908 = vector.shape_cast %swap3A_907 : vector<1x16xi32> to vector<16xi32>
    %swap3A_909 = vector.shape_cast %add3A_903 : vector<16xi32> to vector<1x16xi32>
    tpu.vector_store %arg5[%swap3A_905, %swap3A_906], %swap3A_909 {strides = array<i32>} : memref<24x64xi32, #tpu.memory_space<vmem>>, vector<1x16xi32>,
    %get3A_910 = arith.constant 16 : i32
    %get3A_911 = arith.index_cast %get3A_910 : i32 to index
    %get3A_912 = arith.constant 48 : index
    %get3A_913 = tpu.vector_load %arg5[%get3A_911, %get3A_912] {strides = array<i32>} : memref<24x64xi32, #tpu.memory_space<vmem>>, vector<1x16xi32>,
    %get3A_914 = vector.shape_cast %get3A_913 : vector<1x16xi32> to vector<16xi32>
    %add3A_915 = vector.broadcast %add3A_870 : i32 to vector<16xi32>
    %add3A_916 = arith.addi %get3A_914, %add3A_915 : vector<16xi32>
    %swap3A_917 = arith.constant 16 : i32
    %swap3A_918 = arith.index_cast %swap3A_917 : i32 to index
    %swap3A_919 = arith.constant 48 : index
    %swap3A_920 = tpu.vector_load %arg5[%swap3A_918, %swap3A_919] {strides = array<i32>} : memref<24x64xi32, #tpu.memory_space<vmem>>, vector<1x16xi32>,
    %swap3A_921 = vector.shape_cast %swap3A_920 : vector<1x16xi32> to vector<16xi32>
    %swap3A_922 = vector.shape_cast %add3A_916 : vector<16xi32> to vector<1x16xi32>
    tpu.vector_store %arg5[%swap3A_918, %swap3A_919], %swap3A_922 {strides = array<i32>} : memref<24x64xi32, #tpu.memory_space<vmem>>, vector<1x16xi32>,
    %add3A_923 = arith.constant 1024 : i32
    %add3A_924 = arith.addi %mul3A_6, %add3A_923 : i32
    %get3A_925 = arith.constant 17 : i32
    %get3A_926 = arith.index_cast %get3A_925 : i32 to index
    %get3A_927 = arith.constant 0 : index
    %get3A_928 = tpu.vector_load %arg5[%get3A_926, %get3A_927] {strides = array<i32>} : memref<24x64xi32, #tpu.memory_space<vmem>>, vector<1x16xi32>,
    %get3A_929 = vector.shape_cast %get3A_928 : vector<1x16xi32> to vector<16xi32>
    %add3A_930 = vector.broadcast %add3A_924 : i32 to vector<16xi32>
    %add3A_931 = arith.addi %get3A_929, %add3A_930 : vector<16xi32>
    %swap3A_932 = arith.constant 17 : i32
    %swap3A_933 = arith.index_cast %swap3A_932 : i32 to index
    %swap3A_934 = arith.constant 0 : index
    %swap3A_935 = tpu.vector_load %arg5[%swap3A_933, %swap3A_934] {strides = array<i32>} : memref<24x64xi32, #tpu.memory_space<vmem>>, vector<1x16xi32>,
    %swap3A_936 = vector.shape_cast %swap3A_935 : vector<1x16xi32> to vector<16xi32>
    %swap3A_937 = vector.shape_cast %add3A_931 : vector<16xi32> to vector<1x16xi32>
    tpu.vector_store %arg5[%swap3A_933, %swap3A_934], %swap3A_937 {strides = array<i32>} : memref<24x64xi32, #tpu.memory_space<vmem>>, vector<1x16xi32>,
    %get3A_938 = arith.constant 17 : i32
    %get3A_939 = arith.index_cast %get3A_938 : i32 to index
    %get3A_940 = arith.constant 16 : index
    %get3A_941 = tpu.vector_load %arg5[%get3A_939, %get3A_940] {strides = array<i32>} : memref<24x64xi32, #tpu.memory_space<vmem>>, vector<1x16xi32>,
    %get3A_942 = vector.shape_cast %get3A_941 : vector<1x16xi32> to vector<16xi32>
    %add3A_943 = vector.broadcast %add3A_924 : i32 to vector<16xi32>
    %add3A_944 = arith.addi %get3A_942, %add3A_943 : vector<16xi32>
    %swap3A_945 = arith.constant 17 : i32
    %swap3A_946 = arith.index_cast %swap3A_945 : i32 to index
    %swap3A_947 = arith.constant 16 : index
    %swap3A_948 = tpu.vector_load %arg5[%swap3A_946, %swap3A_947] {strides = array<i32>} : memref<24x64xi32, #tpu.memory_space<vmem>>, vector<1x16xi32>,
    %swap3A_949 = vector.shape_cast %swap3A_948 : vector<1x16xi32> to vector<16xi32>
    %swap3A_950 = vector.shape_cast %add3A_944 : vector<16xi32> to vector<1x16xi32>
    tpu.vector_store %arg5[%swap3A_946, %swap3A_947], %swap3A_950 {strides = array<i32>} : memref<24x64xi32, #tpu.memory_space<vmem>>, vector<1x16xi32>,
    %get3A_951 = arith.constant 17 : i32
    %get3A_952 = arith.index_cast %get3A_951 : i32 to index
    %get3A_953 = arith.constant 32 : index
    %get3A_954 = tpu.vector_load %arg5[%get3A_952, %get3A_953] {strides = array<i32>} : memref<24x64xi32, #tpu.memory_space<vmem>>, vector<1x16xi32>,
    %get3A_955 = vector.shape_cast %get3A_954 : vector<1x16xi32> to vector<16xi32>
    %add3A_956 = vector.broadcast %add3A_924 : i32 to vector<16xi32>
    %add3A_957 = arith.addi %get3A_955, %add3A_956 : vector<16xi32>
    %swap3A_958 = arith.constant 17 : i32
    %swap3A_959 = arith.index_cast %swap3A_958 : i32 to index
    %swap3A_960 = arith.constant 32 : index
    %swap3A_961 = tpu.vector_load %arg5[%swap3A_959, %swap3A_960] {strides = array<i32>} : memref<24x64xi32, #tpu.memory_space<vmem>>, vector<1x16xi32>,
    %swap3A_962 = vector.shape_cast %swap3A_961 : vector<1x16xi32> to vector<16xi32>
    %swap3A_963 = vector.shape_cast %add3A_957 : vector<16xi32> to vector<1x16xi32>
    tpu.vector_store %arg5[%swap3A_959, %swap3A_960], %swap3A_963 {strides = array<i32>} : memref<24x64xi32, #tpu.memory_space<vmem>>, vector<1x16xi32>,
    %get3A_964 = arith.constant 17 : i32
    %get3A_965 = arith.index_cast %get3A_964 : i32 to index
    %get3A_966 = arith.constant 48 : index
    %get3A_967 = tpu.vector_load %arg5[%get3A_965, %get3A_966] {strides = array<i32>} : memref<24x64xi32, #tpu.memory_space<vmem>>, vector<1x16xi32>,
    %get3A_968 = vector.shape_cast %get3A_967 : vector<1x16xi32> to vector<16xi32>
    %add3A_969 = vector.broadcast %add3A_924 : i32 to vector<16xi32>
    %add3A_970 = arith.addi %get3A_968, %add3A_969 : vector<16xi32>
    %swap3A_971 = arith.constant 17 : i32
    %swap3A_972 = arith.index_cast %swap3A_971 : i32 to index
    %swap3A_973 = arith.constant 48 : index
    %swap3A_974 = tpu.vector_load %arg5[%swap3A_972, %swap3A_973] {strides = array<i32>} : memref<24x64xi32, #tpu.memory_space<vmem>>, vector<1x16xi32>,
    %swap3A_975 = vector.shape_cast %swap3A_974 : vector<1x16xi32> to vector<16xi32>
    %swap3A_976 = vector.shape_cast %add3A_970 : vector<16xi32> to vector<1x16xi32>
    tpu.vector_store %arg5[%swap3A_972, %swap3A_973], %swap3A_976 {strides = array<i32>} : memref<24x64xi32, #tpu.memory_space<vmem>>, vector<1x16xi32>,
    %add3A_977 = arith.constant 1024 : i32
    %add3A_978 = arith.addi %mul3A_6, %add3A_977 : i32
    %get3A_979 = arith.constant 18 : i32
    %get3A_980 = arith.index_cast %get3A_979 : i32 to index
    %get3A_981 = arith.constant 0 : index
    %get3A_982 = tpu.vector_load %arg5[%get3A_980, %get3A_981] {strides = array<i32>} : memref<24x64xi32, #tpu.memory_space<vmem>>, vector<1x16xi32>,
    %get3A_983 = vector.shape_cast %get3A_982 : vector<1x16xi32> to vector<16xi32>
    %add3A_984 = vector.broadcast %add3A_978 : i32 to vector<16xi32>
    %add3A_985 = arith.addi %get3A_983, %add3A_984 : vector<16xi32>
    %swap3A_986 = arith.constant 18 : i32
    %swap3A_987 = arith.index_cast %swap3A_986 : i32 to index
    %swap3A_988 = arith.constant 0 : index
    %swap3A_989 = tpu.vector_load %arg5[%swap3A_987, %swap3A_988] {strides = array<i32>} : memref<24x64xi32, #tpu.memory_space<vmem>>, vector<1x16xi32>,
    %swap3A_990 = vector.shape_cast %swap3A_989 : vector<1x16xi32> to vector<16xi32>
    %swap3A_991 = vector.shape_cast %add3A_985 : vector<16xi32> to vector<1x16xi32>
    tpu.vector_store %arg5[%swap3A_987, %swap3A_988], %swap3A_991 {strides = array<i32>} : memref<24x64xi32, #tpu.memory_space<vmem>>, vector<1x16xi32>,
    %get3A_992 = arith.constant 18 : i32
    %get3A_993 = arith.index_cast %get3A_992 : i32 to index
    %get3A_994 = arith.constant 16 : index
    %get3A_995 = tpu.vector_load %arg5[%get3A_993, %get3A_994] {strides = array<i32>} : memref<24x64xi32, #tpu.memory_space<vmem>>, vector<1x16xi32>,
    %get3A_996 = vector.shape_cast %get3A_995 : vector<1x16xi32> to vector<16xi32>
    %add3A_997 = vector.broadcast %add3A_978 : i32 to vector<16xi32>
    %add3A_998 = arith.addi %get3A_996, %add3A_997 : vector<16xi32>
    %swap3A_999 = arith.constant 18 : i32
    %swap3A_1000 = arith.index_cast %swap3A_999 : i32 to index
    %swap3A_1001 = arith.constant 16 : index
    %swap3A_1002 = tpu.vector_load %arg5[%swap3A_1000, %swap3A_1001] {strides = array<i32>} : memref<24x64xi32, #tpu.memory_space<vmem>>, vector<1x16xi32>,
    %swap3A_1003 = vector.shape_cast %swap3A_1002 : vector<1x16xi32> to vector<16xi32>
    %swap3A_1004 = vector.shape_cast %add3A_998 : vector<16xi32> to vector<1x16xi32>
    tpu.vector_store %arg5[%swap3A_1000, %swap3A_1001], %swap3A_1004 {strides = array<i32>} : memref<24x64xi32, #tpu.memory_space<vmem>>, vector<1x16xi32>,
    %get3A_1005 = arith.constant 18 : i32
    %get3A_1006 = arith.index_cast %get3A_1005 : i32 to index
    %get3A_1007 = arith.constant 32 : index
    %get3A_1008 = tpu.vector_load %arg5[%get3A_1006, %get3A_1007] {strides = array<i32>} : memref<24x64xi32, #tpu.memory_space<vmem>>, vector<1x16xi32>,
    %get3A_1009 = vector.shape_cast %get3A_1008 : vector<1x16xi32> to vector<16xi32>
    %add3A_1010 = vector.broadcast %add3A_978 : i32 to vector<16xi32>
    %add3A_1011 = arith.addi %get3A_1009, %add3A_1010 : vector<16xi32>
    %swap3A_1012 = arith.constant 18 : i32
    %swap3A_1013 = arith.index_cast %swap3A_1012 : i32 to index
    %swap3A_1014 = arith.constant 32 : index
    %swap3A_1015 = tpu.vector_load %arg5[%swap3A_1013, %swap3A_1014] {strides = array<i32>} : memref<24x64xi32, #tpu.memory_space<vmem>>, vector<1x16xi32>,
    %swap3A_1016 = vector.shape_cast %swap3A_1015 : vector<1x16xi32> to vector<16xi32>
    %swap3A_1017 = vector.shape_cast %add3A_1011 : vector<16xi32> to vector<1x16xi32>
    tpu.vector_store %arg5[%swap3A_1013, %swap3A_1014], %swap3A_1017 {strides = array<i32>} : memref<24x64xi32, #tpu.memory_space<vmem>>, vector<1x16xi32>,
    %get3A_1018 = arith.constant 18 : i32
    %get3A_1019 = arith.index_cast %get3A_1018 : i32 to index
    %get3A_1020 = arith.constant 48 : index
    %get3A_1021 = tpu.vector_load %arg5[%get3A_1019, %get3A_1020] {strides = array<i32>} : memref<24x64xi32, #tpu.memory_space<vmem>>, vector<1x16xi32>,
    %get3A_1022 = vector.shape_cast %get3A_1021 : vector<1x16xi32> to vector<16xi32>
    %add3A_1023 = vector.broadcast %add3A_978 : i32 to vector<16xi32>
    %add3A_1024 = arith.addi %get3A_1022, %add3A_1023 : vector<16xi32>
    %swap3A_1025 = arith.constant 18 : i32
    %swap3A_1026 = arith.index_cast %swap3A_1025 : i32 to index
    %swap3A_1027 = arith.constant 48 : index
    %swap3A_1028 = tpu.vector_load %arg5[%swap3A_1026, %swap3A_1027] {strides = array<i32>} : memref<24x64xi32, #tpu.memory_space<vmem>>, vector<1x16xi32>,
    %swap3A_1029 = vector.shape_cast %swap3A_1028 : vector<1x16xi32> to vector<16xi32>
    %swap3A_1030 = vector.shape_cast %add3A_1024 : vector<16xi32> to vector<1x16xi32>
    tpu.vector_store %arg5[%swap3A_1026, %swap3A_1027], %swap3A_1030 {strides = array<i32>} : memref<24x64xi32, #tpu.memory_space<vmem>>, vector<1x16xi32>,
    %add3A_1031 = arith.constant 1024 : i32
    %add3A_1032 = arith.addi %mul3A_6, %add3A_1031 : i32
    %get3A_1033 = arith.constant 19 : i32
    %get3A_1034 = arith.index_cast %get3A_1033 : i32 to index
    %get3A_1035 = arith.constant 0 : index
    %get3A_1036 = tpu.vector_load %arg5[%get3A_1034, %get3A_1035] {strides = array<i32>} : memref<24x64xi32, #tpu.memory_space<vmem>>, vector<1x16xi32>,
    %get3A_1037 = vector.shape_cast %get3A_1036 : vector<1x16xi32> to vector<16xi32>
    %add3A_1038 = vector.broadcast %add3A_1032 : i32 to vector<16xi32>
    %add3A_1039 = arith.addi %get3A_1037, %add3A_1038 : vector<16xi32>
    %swap3A_1040 = arith.constant 19 : i32
    %swap3A_1041 = arith.index_cast %swap3A_1040 : i32 to index
    %swap3A_1042 = arith.constant 0 : index
    %swap3A_1043 = tpu.vector_load %arg5[%swap3A_1041, %swap3A_1042] {strides = array<i32>} : memref<24x64xi32, #tpu.memory_space<vmem>>, vector<1x16xi32>,
    %swap3A_1044 = vector.shape_cast %swap3A_1043 : vector<1x16xi32> to vector<16xi32>
    %swap3A_1045 = vector.shape_cast %add3A_1039 : vector<16xi32> to vector<1x16xi32>
    tpu.vector_store %arg5[%swap3A_1041, %swap3A_1042], %swap3A_1045 {strides = array<i32>} : memref<24x64xi32, #tpu.memory_space<vmem>>, vector<1x16xi32>,
    %get3A_1046 = arith.constant 19 : i32
    %get3A_1047 = arith.index_cast %get3A_1046 : i32 to index
    %get3A_1048 = arith.constant 16 : index
    %get3A_1049 = tpu.vector_load %arg5[%get3A_1047, %get3A_1048] {strides = array<i32>} : memref<24x64xi32, #tpu.memory_space<vmem>>, vector<1x16xi32>,
    %get3A_1050 = vector.shape_cast %get3A_1049 : vector<1x16xi32> to vector<16xi32>
    %add3A_1051 = vector.broadcast %add3A_1032 : i32 to vector<16xi32>
    %add3A_1052 = arith.addi %get3A_1050, %add3A_1051 : vector<16xi32>
    %swap3A_1053 = arith.constant 19 : i32
    %swap3A_1054 = arith.index_cast %swap3A_1053 : i32 to index
    %swap3A_1055 = arith.constant 16 : index
    %swap3A_1056 = tpu.vector_load %arg5[%swap3A_1054, %swap3A_1055] {strides = array<i32>} : memref<24x64xi32, #tpu.memory_space<vmem>>, vector<1x16xi32>,
    %swap3A_1057 = vector.shape_cast %swap3A_1056 : vector<1x16xi32> to vector<16xi32>
    %swap3A_1058 = vector.shape_cast %add3A_1052 : vector<16xi32> to vector<1x16xi32>
    tpu.vector_store %arg5[%swap3A_1054, %swap3A_1055], %swap3A_1058 {strides = array<i32>} : memref<24x64xi32, #tpu.memory_space<vmem>>, vector<1x16xi32>,
    %get3A_1059 = arith.constant 19 : i32
    %get3A_1060 = arith.index_cast %get3A_1059 : i32 to index
    %get3A_1061 = arith.constant 32 : index
    %get3A_1062 = tpu.vector_load %arg5[%get3A_1060, %get3A_1061] {strides = array<i32>} : memref<24x64xi32, #tpu.memory_space<vmem>>, vector<1x16xi32>,
    %get3A_1063 = vector.shape_cast %get3A_1062 : vector<1x16xi32> to vector<16xi32>
    %add3A_1064 = vector.broadcast %add3A_1032 : i32 to vector<16xi32>
    %add3A_1065 = arith.addi %get3A_1063, %add3A_1064 : vector<16xi32>
    %swap3A_1066 = arith.constant 19 : i32
    %swap3A_1067 = arith.index_cast %swap3A_1066 : i32 to index
    %swap3A_1068 = arith.constant 32 : index
    %swap3A_1069 = tpu.vector_load %arg5[%swap3A_1067, %swap3A_1068] {strides = array<i32>} : memref<24x64xi32, #tpu.memory_space<vmem>>, vector<1x16xi32>,
    %swap3A_1070 = vector.shape_cast %swap3A_1069 : vector<1x16xi32> to vector<16xi32>
    %swap3A_1071 = vector.shape_cast %add3A_1065 : vector<16xi32> to vector<1x16xi32>
    tpu.vector_store %arg5[%swap3A_1067, %swap3A_1068], %swap3A_1071 {strides = array<i32>} : memref<24x64xi32, #tpu.memory_space<vmem>>, vector<1x16xi32>,
    %get3A_1072 = arith.constant 19 : i32
    %get3A_1073 = arith.index_cast %get3A_1072 : i32 to index
    %get3A_1074 = arith.constant 48 : index
    %get3A_1075 = tpu.vector_load %arg5[%get3A_1073, %get3A_1074] {strides = array<i32>} : memref<24x64xi32, #tpu.memory_space<vmem>>, vector<1x16xi32>,
    %get3A_1076 = vector.shape_cast %get3A_1075 : vector<1x16xi32> to vector<16xi32>
    %add3A_1077 = vector.broadcast %add3A_1032 : i32 to vector<16xi32>
    %add3A_1078 = arith.addi %get3A_1076, %add3A_1077 : vector<16xi32>
    %swap3A_1079 = arith.constant 19 : i32
    %swap3A_1080 = arith.index_cast %swap3A_1079 : i32 to index
    %swap3A_1081 = arith.constant 48 : index
    %swap3A_1082 = tpu.vector_load %arg5[%swap3A_1080, %swap3A_1081] {strides = array<i32>} : memref<24x64xi32, #tpu.memory_space<vmem>>, vector<1x16xi32>,
    %swap3A_1083 = vector.shape_cast %swap3A_1082 : vector<1x16xi32> to vector<16xi32>
    %swap3A_1084 = vector.shape_cast %add3A_1078 : vector<16xi32> to vector<1x16xi32>
    tpu.vector_store %arg5[%swap3A_1080, %swap3A_1081], %swap3A_1084 {strides = array<i32>} : memref<24x64xi32, #tpu.memory_space<vmem>>, vector<1x16xi32>,
    %add3A_1085 = arith.constant 1024 : i32
    %add3A_1086 = arith.addi %mul3A_6, %add3A_1085 : i32
    %get3A_1087 = arith.constant 20 : i32
    %get3A_1088 = arith.index_cast %get3A_1087 : i32 to index
    %get3A_1089 = arith.constant 0 : index
    %get3A_1090 = tpu.vector_load %arg5[%get3A_1088, %get3A_1089] {strides = array<i32>} : memref<24x64xi32, #tpu.memory_space<vmem>>, vector<1x16xi32>,
    %get3A_1091 = vector.shape_cast %get3A_1090 : vector<1x16xi32> to vector<16xi32>
    %add3A_1092 = vector.broadcast %add3A_1086 : i32 to vector<16xi32>
    %add3A_1093 = arith.addi %get3A_1091, %add3A_1092 : vector<16xi32>
    %swap3A_1094 = arith.constant 20 : i32
    %swap3A_1095 = arith.index_cast %swap3A_1094 : i32 to index
    %swap3A_1096 = arith.constant 0 : index
    %swap3A_1097 = tpu.vector_load %arg5[%swap3A_1095, %swap3A_1096] {strides = array<i32>} : memref<24x64xi32, #tpu.memory_space<vmem>>, vector<1x16xi32>,
    %swap3A_1098 = vector.shape_cast %swap3A_1097 : vector<1x16xi32> to vector<16xi32>
    %swap3A_1099 = vector.shape_cast %add3A_1093 : vector<16xi32> to vector<1x16xi32>
    tpu.vector_store %arg5[%swap3A_1095, %swap3A_1096], %swap3A_1099 {strides = array<i32>} : memref<24x64xi32, #tpu.memory_space<vmem>>, vector<1x16xi32>,
    %get3A_1100 = arith.constant 20 : i32
    %get3A_1101 = arith.index_cast %get3A_1100 : i32 to index
    %get3A_1102 = arith.constant 16 : index
    %get3A_1103 = tpu.vector_load %arg5[%get3A_1101, %get3A_1102] {strides = array<i32>} : memref<24x64xi32, #tpu.memory_space<vmem>>, vector<1x16xi32>,
    %get3A_1104 = vector.shape_cast %get3A_1103 : vector<1x16xi32> to vector<16xi32>
    %add3A_1105 = vector.broadcast %add3A_1086 : i32 to vector<16xi32>
    %add3A_1106 = arith.addi %get3A_1104, %add3A_1105 : vector<16xi32>
    %swap3A_1107 = arith.constant 20 : i32
    %swap3A_1108 = arith.index_cast %swap3A_1107 : i32 to index
    %swap3A_1109 = arith.constant 16 : index
    %swap3A_1110 = tpu.vector_load %arg5[%swap3A_1108, %swap3A_1109] {strides = array<i32>} : memref<24x64xi32, #tpu.memory_space<vmem>>, vector<1x16xi32>,
    %swap3A_1111 = vector.shape_cast %swap3A_1110 : vector<1x16xi32> to vector<16xi32>
    %swap3A_1112 = vector.shape_cast %add3A_1106 : vector<16xi32> to vector<1x16xi32>
    tpu.vector_store %arg5[%swap3A_1108, %swap3A_1109], %swap3A_1112 {strides = array<i32>} : memref<24x64xi32, #tpu.memory_space<vmem>>, vector<1x16xi32>,
    %get3A_1113 = arith.constant 20 : i32
    %get3A_1114 = arith.index_cast %get3A_1113 : i32 to index
    %get3A_1115 = arith.constant 32 : index
    %get3A_1116 = tpu.vector_load %arg5[%get3A_1114, %get3A_1115] {strides = array<i32>} : memref<24x64xi32, #tpu.memory_space<vmem>>, vector<1x16xi32>,
    %get3A_1117 = vector.shape_cast %get3A_1116 : vector<1x16xi32> to vector<16xi32>
    %add3A_1118 = vector.broadcast %add3A_1086 : i32 to vector<16xi32>
    %add3A_1119 = arith.addi %get3A_1117, %add3A_1118 : vector<16xi32>
    %swap3A_1120 = arith.constant 20 : i32
    %swap3A_1121 = arith.index_cast %swap3A_1120 : i32 to index
    %swap3A_1122 = arith.constant 32 : index
    %swap3A_1123 = tpu.vector_load %arg5[%swap3A_1121, %swap3A_1122] {strides = array<i32>} : memref<24x64xi32, #tpu.memory_space<vmem>>, vector<1x16xi32>,
    %swap3A_1124 = vector.shape_cast %swap3A_1123 : vector<1x16xi32> to vector<16xi32>
    %swap3A_1125 = vector.shape_cast %add3A_1119 : vector<16xi32> to vector<1x16xi32>
    tpu.vector_store %arg5[%swap3A_1121, %swap3A_1122], %swap3A_1125 {strides = array<i32>} : memref<24x64xi32, #tpu.memory_space<vmem>>, vector<1x16xi32>,
    %get3A_1126 = arith.constant 20 : i32
    %get3A_1127 = arith.index_cast %get3A_1126 : i32 to index
    %get3A_1128 = arith.constant 48 : index
    %get3A_1129 = tpu.vector_load %arg5[%get3A_1127, %get3A_1128] {strides = array<i32>} : memref<24x64xi32, #tpu.memory_space<vmem>>, vector<1x16xi32>,
    %get3A_1130 = vector.shape_cast %get3A_1129 : vector<1x16xi32> to vector<16xi32>
    %add3A_1131 = vector.broadcast %add3A_1086 : i32 to vector<16xi32>
    %add3A_1132 = arith.addi %get3A_1130, %add3A_1131 : vector<16xi32>
    %swap3A_1133 = arith.constant 20 : i32
    %swap3A_1134 = arith.index_cast %swap3A_1133 : i32 to index
    %swap3A_1135 = arith.constant 48 : index
    %swap3A_1136 = tpu.vector_load %arg5[%swap3A_1134, %swap3A_1135] {strides = array<i32>} : memref<24x64xi32, #tpu.memory_space<vmem>>, vector<1x16xi32>,
    %swap3A_1137 = vector.shape_cast %swap3A_1136 : vector<1x16xi32> to vector<16xi32>
    %swap3A_1138 = vector.shape_cast %add3A_1132 : vector<16xi32> to vector<1x16xi32>
    tpu.vector_store %arg5[%swap3A_1134, %swap3A_1135], %swap3A_1138 {strides = array<i32>} : memref<24x64xi32, #tpu.memory_space<vmem>>, vector<1x16xi32>,
    %add3A_1139 = arith.constant 1024 : i32
    %add3A_1140 = arith.addi %mul3A_6, %add3A_1139 : i32
    %get3A_1141 = arith.constant 21 : i32
    %get3A_1142 = arith.index_cast %get3A_1141 : i32 to index
    %get3A_1143 = arith.constant 0 : index
    %get3A_1144 = tpu.vector_load %arg5[%get3A_1142, %get3A_1143] {strides = array<i32>} : memref<24x64xi32, #tpu.memory_space<vmem>>, vector<1x16xi32>,
    %get3A_1145 = vector.shape_cast %get3A_1144 : vector<1x16xi32> to vector<16xi32>
    %add3A_1146 = vector.broadcast %add3A_1140 : i32 to vector<16xi32>
    %add3A_1147 = arith.addi %get3A_1145, %add3A_1146 : vector<16xi32>
    %swap3A_1148 = arith.constant 21 : i32
    %swap3A_1149 = arith.index_cast %swap3A_1148 : i32 to index
    %swap3A_1150 = arith.constant 0 : index
    %swap3A_1151 = tpu.vector_load %arg5[%swap3A_1149, %swap3A_1150] {strides = array<i32>} : memref<24x64xi32, #tpu.memory_space<vmem>>, vector<1x16xi32>,
    %swap3A_1152 = vector.shape_cast %swap3A_1151 : vector<1x16xi32> to vector<16xi32>
    %swap3A_1153 = vector.shape_cast %add3A_1147 : vector<16xi32> to vector<1x16xi32>
    tpu.vector_store %arg5[%swap3A_1149, %swap3A_1150], %swap3A_1153 {strides = array<i32>} : memref<24x64xi32, #tpu.memory_space<vmem>>, vector<1x16xi32>,
    %get3A_1154 = arith.constant 21 : i32
    %get3A_1155 = arith.index_cast %get3A_1154 : i32 to index
    %get3A_1156 = arith.constant 16 : index
    %get3A_1157 = tpu.vector_load %arg5[%get3A_1155, %get3A_1156] {strides = array<i32>} : memref<24x64xi32, #tpu.memory_space<vmem>>, vector<1x16xi32>,
    %get3A_1158 = vector.shape_cast %get3A_1157 : vector<1x16xi32> to vector<16xi32>
    %add3A_1159 = vector.broadcast %add3A_1140 : i32 to vector<16xi32>
    %add3A_1160 = arith.addi %get3A_1158, %add3A_1159 : vector<16xi32>
    %swap3A_1161 = arith.constant 21 : i32
    %swap3A_1162 = arith.index_cast %swap3A_1161 : i32 to index
    %swap3A_1163 = arith.constant 16 : index
    %swap3A_1164 = tpu.vector_load %arg5[%swap3A_1162, %swap3A_1163] {strides = array<i32>} : memref<24x64xi32, #tpu.memory_space<vmem>>, vector<1x16xi32>,
    %swap3A_1165 = vector.shape_cast %swap3A_1164 : vector<1x16xi32> to vector<16xi32>
    %swap3A_1166 = vector.shape_cast %add3A_1160 : vector<16xi32> to vector<1x16xi32>
    tpu.vector_store %arg5[%swap3A_1162, %swap3A_1163], %swap3A_1166 {strides = array<i32>} : memref<24x64xi32, #tpu.memory_space<vmem>>, vector<1x16xi32>,
    %get3A_1167 = arith.constant 21 : i32
    %get3A_1168 = arith.index_cast %get3A_1167 : i32 to index
    %get3A_1169 = arith.constant 32 : index
    %get3A_1170 = tpu.vector_load %arg5[%get3A_1168, %get3A_1169] {strides = array<i32>} : memref<24x64xi32, #tpu.memory_space<vmem>>, vector<1x16xi32>,
    %get3A_1171 = vector.shape_cast %get3A_1170 : vector<1x16xi32> to vector<16xi32>
    %add3A_1172 = vector.broadcast %add3A_1140 : i32 to vector<16xi32>
    %add3A_1173 = arith.addi %get3A_1171, %add3A_1172 : vector<16xi32>
    %swap3A_1174 = arith.constant 21 : i32
    %swap3A_1175 = arith.index_cast %swap3A_1174 : i32 to index
    %swap3A_1176 = arith.constant 32 : index
    %swap3A_1177 = tpu.vector_load %arg5[%swap3A_1175, %swap3A_1176] {strides = array<i32>} : memref<24x64xi32, #tpu.memory_space<vmem>>, vector<1x16xi32>,
    %swap3A_1178 = vector.shape_cast %swap3A_1177 : vector<1x16xi32> to vector<16xi32>
    %swap3A_1179 = vector.shape_cast %add3A_1173 : vector<16xi32> to vector<1x16xi32>
    tpu.vector_store %arg5[%swap3A_1175, %swap3A_1176], %swap3A_1179 {strides = array<i32>} : memref<24x64xi32, #tpu.memory_space<vmem>>, vector<1x16xi32>,
    %get3A_1180 = arith.constant 21 : i32
    %get3A_1181 = arith.index_cast %get3A_1180 : i32 to index
    %get3A_1182 = arith.constant 48 : index
    %get3A_1183 = tpu.vector_load %arg5[%get3A_1181, %get3A_1182] {strides = array<i32>} : memref<24x64xi32, #tpu.memory_space<vmem>>, vector<1x16xi32>,
    %get3A_1184 = vector.shape_cast %get3A_1183 : vector<1x16xi32> to vector<16xi32>
    %add3A_1185 = vector.broadcast %add3A_1140 : i32 to vector<16xi32>
    %add3A_1186 = arith.addi %get3A_1184, %add3A_1185 : vector<16xi32>
    %swap3A_1187 = arith.constant 21 : i32
    %swap3A_1188 = arith.index_cast %swap3A_1187 : i32 to index
    %swap3A_1189 = arith.constant 48 : index
    %swap3A_1190 = tpu.vector_load %arg5[%swap3A_1188, %swap3A_1189] {strides = array<i32>} : memref<24x64xi32, #tpu.memory_space<vmem>>, vector<1x16xi32>,
    %swap3A_1191 = vector.shape_cast %swap3A_1190 : vector<1x16xi32> to vector<16xi32>
    %swap3A_1192 = vector.shape_cast %add3A_1186 : vector<16xi32> to vector<1x16xi32>
    tpu.vector_store %arg5[%swap3A_1188, %swap3A_1189], %swap3A_1192 {strides = array<i32>} : memref<24x64xi32, #tpu.memory_space<vmem>>, vector<1x16xi32>,
    %add3A_1193 = arith.constant 1024 : i32
    %add3A_1194 = arith.addi %mul3A_6, %add3A_1193 : i32
    %get3A_1195 = arith.constant 22 : i32
    %get3A_1196 = arith.index_cast %get3A_1195 : i32 to index
    %get3A_1197 = arith.constant 0 : index
    %get3A_1198 = tpu.vector_load %arg5[%get3A_1196, %get3A_1197] {strides = array<i32>} : memref<24x64xi32, #tpu.memory_space<vmem>>, vector<1x16xi32>,
    %get3A_1199 = vector.shape_cast %get3A_1198 : vector<1x16xi32> to vector<16xi32>
    %add3A_1200 = vector.broadcast %add3A_1194 : i32 to vector<16xi32>
    %add3A_1201 = arith.addi %get3A_1199, %add3A_1200 : vector<16xi32>
    %swap3A_1202 = arith.constant 22 : i32
    %swap3A_1203 = arith.index_cast %swap3A_1202 : i32 to index
    %swap3A_1204 = arith.constant 0 : index
    %swap3A_1205 = tpu.vector_load %arg5[%swap3A_1203, %swap3A_1204] {strides = array<i32>} : memref<24x64xi32, #tpu.memory_space<vmem>>, vector<1x16xi32>,
    %swap3A_1206 = vector.shape_cast %swap3A_1205 : vector<1x16xi32> to vector<16xi32>
    %swap3A_1207 = vector.shape_cast %add3A_1201 : vector<16xi32> to vector<1x16xi32>
    tpu.vector_store %arg5[%swap3A_1203, %swap3A_1204], %swap3A_1207 {strides = array<i32>} : memref<24x64xi32, #tpu.memory_space<vmem>>, vector<1x16xi32>,
    %get3A_1208 = arith.constant 22 : i32
    %get3A_1209 = arith.index_cast %get3A_1208 : i32 to index
    %get3A_1210 = arith.constant 16 : index
    %get3A_1211 = tpu.vector_load %arg5[%get3A_1209, %get3A_1210] {strides = array<i32>} : memref<24x64xi32, #tpu.memory_space<vmem>>, vector<1x16xi32>,
    %get3A_1212 = vector.shape_cast %get3A_1211 : vector<1x16xi32> to vector<16xi32>
    %add3A_1213 = vector.broadcast %add3A_1194 : i32 to vector<16xi32>
    %add3A_1214 = arith.addi %get3A_1212, %add3A_1213 : vector<16xi32>
    %swap3A_1215 = arith.constant 22 : i32
    %swap3A_1216 = arith.index_cast %swap3A_1215 : i32 to index
    %swap3A_1217 = arith.constant 16 : index
    %swap3A_1218 = tpu.vector_load %arg5[%swap3A_1216, %swap3A_1217] {strides = array<i32>} : memref<24x64xi32, #tpu.memory_space<vmem>>, vector<1x16xi32>,
    %swap3A_1219 = vector.shape_cast %swap3A_1218 : vector<1x16xi32> to vector<16xi32>
    %swap3A_1220 = vector.shape_cast %add3A_1214 : vector<16xi32> to vector<1x16xi32>
    tpu.vector_store %arg5[%swap3A_1216, %swap3A_1217], %swap3A_1220 {strides = array<i32>} : memref<24x64xi32, #tpu.memory_space<vmem>>, vector<1x16xi32>,
    %get3A_1221 = arith.constant 22 : i32
    %get3A_1222 = arith.index_cast %get3A_1221 : i32 to index
    %get3A_1223 = arith.constant 32 : index
    %get3A_1224 = tpu.vector_load %arg5[%get3A_1222, %get3A_1223] {strides = array<i32>} : memref<24x64xi32, #tpu.memory_space<vmem>>, vector<1x16xi32>,
    %get3A_1225 = vector.shape_cast %get3A_1224 : vector<1x16xi32> to vector<16xi32>
    %add3A_1226 = vector.broadcast %add3A_1194 : i32 to vector<16xi32>
    %add3A_1227 = arith.addi %get3A_1225, %add3A_1226 : vector<16xi32>
    %swap3A_1228 = arith.constant 22 : i32
    %swap3A_1229 = arith.index_cast %swap3A_1228 : i32 to index
    %swap3A_1230 = arith.constant 32 : index
    %swap3A_1231 = tpu.vector_load %arg5[%swap3A_1229, %swap3A_1230] {strides = array<i32>} : memref<24x64xi32, #tpu.memory_space<vmem>>, vector<1x16xi32>,
    %swap3A_1232 = vector.shape_cast %swap3A_1231 : vector<1x16xi32> to vector<16xi32>
    %swap3A_1233 = vector.shape_cast %add3A_1227 : vector<16xi32> to vector<1x16xi32>
    tpu.vector_store %arg5[%swap3A_1229, %swap3A_1230], %swap3A_1233 {strides = array<i32>} : memref<24x64xi32, #tpu.memory_space<vmem>>, vector<1x16xi32>,
    %get3A_1234 = arith.constant 22 : i32
    %get3A_1235 = arith.index_cast %get3A_1234 : i32 to index
    %get3A_1236 = arith.constant 48 : index
    %get3A_1237 = tpu.vector_load %arg5[%get3A_1235, %get3A_1236] {strides = array<i32>} : memref<24x64xi32, #tpu.memory_space<vmem>>, vector<1x16xi32>,
    %get3A_1238 = vector.shape_cast %get3A_1237 : vector<1x16xi32> to vector<16xi32>
    %add3A_1239 = vector.broadcast %add3A_1194 : i32 to vector<16xi32>
    %add3A_1240 = arith.addi %get3A_1238, %add3A_1239 : vector<16xi32>
    %swap3A_1241 = arith.constant 22 : i32
    %swap3A_1242 = arith.index_cast %swap3A_1241 : i32 to index
    %swap3A_1243 = arith.constant 48 : index
    %swap3A_1244 = tpu.vector_load %arg5[%swap3A_1242, %swap3A_1243] {strides = array<i32>} : memref<24x64xi32, #tpu.memory_space<vmem>>, vector<1x16xi32>,
    %swap3A_1245 = vector.shape_cast %swap3A_1244 : vector<1x16xi32> to vector<16xi32>
    %swap3A_1246 = vector.shape_cast %add3A_1240 : vector<16xi32> to vector<1x16xi32>
    tpu.vector_store %arg5[%swap3A_1242, %swap3A_1243], %swap3A_1246 {strides = array<i32>} : memref<24x64xi32, #tpu.memory_space<vmem>>, vector<1x16xi32>,
    %add3A_1247 = arith.constant 1024 : i32
    %add3A_1248 = arith.addi %mul3A_6, %add3A_1247 : i32
    %get3A_1249 = arith.constant 23 : i32
    %get3A_1250 = arith.index_cast %get3A_1249 : i32 to index
    %get3A_1251 = arith.constant 0 : index
    %get3A_1252 = tpu.vector_load %arg5[%get3A_1250, %get3A_1251] {strides = array<i32>} : memref<24x64xi32, #tpu.memory_space<vmem>>, vector<1x16xi32>,
    %get3A_1253 = vector.shape_cast %get3A_1252 : vector<1x16xi32> to vector<16xi32>
    %add3A_1254 = vector.broadcast %add3A_1248 : i32 to vector<16xi32>
    %add3A_1255 = arith.addi %get3A_1253, %add3A_1254 : vector<16xi32>
    %swap3A_1256 = arith.constant 23 : i32
    %swap3A_1257 = arith.index_cast %swap3A_1256 : i32 to index
    %swap3A_1258 = arith.constant 0 : index
    %swap3A_1259 = tpu.vector_load %arg5[%swap3A_1257, %swap3A_1258] {strides = array<i32>} : memref<24x64xi32, #tpu.memory_space<vmem>>, vector<1x16xi32>,
    %swap3A_1260 = vector.shape_cast %swap3A_1259 : vector<1x16xi32> to vector<16xi32>
    %swap3A_1261 = vector.shape_cast %add3A_1255 : vector<16xi32> to vector<1x16xi32>
    tpu.vector_store %arg5[%swap3A_1257, %swap3A_1258], %swap3A_1261 {strides = array<i32>} : memref<24x64xi32, #tpu.memory_space<vmem>>, vector<1x16xi32>,
    %get3A_1262 = arith.constant 23 : i32
    %get3A_1263 = arith.index_cast %get3A_1262 : i32 to index
    %get3A_1264 = arith.constant 16 : index
    %get3A_1265 = tpu.vector_load %arg5[%get3A_1263, %get3A_1264] {strides = array<i32>} : memref<24x64xi32, #tpu.memory_space<vmem>>, vector<1x16xi32>,
    %get3A_1266 = vector.shape_cast %get3A_1265 : vector<1x16xi32> to vector<16xi32>
    %add3A_1267 = vector.broadcast %add3A_1248 : i32 to vector<16xi32>
    %add3A_1268 = arith.addi %get3A_1266, %add3A_1267 : vector<16xi32>
    %swap3A_1269 = arith.constant 23 : i32
    %swap3A_1270 = arith.index_cast %swap3A_1269 : i32 to index
    %swap3A_1271 = arith.constant 16 : index
    %swap3A_1272 = tpu.vector_load %arg5[%swap3A_1270, %swap3A_1271] {strides = array<i32>} : memref<24x64xi32, #tpu.memory_space<vmem>>, vector<1x16xi32>,
    %swap3A_1273 = vector.shape_cast %swap3A_1272 : vector<1x16xi32> to vector<16xi32>
    %swap3A_1274 = vector.shape_cast %add3A_1268 : vector<16xi32> to vector<1x16xi32>
    tpu.vector_store %arg5[%swap3A_1270, %swap3A_1271], %swap3A_1274 {strides = array<i32>} : memref<24x64xi32, #tpu.memory_space<vmem>>, vector<1x16xi32>,
    %get3A_1275 = arith.constant 23 : i32
    %get3A_1276 = arith.index_cast %get3A_1275 : i32 to index
    %get3A_1277 = arith.constant 32 : index
    %get3A_1278 = tpu.vector_load %arg5[%get3A_1276, %get3A_1277] {strides = array<i32>} : memref<24x64xi32, #tpu.memory_space<vmem>>, vector<1x16xi32>,
    %get3A_1279 = vector.shape_cast %get3A_1278 : vector<1x16xi32> to vector<16xi32>
    %add3A_1280 = vector.broadcast %add3A_1248 : i32 to vector<16xi32>
    %add3A_1281 = arith.addi %get3A_1279, %add3A_1280 : vector<16xi32>
    %swap3A_1282 = arith.constant 23 : i32
    %swap3A_1283 = arith.index_cast %swap3A_1282 : i32 to index
    %swap3A_1284 = arith.constant 32 : index
    %swap3A_1285 = tpu.vector_load %arg5[%swap3A_1283, %swap3A_1284] {strides = array<i32>} : memref<24x64xi32, #tpu.memory_space<vmem>>, vector<1x16xi32>,
    %swap3A_1286 = vector.shape_cast %swap3A_1285 : vector<1x16xi32> to vector<16xi32>
    %swap3A_1287 = vector.shape_cast %add3A_1281 : vector<16xi32> to vector<1x16xi32>
    tpu.vector_store %arg5[%swap3A_1283, %swap3A_1284], %swap3A_1287 {strides = array<i32>} : memref<24x64xi32, #tpu.memory_space<vmem>>, vector<1x16xi32>,
    %get3A_1288 = arith.constant 23 : i32
    %get3A_1289 = arith.index_cast %get3A_1288 : i32 to index
    %get3A_1290 = arith.constant 48 : index
    %get3A_1291 = tpu.vector_load %arg5[%get3A_1289, %get3A_1290] {strides = array<i32>} : memref<24x64xi32, #tpu.memory_space<vmem>>, vector<1x16xi32>,
    %get3A_1292 = vector.shape_cast %get3A_1291 : vector<1x16xi32> to vector<16xi32>
    %add3A_1293 = vector.broadcast %add3A_1248 : i32 to vector<16xi32>
    %add3A_1294 = arith.addi %get3A_1292, %add3A_1293 : vector<16xi32>
    %swap3A_1295 = arith.constant 23 : i32
    %swap3A_1296 = arith.index_cast %swap3A_1295 : i32 to index
    %swap3A_1297 = arith.constant 48 : index
    %swap3A_1298 = tpu.vector_load %arg5[%swap3A_1296, %swap3A_1297] {strides = array<i32>} : memref<24x64xi32, #tpu.memory_space<vmem>>, vector<1x16xi32>,
    %swap3A_1299 = vector.shape_cast %swap3A_1298 : vector<1x16xi32> to vector<16xi32>
    %swap3A_1300 = vector.shape_cast %add3A_1294 : vector<16xi32> to vector<1x16xi32>
    tpu.vector_store %arg5[%swap3A_1296, %swap3A_1297], %swap3A_1300 {strides = array<i32>} : memref<24x64xi32, #tpu.memory_space<vmem>>, vector<1x16xi32>,
    %mul3A_1301 = arith.constant 24 : i32
    %mul3A_1302 = arith.muli %add3A, %mul3A_1301 : i32
    %mul3A_1303 = arith.constant 64 : i32
    %mul3A_1304 = arith.muli %mul3A_1302, %mul3A_1303 : i32
    %dma_start3A = arith.constant 0 : i32
    %dma_start3A_1305 = tpu.memref_slice %arg2[%mul3A_1304, %dma_start3A] : memref<49152x768xf32, #tpu.memory_space<hbm>> -> memref<64x768xf32, #tpu.memory_space<hbm>>
    %dma_start3A_1306 = arith.constant 0 : i32
    %dma_start3A_1307 = tpu.memref_slice %arg2[%mul3A_1304, %dma_start3A_1306] : memref<49152x768xf32, #tpu.memory_space<hbm>> -> memref<64x768xf32, #tpu.memory_space<hbm>>
    tpu.enqueue_dma source(%dma_start3A_1307 : memref<64x768xf32, #tpu.memory_space<hbm>>) target(%arg6 : memref<64x768xf32, #tpu.memory_space<vmem>>) target_semaphore(%arg8 : memref<!tpu.dma_semaphore, #tpu.memory_space<semaphore_mem>>)
    %scan3A = arith.constant 0 : i32
    %scan3A_1308 = arith.constant 0 : i32
    %scan3A_1309 = arith.constant 12 : i32
    %scan3A_1310 = arith.addi %scan3A_1308, %scan3A_1309 : i32
    %scan3A_1311 = arith.constant 1 : i32
    scf.for %scan3A_1319 = %scan3A_1308 to %scan3A_1310 step %scan3A_1311  : i32 {
      %mul3A_1320 = arith.constant 2 : i32
      %mul3A_1321 = arith.muli %mul3A_1320, %scan3A_1319 : i32
      %add3A_1322 = arith.addi %mul3A_1302, %mul3A_1321 : i32
      %mul3A_1323 = arith.constant 2 : i32
      %mul3A_1324 = arith.muli %mul3A_1323, %scan3A_1319 : i32
      %dma_wait3A_1325 = arith.constant 0 : i32
      %dma_wait3A_1326 = arith.constant 0 : i32
      %dma_wait3A_1327 = tpu.memref_slice %arg2[%dma_wait3A_1325, %dma_wait3A_1326] : memref<49152x768xf32, #tpu.memory_space<hbm>> -> memref<64x768xf32, #tpu.memory_space<hbm>>
      %dma_wait3A_1328 = arith.constant 0 : i32
      %dma_wait3A_1329 = arith.constant 0 : i32
      %dma_wait3A_1330 = tpu.memref_slice %arg2[%dma_wait3A_1328, %dma_wait3A_1329] : memref<49152x768xf32, #tpu.memory_space<hbm>> -> memref<64x768xf32, #tpu.memory_space<hbm>>
      tpu.wait_dma2 semaphore(%arg8 : memref<!tpu.dma_semaphore, #tpu.memory_space<semaphore_mem>>) src(%dma_wait3A_1330 : memref<64x768xf32, #tpu.memory_space<hbm>>) dst(%arg6 : memref<64x768xf32, #tpu.memory_space<vmem>>)
      %dma_start3A_1331 = arith.constant 0 : i32
      %dma_start3A_1332 = tpu.memref_slice %arg5[%mul3A_1324, %dma_start3A_1331] : memref<24x64xi32, #tpu.memory_space<vmem>> -> memref<1x64xi32, #tpu.memory_space<vmem>>
      %dma_start3A_1333 = tpu.memref_squeeze %dma_start3A_1332 : memref<1x64xi32, #tpu.memory_space<vmem>> -> memref<64xi32, #tpu.memory_space<vmem>>
      %dma_start3A_1334 = arith.constant 0 : i32
      %dma_start3A_1335 = arith.constant 0 : i32
      %dma_start3A_1336 = tpu.memref_slice %arg4[%dma_start3A_1334, %dma_start3A_1335] : memref<65536x768xf32, #tpu.memory_space<hbm>> -> memref<65536x768xf32, #tpu.memory_space<hbm>>
      tpu.enqueue_indirect_dma source(%arg6 : memref<64x768xf32, #tpu.memory_space<vmem>>) target(%dma_start3A_1336 : memref<65536x768xf32, #tpu.memory_space<hbm>>) offsets(%dma_start3A_1333 : memref<64xi32, #tpu.memory_space<vmem>>) semaphore(%arg10 : memref<!tpu.dma_semaphore, #tpu.memory_space<semaphore_mem>>)
      %gt3A = arith.constant 0 : i32
      %gt3A_1337 = arith.cmpi sgt, %scan3A_1319, %gt3A : i32
      %convert_element_type3A = arith.extui %gt3A_1337 : i1 to i32
      %cond3A = arith.constant 0 : i32
      %cond3A_1338 = arith.cmpi ne, %convert_element_type3A, %cond3A : i32
      scf.if %cond3A_1338 {
        %sub3A = arith.constant 1 : i32
        %sub3A_1373 = arith.subi %mul3A_1324, %sub3A : i32
        %dma_wait3A_1374 = arith.constant 0 : i32
        %dma_wait3A_1375 = tpu.memref_slice %arg5[%sub3A_1373, %dma_wait3A_1374] : memref<24x64xi32, #tpu.memory_space<vmem>> -> memref<1x64xi32, #tpu.memory_space<vmem>>
        %dma_wait3A_1376 = tpu.memref_squeeze %dma_wait3A_1375 : memref<1x64xi32, #tpu.memory_space<vmem>> -> memref<64xi32, #tpu.memory_space<vmem>>
        %dma_wait3A_1377 = arith.constant 0 : i32
        %dma_wait3A_1378 = arith.constant 0 : i32
        %dma_wait3A_1379 = tpu.memref_slice %arg4[%dma_wait3A_1377, %dma_wait3A_1378] : memref<65536x768xf32, #tpu.memory_space<hbm>> -> memref<65536x768xf32, #tpu.memory_space<hbm>>
        tpu.wait_indirect_dma semaphore(%arg11 : memref<!tpu.dma_semaphore, #tpu.memory_space<semaphore_mem>>) src(%arg7 : memref<64x768xf32, #tpu.memory_space<vmem>>) dst(%dma_wait3A_1379 : memref<65536x768xf32, #tpu.memory_space<hbm>>)
      } else {
      }
      %add3A_1339 = arith.constant 1 : i32
      %add3A_1340 = arith.addi %add3A_1322, %add3A_1339 : i32
      %mul3A_1341 = arith.constant 64 : i32
      %mul3A_1342 = arith.muli %add3A_1340, %mul3A_1341 : i32
      %dma_start3A_1343 = arith.constant 0 : i32
      %dma_start3A_1344 = tpu.memref_slice %arg2[%mul3A_1342, %dma_start3A_1343] : memref<49152x768xf32, #tpu.memory_space<hbm>> -> memref<64x768xf32, #tpu.memory_space<hbm>>
      %dma_start3A_1345 = arith.constant 0 : i32
      %dma_start3A_1346 = tpu.memref_slice %arg2[%mul3A_1342, %dma_start3A_1345] : memref<49152x768xf32, #tpu.memory_space<hbm>> -> memref<64x768xf32, #tpu.memory_space<hbm>>
      tpu.enqueue_dma source(%dma_start3A_1346 : memref<64x768xf32, #tpu.memory_space<hbm>>) target(%arg7 : memref<64x768xf32, #tpu.memory_space<vmem>>) target_semaphore(%arg9 : memref<!tpu.dma_semaphore, #tpu.memory_space<semaphore_mem>>)
      %dma_wait3A_1347 = arith.constant 0 : i32
      %dma_wait3A_1348 = arith.constant 0 : i32
      %dma_wait3A_1349 = tpu.memref_slice %arg2[%dma_wait3A_1347, %dma_wait3A_1348] : memref<49152x768xf32, #tpu.memory_space<hbm>> -> memref<64x768xf32, #tpu.memory_space<hbm>>
      %dma_wait3A_1350 = arith.constant 0 : i32
      %dma_wait3A_1351 = arith.constant 0 : i32
      %dma_wait3A_1352 = tpu.memref_slice %arg2[%dma_wait3A_1350, %dma_wait3A_1351] : memref<49152x768xf32, #tpu.memory_space<hbm>> -> memref<64x768xf32, #tpu.memory_space<hbm>>
      tpu.wait_dma2 semaphore(%arg9 : memref<!tpu.dma_semaphore, #tpu.memory_space<semaphore_mem>>) src(%dma_wait3A_1352 : memref<64x768xf32, #tpu.memory_space<hbm>>) dst(%arg7 : memref<64x768xf32, #tpu.memory_space<vmem>>)
      %add3A_1353 = arith.constant 1 : i32
      %add3A_1354 = arith.addi %mul3A_1324, %add3A_1353 : i32
      %dma_start3A_1355 = arith.constant 0 : i32
      %dma_start3A_1356 = tpu.memref_slice %arg5[%add3A_1354, %dma_start3A_1355] : memref<24x64xi32, #tpu.memory_space<vmem>> -> memref<1x64xi32, #tpu.memory_space<vmem>>
      %dma_start3A_1357 = tpu.memref_squeeze %dma_start3A_1356 : memref<1x64xi32, #tpu.memory_space<vmem>> -> memref<64xi32, #tpu.memory_space<vmem>>
      %dma_start3A_1358 = arith.constant 0 : i32
      %dma_start3A_1359 = arith.constant 0 : i32
      %dma_start3A_1360 = tpu.memref_slice %arg4[%dma_start3A_1358, %dma_start3A_1359] : memref<65536x768xf32, #tpu.memory_space<hbm>> -> memref<65536x768xf32, #tpu.memory_space<hbm>>
      tpu.enqueue_indirect_dma source(%arg7 : memref<64x768xf32, #tpu.memory_space<vmem>>) target(%dma_start3A_1360 : memref<65536x768xf32, #tpu.memory_space<hbm>>) offsets(%dma_start3A_1357 : memref<64xi32, #tpu.memory_space<vmem>>) semaphore(%arg11 : memref<!tpu.dma_semaphore, #tpu.memory_space<semaphore_mem>>)
      %dma_wait3A_1361 = arith.constant 0 : i32
      %dma_wait3A_1362 = tpu.memref_slice %arg5[%mul3A_1324, %dma_wait3A_1361] : memref<24x64xi32, #tpu.memory_space<vmem>> -> memref<1x64xi32, #tpu.memory_space<vmem>>
      %dma_wait3A_1363 = tpu.memref_squeeze %dma_wait3A_1362 : memref<1x64xi32, #tpu.memory_space<vmem>> -> memref<64xi32, #tpu.memory_space<vmem>>
      %dma_wait3A_1364 = arith.constant 0 : i32
      %dma_wait3A_1365 = arith.constant 0 : i32
      %dma_wait3A_1366 = tpu.memref_slice %arg4[%dma_wait3A_1364, %dma_wait3A_1365] : memref<65536x768xf32, #tpu.memory_space<hbm>> -> memref<65536x768xf32, #tpu.memory_space<hbm>>
      tpu.wait_indirect_dma semaphore(%arg10 : memref<!tpu.dma_semaphore, #tpu.memory_space<semaphore_mem>>) src(%arg6 : memref<64x768xf32, #tpu.memory_space<vmem>>) dst(%dma_wait3A_1366 : memref<65536x768xf32, #tpu.memory_space<hbm>>)
      %add3A_1367 = arith.constant 1 : i32
      %add3A_1368 = arith.addi %scan3A_1319, %add3A_1367 : i32
      %lt3A = arith.constant 12 : i32
      %lt3A_1369 = arith.cmpi slt, %add3A_1368, %lt3A : i32
      %convert_element_type3A_1370 = arith.extui %lt3A_1369 : i1 to i32
      %cond3A_1371 = arith.constant 0 : i32
      %cond3A_1372 = arith.cmpi ne, %convert_element_type3A_1370, %cond3A_1371 : i32
      scf.if %cond3A_1372 {
        %add3A_1373 = arith.constant 2 : i32
        %add3A_1374 = arith.addi %add3A_1322, %add3A_1373 : i32
        %mul3A_1375 = arith.constant 64 : i32
        %mul3A_1376 = arith.muli %add3A_1374, %mul3A_1375 : i32
        %dma_start3A_1377 = arith.constant 0 : i32
        %dma_start3A_1378 = tpu.memref_slice %arg2[%mul3A_1376, %dma_start3A_1377] : memref<49152x768xf32, #tpu.memory_space<hbm>> -> memref<64x768xf32, #tpu.memory_space<hbm>>
        %dma_start3A_1379 = arith.constant 0 : i32
        %dma_start3A_1380 = tpu.memref_slice %arg2[%mul3A_1376, %dma_start3A_1379] : memref<49152x768xf32, #tpu.memory_space<hbm>> -> memref<64x768xf32, #tpu.memory_space<hbm>>
        tpu.enqueue_dma source(%dma_start3A_1380 : memref<64x768xf32, #tpu.memory_space<hbm>>) target(%arg6 : memref<64x768xf32, #tpu.memory_space<vmem>>) target_semaphore(%arg8 : memref<!tpu.dma_semaphore, #tpu.memory_space<semaphore_mem>>)
      } else {
      }
    }
    %scan3A_1312 = arith.constant 12 : i32
    %dma_wait3A = arith.constant 23 : i32
    %dma_wait3A_1313 = arith.constant 0 : i32
    %dma_wait3A_1314 = tpu.memref_slice %arg5[%dma_wait3A, %dma_wait3A_1313] : memref<24x64xi32, #tpu.memory_space<vmem>> -> memref<1x64xi32, #tpu.memory_space<vmem>>
    %dma_wait3A_1315 = tpu.memref_squeeze %dma_wait3A_1314 : memref<1x64xi32, #tpu.memory_space<vmem>> -> memref<64xi32, #tpu.memory_space<vmem>>
    %dma_wait3A_1316 = arith.constant 0 : i32
    %dma_wait3A_1317 = arith.constant 0 : i32
    %dma_wait3A_1318 = tpu.memref_slice %arg4[%dma_wait3A_1316, %dma_wait3A_1317] : memref<65536x768xf32, #tpu.memory_space<hbm>> -> memref<65536x768xf32, #tpu.memory_space<hbm>>
    tpu.wait_indirect_dma semaphore(%arg11 : memref<!tpu.dma_semaphore, #tpu.memory_space<semaphore_mem>>) src(%arg7 : memref<64x768xf32, #tpu.memory_space<vmem>>) dst(%dma_wait3A_1318 : memref<65536x768xf32, #tpu.memory_space<hbm>>)
    return
  }
}

#map = affine_map<(d0, d1) -> (0, 0)>
module attributes {stable_mosaic.version = 14 : i64} {
  func.func @new_body(%arg0: i32, %arg1: i32, %arg2: memref<16384x768xf32, #tpu.memory_space<hbm>>, %arg3: memref<256x64xi32, #tpu.memory_space<hbm>>, %arg4: memref<65536x768xf32, #tpu.memory_space<hbm>>, %arg5: memref<65536x768xf32, #tpu.memory_space<hbm>>, %arg6: memref<8x64xi32, #tpu.memory_space<vmem>>, %arg7: memref<64x768xf32, #tpu.memory_space<vmem>>, %arg8: memref<64x768xf32, #tpu.memory_space<vmem>>, %arg9: memref<!tpu.dma_semaphore, #tpu.memory_space<semaphore_mem>>, %arg10: memref<!tpu.dma_semaphore, #tpu.memory_space<semaphore_mem>>, %arg11: memref<!tpu.dma_semaphore, #tpu.memory_space<semaphore_mem>>, %arg12: memref<!tpu.dma_semaphore, #tpu.memory_space<semaphore_mem>>) attributes {dimension_semantics = [#tpu.dimension_semantics<core_parallel>, #tpu.dimension_semantics<subcore_parallel>], iteration_bounds = array<i64: 2, 16>, scalar_prefetch = 0 : i64, scratch_operands = 7 : i64, tpu.core_type = #tpu.core_type<sc_vector_subcore>, window_params = [{transform_indices = #map}, {transform_indices = #map}, {transform_indices = #map}, {transform_indices = #map}]} {
    %mul3A = arith.constant 2 : i32
    %mul3A_0 = arith.muli %arg1, %mul3A : i32
    %add3A = arith.addi %mul3A_0, %arg0 : i32
    %mul3A_1 = arith.constant 8 : i32
    %mul3A_2 = arith.muli %add3A, %mul3A_1 : i32
    "tpu.region"() ({
      %run_scoped3A = tpu.sem_alloc : memref<!tpu.dma_semaphore, #tpu.memory_space<semaphore_mem>>
      %dma_start3A_455 = arith.constant 0 : i32
      %dma_start3A_456 = tpu.memref_slice %arg3[%mul3A_2, %dma_start3A_455] : memref<256x64xi32, #tpu.memory_space<hbm>> -> memref<8x64xi32, #tpu.memory_space<hbm>>
      %dma_start3A_457 = arith.constant 0 : i32
      %dma_start3A_458 = tpu.memref_slice %arg3[%mul3A_2, %dma_start3A_457] : memref<256x64xi32, #tpu.memory_space<hbm>> -> memref<8x64xi32, #tpu.memory_space<hbm>>
      tpu.enqueue_dma source(%dma_start3A_458 : memref<8x64xi32, #tpu.memory_space<hbm>>) target(%arg6 : memref<8x64xi32, #tpu.memory_space<vmem>>) target_semaphore(%run_scoped3A : memref<!tpu.dma_semaphore, #tpu.memory_space<semaphore_mem>>)
      %dma_wait3A_459 = arith.constant 0 : i32
      %dma_wait3A_460 = tpu.memref_slice %arg3[%mul3A_2, %dma_wait3A_459] : memref<256x64xi32, #tpu.memory_space<hbm>> -> memref<8x64xi32, #tpu.memory_space<hbm>>
      %dma_wait3A_461 = arith.constant 0 : i32
      %dma_wait3A_462 = tpu.memref_slice %arg3[%mul3A_2, %dma_wait3A_461] : memref<256x64xi32, #tpu.memory_space<hbm>> -> memref<8x64xi32, #tpu.memory_space<hbm>>
      tpu.wait_dma2 semaphore(%run_scoped3A : memref<!tpu.dma_semaphore, #tpu.memory_space<semaphore_mem>>) src(%dma_wait3A_462 : memref<8x64xi32, #tpu.memory_space<hbm>>) dst(%arg6 : memref<8x64xi32, #tpu.memory_space<vmem>>)
      tpu.yield
    }) : () -> ()
    %mul3A_3 = arith.constant 2 : i32
    %mul3A_4 = arith.muli %mul3A_3, %add3A : i32
    %mul3A_5 = arith.constant 1024 : i32
    %mul3A_6 = arith.muli %mul3A_4, %mul3A_5 : i32
    %add3A_7 = arith.constant 0 : i32
    %add3A_8 = arith.addi %mul3A_6, %add3A_7 : i32
    %get3A = arith.constant 0 : i32
    %get3A_9 = arith.index_cast %get3A : i32 to index
    %get3A_10 = arith.constant 0 : index
    %get3A_11 = tpu.vector_load %arg6[%get3A_9, %get3A_10] {strides = array<i32>} : memref<8x64xi32, #tpu.memory_space<vmem>>, vector<1x16xi32>,
    %get3A_12 = vector.shape_cast %get3A_11 : vector<1x16xi32> to vector<16xi32>
    %add3A_13 = vector.broadcast %add3A_8 : i32 to vector<16xi32>
    %add3A_14 = arith.addi %get3A_12, %add3A_13 : vector<16xi32>
    %swap3A = arith.constant 0 : i32
    %swap3A_15 = arith.index_cast %swap3A : i32 to index
    %swap3A_16 = arith.constant 0 : index
    %swap3A_17 = tpu.vector_load %arg6[%swap3A_15, %swap3A_16] {strides = array<i32>} : memref<8x64xi32, #tpu.memory_space<vmem>>, vector<1x16xi32>,
    %swap3A_18 = vector.shape_cast %swap3A_17 : vector<1x16xi32> to vector<16xi32>
    %swap3A_19 = vector.shape_cast %add3A_14 : vector<16xi32> to vector<1x16xi32>
    tpu.vector_store %arg6[%swap3A_15, %swap3A_16], %swap3A_19 {strides = array<i32>} : memref<8x64xi32, #tpu.memory_space<vmem>>, vector<1x16xi32>,
    %get3A_20 = arith.constant 0 : i32
    %get3A_21 = arith.index_cast %get3A_20 : i32 to index
    %get3A_22 = arith.constant 16 : index
    %get3A_23 = tpu.vector_load %arg6[%get3A_21, %get3A_22] {strides = array<i32>} : memref<8x64xi32, #tpu.memory_space<vmem>>, vector<1x16xi32>,
    %get3A_24 = vector.shape_cast %get3A_23 : vector<1x16xi32> to vector<16xi32>
    %add3A_25 = vector.broadcast %add3A_8 : i32 to vector<16xi32>
    %add3A_26 = arith.addi %get3A_24, %add3A_25 : vector<16xi32>
    %swap3A_27 = arith.constant 0 : i32
    %swap3A_28 = arith.index_cast %swap3A_27 : i32 to index
    %swap3A_29 = arith.constant 16 : index
    %swap3A_30 = tpu.vector_load %arg6[%swap3A_28, %swap3A_29] {strides = array<i32>} : memref<8x64xi32, #tpu.memory_space<vmem>>, vector<1x16xi32>,
    %swap3A_31 = vector.shape_cast %swap3A_30 : vector<1x16xi32> to vector<16xi32>
    %swap3A_32 = vector.shape_cast %add3A_26 : vector<16xi32> to vector<1x16xi32>
    tpu.vector_store %arg6[%swap3A_28, %swap3A_29], %swap3A_32 {strides = array<i32>} : memref<8x64xi32, #tpu.memory_space<vmem>>, vector<1x16xi32>,
    %get3A_33 = arith.constant 0 : i32
    %get3A_34 = arith.index_cast %get3A_33 : i32 to index
    %get3A_35 = arith.constant 32 : index
    %get3A_36 = tpu.vector_load %arg6[%get3A_34, %get3A_35] {strides = array<i32>} : memref<8x64xi32, #tpu.memory_space<vmem>>, vector<1x16xi32>,
    %get3A_37 = vector.shape_cast %get3A_36 : vector<1x16xi32> to vector<16xi32>
    %add3A_38 = vector.broadcast %add3A_8 : i32 to vector<16xi32>
    %add3A_39 = arith.addi %get3A_37, %add3A_38 : vector<16xi32>
    %swap3A_40 = arith.constant 0 : i32
    %swap3A_41 = arith.index_cast %swap3A_40 : i32 to index
    %swap3A_42 = arith.constant 32 : index
    %swap3A_43 = tpu.vector_load %arg6[%swap3A_41, %swap3A_42] {strides = array<i32>} : memref<8x64xi32, #tpu.memory_space<vmem>>, vector<1x16xi32>,
    %swap3A_44 = vector.shape_cast %swap3A_43 : vector<1x16xi32> to vector<16xi32>
    %swap3A_45 = vector.shape_cast %add3A_39 : vector<16xi32> to vector<1x16xi32>
    tpu.vector_store %arg6[%swap3A_41, %swap3A_42], %swap3A_45 {strides = array<i32>} : memref<8x64xi32, #tpu.memory_space<vmem>>, vector<1x16xi32>,
    %get3A_46 = arith.constant 0 : i32
    %get3A_47 = arith.index_cast %get3A_46 : i32 to index
    %get3A_48 = arith.constant 48 : index
    %get3A_49 = tpu.vector_load %arg6[%get3A_47, %get3A_48] {strides = array<i32>} : memref<8x64xi32, #tpu.memory_space<vmem>>, vector<1x16xi32>,
    %get3A_50 = vector.shape_cast %get3A_49 : vector<1x16xi32> to vector<16xi32>
    %add3A_51 = vector.broadcast %add3A_8 : i32 to vector<16xi32>
    %add3A_52 = arith.addi %get3A_50, %add3A_51 : vector<16xi32>
    %swap3A_53 = arith.constant 0 : i32
    %swap3A_54 = arith.index_cast %swap3A_53 : i32 to index
    %swap3A_55 = arith.constant 48 : index
    %swap3A_56 = tpu.vector_load %arg6[%swap3A_54, %swap3A_55] {strides = array<i32>} : memref<8x64xi32, #tpu.memory_space<vmem>>, vector<1x16xi32>,
    %swap3A_57 = vector.shape_cast %swap3A_56 : vector<1x16xi32> to vector<16xi32>
    %swap3A_58 = vector.shape_cast %add3A_52 : vector<16xi32> to vector<1x16xi32>
    tpu.vector_store %arg6[%swap3A_54, %swap3A_55], %swap3A_58 {strides = array<i32>} : memref<8x64xi32, #tpu.memory_space<vmem>>, vector<1x16xi32>,
    %add3A_59 = arith.constant 0 : i32
    %add3A_60 = arith.addi %mul3A_6, %add3A_59 : i32
    %get3A_61 = arith.constant 1 : i32
    %get3A_62 = arith.index_cast %get3A_61 : i32 to index
    %get3A_63 = arith.constant 0 : index
    %get3A_64 = tpu.vector_load %arg6[%get3A_62, %get3A_63] {strides = array<i32>} : memref<8x64xi32, #tpu.memory_space<vmem>>, vector<1x16xi32>,
    %get3A_65 = vector.shape_cast %get3A_64 : vector<1x16xi32> to vector<16xi32>
    %add3A_66 = vector.broadcast %add3A_60 : i32 to vector<16xi32>
    %add3A_67 = arith.addi %get3A_65, %add3A_66 : vector<16xi32>
    %swap3A_68 = arith.constant 1 : i32
    %swap3A_69 = arith.index_cast %swap3A_68 : i32 to index
    %swap3A_70 = arith.constant 0 : index
    %swap3A_71 = tpu.vector_load %arg6[%swap3A_69, %swap3A_70] {strides = array<i32>} : memref<8x64xi32, #tpu.memory_space<vmem>>, vector<1x16xi32>,
    %swap3A_72 = vector.shape_cast %swap3A_71 : vector<1x16xi32> to vector<16xi32>
    %swap3A_73 = vector.shape_cast %add3A_67 : vector<16xi32> to vector<1x16xi32>
    tpu.vector_store %arg6[%swap3A_69, %swap3A_70], %swap3A_73 {strides = array<i32>} : memref<8x64xi32, #tpu.memory_space<vmem>>, vector<1x16xi32>,
    %get3A_74 = arith.constant 1 : i32
    %get3A_75 = arith.index_cast %get3A_74 : i32 to index
    %get3A_76 = arith.constant 16 : index
    %get3A_77 = tpu.vector_load %arg6[%get3A_75, %get3A_76] {strides = array<i32>} : memref<8x64xi32, #tpu.memory_space<vmem>>, vector<1x16xi32>,
    %get3A_78 = vector.shape_cast %get3A_77 : vector<1x16xi32> to vector<16xi32>
    %add3A_79 = vector.broadcast %add3A_60 : i32 to vector<16xi32>
    %add3A_80 = arith.addi %get3A_78, %add3A_79 : vector<16xi32>
    %swap3A_81 = arith.constant 1 : i32
    %swap3A_82 = arith.index_cast %swap3A_81 : i32 to index
    %swap3A_83 = arith.constant 16 : index
    %swap3A_84 = tpu.vector_load %arg6[%swap3A_82, %swap3A_83] {strides = array<i32>} : memref<8x64xi32, #tpu.memory_space<vmem>>, vector<1x16xi32>,
    %swap3A_85 = vector.shape_cast %swap3A_84 : vector<1x16xi32> to vector<16xi32>
    %swap3A_86 = vector.shape_cast %add3A_80 : vector<16xi32> to vector<1x16xi32>
    tpu.vector_store %arg6[%swap3A_82, %swap3A_83], %swap3A_86 {strides = array<i32>} : memref<8x64xi32, #tpu.memory_space<vmem>>, vector<1x16xi32>,
    %get3A_87 = arith.constant 1 : i32
    %get3A_88 = arith.index_cast %get3A_87 : i32 to index
    %get3A_89 = arith.constant 32 : index
    %get3A_90 = tpu.vector_load %arg6[%get3A_88, %get3A_89] {strides = array<i32>} : memref<8x64xi32, #tpu.memory_space<vmem>>, vector<1x16xi32>,
    %get3A_91 = vector.shape_cast %get3A_90 : vector<1x16xi32> to vector<16xi32>
    %add3A_92 = vector.broadcast %add3A_60 : i32 to vector<16xi32>
    %add3A_93 = arith.addi %get3A_91, %add3A_92 : vector<16xi32>
    %swap3A_94 = arith.constant 1 : i32
    %swap3A_95 = arith.index_cast %swap3A_94 : i32 to index
    %swap3A_96 = arith.constant 32 : index
    %swap3A_97 = tpu.vector_load %arg6[%swap3A_95, %swap3A_96] {strides = array<i32>} : memref<8x64xi32, #tpu.memory_space<vmem>>, vector<1x16xi32>,
    %swap3A_98 = vector.shape_cast %swap3A_97 : vector<1x16xi32> to vector<16xi32>
    %swap3A_99 = vector.shape_cast %add3A_93 : vector<16xi32> to vector<1x16xi32>
    tpu.vector_store %arg6[%swap3A_95, %swap3A_96], %swap3A_99 {strides = array<i32>} : memref<8x64xi32, #tpu.memory_space<vmem>>, vector<1x16xi32>,
    %get3A_100 = arith.constant 1 : i32
    %get3A_101 = arith.index_cast %get3A_100 : i32 to index
    %get3A_102 = arith.constant 48 : index
    %get3A_103 = tpu.vector_load %arg6[%get3A_101, %get3A_102] {strides = array<i32>} : memref<8x64xi32, #tpu.memory_space<vmem>>, vector<1x16xi32>,
    %get3A_104 = vector.shape_cast %get3A_103 : vector<1x16xi32> to vector<16xi32>
    %add3A_105 = vector.broadcast %add3A_60 : i32 to vector<16xi32>
    %add3A_106 = arith.addi %get3A_104, %add3A_105 : vector<16xi32>
    %swap3A_107 = arith.constant 1 : i32
    %swap3A_108 = arith.index_cast %swap3A_107 : i32 to index
    %swap3A_109 = arith.constant 48 : index
    %swap3A_110 = tpu.vector_load %arg6[%swap3A_108, %swap3A_109] {strides = array<i32>} : memref<8x64xi32, #tpu.memory_space<vmem>>, vector<1x16xi32>,
    %swap3A_111 = vector.shape_cast %swap3A_110 : vector<1x16xi32> to vector<16xi32>
    %swap3A_112 = vector.shape_cast %add3A_106 : vector<16xi32> to vector<1x16xi32>
    tpu.vector_store %arg6[%swap3A_108, %swap3A_109], %swap3A_112 {strides = array<i32>} : memref<8x64xi32, #tpu.memory_space<vmem>>, vector<1x16xi32>,
    %add3A_113 = arith.constant 0 : i32
    %add3A_114 = arith.addi %mul3A_6, %add3A_113 : i32
    %get3A_115 = arith.constant 2 : i32
    %get3A_116 = arith.index_cast %get3A_115 : i32 to index
    %get3A_117 = arith.constant 0 : index
    %get3A_118 = tpu.vector_load %arg6[%get3A_116, %get3A_117] {strides = array<i32>} : memref<8x64xi32, #tpu.memory_space<vmem>>, vector<1x16xi32>,
    %get3A_119 = vector.shape_cast %get3A_118 : vector<1x16xi32> to vector<16xi32>
    %add3A_120 = vector.broadcast %add3A_114 : i32 to vector<16xi32>
    %add3A_121 = arith.addi %get3A_119, %add3A_120 : vector<16xi32>
    %swap3A_122 = arith.constant 2 : i32
    %swap3A_123 = arith.index_cast %swap3A_122 : i32 to index
    %swap3A_124 = arith.constant 0 : index
    %swap3A_125 = tpu.vector_load %arg6[%swap3A_123, %swap3A_124] {strides = array<i32>} : memref<8x64xi32, #tpu.memory_space<vmem>>, vector<1x16xi32>,
    %swap3A_126 = vector.shape_cast %swap3A_125 : vector<1x16xi32> to vector<16xi32>
    %swap3A_127 = vector.shape_cast %add3A_121 : vector<16xi32> to vector<1x16xi32>
    tpu.vector_store %arg6[%swap3A_123, %swap3A_124], %swap3A_127 {strides = array<i32>} : memref<8x64xi32, #tpu.memory_space<vmem>>, vector<1x16xi32>,
    %get3A_128 = arith.constant 2 : i32
    %get3A_129 = arith.index_cast %get3A_128 : i32 to index
    %get3A_130 = arith.constant 16 : index
    %get3A_131 = tpu.vector_load %arg6[%get3A_129, %get3A_130] {strides = array<i32>} : memref<8x64xi32, #tpu.memory_space<vmem>>, vector<1x16xi32>,
    %get3A_132 = vector.shape_cast %get3A_131 : vector<1x16xi32> to vector<16xi32>
    %add3A_133 = vector.broadcast %add3A_114 : i32 to vector<16xi32>
    %add3A_134 = arith.addi %get3A_132, %add3A_133 : vector<16xi32>
    %swap3A_135 = arith.constant 2 : i32
    %swap3A_136 = arith.index_cast %swap3A_135 : i32 to index
    %swap3A_137 = arith.constant 16 : index
    %swap3A_138 = tpu.vector_load %arg6[%swap3A_136, %swap3A_137] {strides = array<i32>} : memref<8x64xi32, #tpu.memory_space<vmem>>, vector<1x16xi32>,
    %swap3A_139 = vector.shape_cast %swap3A_138 : vector<1x16xi32> to vector<16xi32>
    %swap3A_140 = vector.shape_cast %add3A_134 : vector<16xi32> to vector<1x16xi32>
    tpu.vector_store %arg6[%swap3A_136, %swap3A_137], %swap3A_140 {strides = array<i32>} : memref<8x64xi32, #tpu.memory_space<vmem>>, vector<1x16xi32>,
    %get3A_141 = arith.constant 2 : i32
    %get3A_142 = arith.index_cast %get3A_141 : i32 to index
    %get3A_143 = arith.constant 32 : index
    %get3A_144 = tpu.vector_load %arg6[%get3A_142, %get3A_143] {strides = array<i32>} : memref<8x64xi32, #tpu.memory_space<vmem>>, vector<1x16xi32>,
    %get3A_145 = vector.shape_cast %get3A_144 : vector<1x16xi32> to vector<16xi32>
    %add3A_146 = vector.broadcast %add3A_114 : i32 to vector<16xi32>
    %add3A_147 = arith.addi %get3A_145, %add3A_146 : vector<16xi32>
    %swap3A_148 = arith.constant 2 : i32
    %swap3A_149 = arith.index_cast %swap3A_148 : i32 to index
    %swap3A_150 = arith.constant 32 : index
    %swap3A_151 = tpu.vector_load %arg6[%swap3A_149, %swap3A_150] {strides = array<i32>} : memref<8x64xi32, #tpu.memory_space<vmem>>, vector<1x16xi32>,
    %swap3A_152 = vector.shape_cast %swap3A_151 : vector<1x16xi32> to vector<16xi32>
    %swap3A_153 = vector.shape_cast %add3A_147 : vector<16xi32> to vector<1x16xi32>
    tpu.vector_store %arg6[%swap3A_149, %swap3A_150], %swap3A_153 {strides = array<i32>} : memref<8x64xi32, #tpu.memory_space<vmem>>, vector<1x16xi32>,
    %get3A_154 = arith.constant 2 : i32
    %get3A_155 = arith.index_cast %get3A_154 : i32 to index
    %get3A_156 = arith.constant 48 : index
    %get3A_157 = tpu.vector_load %arg6[%get3A_155, %get3A_156] {strides = array<i32>} : memref<8x64xi32, #tpu.memory_space<vmem>>, vector<1x16xi32>,
    %get3A_158 = vector.shape_cast %get3A_157 : vector<1x16xi32> to vector<16xi32>
    %add3A_159 = vector.broadcast %add3A_114 : i32 to vector<16xi32>
    %add3A_160 = arith.addi %get3A_158, %add3A_159 : vector<16xi32>
    %swap3A_161 = arith.constant 2 : i32
    %swap3A_162 = arith.index_cast %swap3A_161 : i32 to index
    %swap3A_163 = arith.constant 48 : index
    %swap3A_164 = tpu.vector_load %arg6[%swap3A_162, %swap3A_163] {strides = array<i32>} : memref<8x64xi32, #tpu.memory_space<vmem>>, vector<1x16xi32>,
    %swap3A_165 = vector.shape_cast %swap3A_164 : vector<1x16xi32> to vector<16xi32>
    %swap3A_166 = vector.shape_cast %add3A_160 : vector<16xi32> to vector<1x16xi32>
    tpu.vector_store %arg6[%swap3A_162, %swap3A_163], %swap3A_166 {strides = array<i32>} : memref<8x64xi32, #tpu.memory_space<vmem>>, vector<1x16xi32>,
    %add3A_167 = arith.constant 0 : i32
    %add3A_168 = arith.addi %mul3A_6, %add3A_167 : i32
    %get3A_169 = arith.constant 3 : i32
    %get3A_170 = arith.index_cast %get3A_169 : i32 to index
    %get3A_171 = arith.constant 0 : index
    %get3A_172 = tpu.vector_load %arg6[%get3A_170, %get3A_171] {strides = array<i32>} : memref<8x64xi32, #tpu.memory_space<vmem>>, vector<1x16xi32>,
    %get3A_173 = vector.shape_cast %get3A_172 : vector<1x16xi32> to vector<16xi32>
    %add3A_174 = vector.broadcast %add3A_168 : i32 to vector<16xi32>
    %add3A_175 = arith.addi %get3A_173, %add3A_174 : vector<16xi32>
    %swap3A_176 = arith.constant 3 : i32
    %swap3A_177 = arith.index_cast %swap3A_176 : i32 to index
    %swap3A_178 = arith.constant 0 : index
    %swap3A_179 = tpu.vector_load %arg6[%swap3A_177, %swap3A_178] {strides = array<i32>} : memref<8x64xi32, #tpu.memory_space<vmem>>, vector<1x16xi32>,
    %swap3A_180 = vector.shape_cast %swap3A_179 : vector<1x16xi32> to vector<16xi32>
    %swap3A_181 = vector.shape_cast %add3A_175 : vector<16xi32> to vector<1x16xi32>
    tpu.vector_store %arg6[%swap3A_177, %swap3A_178], %swap3A_181 {strides = array<i32>} : memref<8x64xi32, #tpu.memory_space<vmem>>, vector<1x16xi32>,
    %get3A_182 = arith.constant 3 : i32
    %get3A_183 = arith.index_cast %get3A_182 : i32 to index
    %get3A_184 = arith.constant 16 : index
    %get3A_185 = tpu.vector_load %arg6[%get3A_183, %get3A_184] {strides = array<i32>} : memref<8x64xi32, #tpu.memory_space<vmem>>, vector<1x16xi32>,
    %get3A_186 = vector.shape_cast %get3A_185 : vector<1x16xi32> to vector<16xi32>
    %add3A_187 = vector.broadcast %add3A_168 : i32 to vector<16xi32>
    %add3A_188 = arith.addi %get3A_186, %add3A_187 : vector<16xi32>
    %swap3A_189 = arith.constant 3 : i32
    %swap3A_190 = arith.index_cast %swap3A_189 : i32 to index
    %swap3A_191 = arith.constant 16 : index
    %swap3A_192 = tpu.vector_load %arg6[%swap3A_190, %swap3A_191] {strides = array<i32>} : memref<8x64xi32, #tpu.memory_space<vmem>>, vector<1x16xi32>,
    %swap3A_193 = vector.shape_cast %swap3A_192 : vector<1x16xi32> to vector<16xi32>
    %swap3A_194 = vector.shape_cast %add3A_188 : vector<16xi32> to vector<1x16xi32>
    tpu.vector_store %arg6[%swap3A_190, %swap3A_191], %swap3A_194 {strides = array<i32>} : memref<8x64xi32, #tpu.memory_space<vmem>>, vector<1x16xi32>,
    %get3A_195 = arith.constant 3 : i32
    %get3A_196 = arith.index_cast %get3A_195 : i32 to index
    %get3A_197 = arith.constant 32 : index
    %get3A_198 = tpu.vector_load %arg6[%get3A_196, %get3A_197] {strides = array<i32>} : memref<8x64xi32, #tpu.memory_space<vmem>>, vector<1x16xi32>,
    %get3A_199 = vector.shape_cast %get3A_198 : vector<1x16xi32> to vector<16xi32>
    %add3A_200 = vector.broadcast %add3A_168 : i32 to vector<16xi32>
    %add3A_201 = arith.addi %get3A_199, %add3A_200 : vector<16xi32>
    %swap3A_202 = arith.constant 3 : i32
    %swap3A_203 = arith.index_cast %swap3A_202 : i32 to index
    %swap3A_204 = arith.constant 32 : index
    %swap3A_205 = tpu.vector_load %arg6[%swap3A_203, %swap3A_204] {strides = array<i32>} : memref<8x64xi32, #tpu.memory_space<vmem>>, vector<1x16xi32>,
    %swap3A_206 = vector.shape_cast %swap3A_205 : vector<1x16xi32> to vector<16xi32>
    %swap3A_207 = vector.shape_cast %add3A_201 : vector<16xi32> to vector<1x16xi32>
    tpu.vector_store %arg6[%swap3A_203, %swap3A_204], %swap3A_207 {strides = array<i32>} : memref<8x64xi32, #tpu.memory_space<vmem>>, vector<1x16xi32>,
    %get3A_208 = arith.constant 3 : i32
    %get3A_209 = arith.index_cast %get3A_208 : i32 to index
    %get3A_210 = arith.constant 48 : index
    %get3A_211 = tpu.vector_load %arg6[%get3A_209, %get3A_210] {strides = array<i32>} : memref<8x64xi32, #tpu.memory_space<vmem>>, vector<1x16xi32>,
    %get3A_212 = vector.shape_cast %get3A_211 : vector<1x16xi32> to vector<16xi32>
    %add3A_213 = vector.broadcast %add3A_168 : i32 to vector<16xi32>
    %add3A_214 = arith.addi %get3A_212, %add3A_213 : vector<16xi32>
    %swap3A_215 = arith.constant 3 : i32
    %swap3A_216 = arith.index_cast %swap3A_215 : i32 to index
    %swap3A_217 = arith.constant 48 : index
    %swap3A_218 = tpu.vector_load %arg6[%swap3A_216, %swap3A_217] {strides = array<i32>} : memref<8x64xi32, #tpu.memory_space<vmem>>, vector<1x16xi32>,
    %swap3A_219 = vector.shape_cast %swap3A_218 : vector<1x16xi32> to vector<16xi32>
    %swap3A_220 = vector.shape_cast %add3A_214 : vector<16xi32> to vector<1x16xi32>
    tpu.vector_store %arg6[%swap3A_216, %swap3A_217], %swap3A_220 {strides = array<i32>} : memref<8x64xi32, #tpu.memory_space<vmem>>, vector<1x16xi32>,
    %add3A_221 = arith.constant 1024 : i32
    %add3A_222 = arith.addi %mul3A_6, %add3A_221 : i32
    %get3A_223 = arith.constant 4 : i32
    %get3A_224 = arith.index_cast %get3A_223 : i32 to index
    %get3A_225 = arith.constant 0 : index
    %get3A_226 = tpu.vector_load %arg6[%get3A_224, %get3A_225] {strides = array<i32>} : memref<8x64xi32, #tpu.memory_space<vmem>>, vector<1x16xi32>,
    %get3A_227 = vector.shape_cast %get3A_226 : vector<1x16xi32> to vector<16xi32>
    %add3A_228 = vector.broadcast %add3A_222 : i32 to vector<16xi32>
    %add3A_229 = arith.addi %get3A_227, %add3A_228 : vector<16xi32>
    %swap3A_230 = arith.constant 4 : i32
    %swap3A_231 = arith.index_cast %swap3A_230 : i32 to index
    %swap3A_232 = arith.constant 0 : index
    %swap3A_233 = tpu.vector_load %arg6[%swap3A_231, %swap3A_232] {strides = array<i32>} : memref<8x64xi32, #tpu.memory_space<vmem>>, vector<1x16xi32>,
    %swap3A_234 = vector.shape_cast %swap3A_233 : vector<1x16xi32> to vector<16xi32>
    %swap3A_235 = vector.shape_cast %add3A_229 : vector<16xi32> to vector<1x16xi32>
    tpu.vector_store %arg6[%swap3A_231, %swap3A_232], %swap3A_235 {strides = array<i32>} : memref<8x64xi32, #tpu.memory_space<vmem>>, vector<1x16xi32>,
    %get3A_236 = arith.constant 4 : i32
    %get3A_237 = arith.index_cast %get3A_236 : i32 to index
    %get3A_238 = arith.constant 16 : index
    %get3A_239 = tpu.vector_load %arg6[%get3A_237, %get3A_238] {strides = array<i32>} : memref<8x64xi32, #tpu.memory_space<vmem>>, vector<1x16xi32>,
    %get3A_240 = vector.shape_cast %get3A_239 : vector<1x16xi32> to vector<16xi32>
    %add3A_241 = vector.broadcast %add3A_222 : i32 to vector<16xi32>
    %add3A_242 = arith.addi %get3A_240, %add3A_241 : vector<16xi32>
    %swap3A_243 = arith.constant 4 : i32
    %swap3A_244 = arith.index_cast %swap3A_243 : i32 to index
    %swap3A_245 = arith.constant 16 : index
    %swap3A_246 = tpu.vector_load %arg6[%swap3A_244, %swap3A_245] {strides = array<i32>} : memref<8x64xi32, #tpu.memory_space<vmem>>, vector<1x16xi32>,
    %swap3A_247 = vector.shape_cast %swap3A_246 : vector<1x16xi32> to vector<16xi32>
    %swap3A_248 = vector.shape_cast %add3A_242 : vector<16xi32> to vector<1x16xi32>
    tpu.vector_store %arg6[%swap3A_244, %swap3A_245], %swap3A_248 {strides = array<i32>} : memref<8x64xi32, #tpu.memory_space<vmem>>, vector<1x16xi32>,
    %get3A_249 = arith.constant 4 : i32
    %get3A_250 = arith.index_cast %get3A_249 : i32 to index
    %get3A_251 = arith.constant 32 : index
    %get3A_252 = tpu.vector_load %arg6[%get3A_250, %get3A_251] {strides = array<i32>} : memref<8x64xi32, #tpu.memory_space<vmem>>, vector<1x16xi32>,
    %get3A_253 = vector.shape_cast %get3A_252 : vector<1x16xi32> to vector<16xi32>
    %add3A_254 = vector.broadcast %add3A_222 : i32 to vector<16xi32>
    %add3A_255 = arith.addi %get3A_253, %add3A_254 : vector<16xi32>
    %swap3A_256 = arith.constant 4 : i32
    %swap3A_257 = arith.index_cast %swap3A_256 : i32 to index
    %swap3A_258 = arith.constant 32 : index
    %swap3A_259 = tpu.vector_load %arg6[%swap3A_257, %swap3A_258] {strides = array<i32>} : memref<8x64xi32, #tpu.memory_space<vmem>>, vector<1x16xi32>,
    %swap3A_260 = vector.shape_cast %swap3A_259 : vector<1x16xi32> to vector<16xi32>
    %swap3A_261 = vector.shape_cast %add3A_255 : vector<16xi32> to vector<1x16xi32>
    tpu.vector_store %arg6[%swap3A_257, %swap3A_258], %swap3A_261 {strides = array<i32>} : memref<8x64xi32, #tpu.memory_space<vmem>>, vector<1x16xi32>,
    %get3A_262 = arith.constant 4 : i32
    %get3A_263 = arith.index_cast %get3A_262 : i32 to index
    %get3A_264 = arith.constant 48 : index
    %get3A_265 = tpu.vector_load %arg6[%get3A_263, %get3A_264] {strides = array<i32>} : memref<8x64xi32, #tpu.memory_space<vmem>>, vector<1x16xi32>,
    %get3A_266 = vector.shape_cast %get3A_265 : vector<1x16xi32> to vector<16xi32>
    %add3A_267 = vector.broadcast %add3A_222 : i32 to vector<16xi32>
    %add3A_268 = arith.addi %get3A_266, %add3A_267 : vector<16xi32>
    %swap3A_269 = arith.constant 4 : i32
    %swap3A_270 = arith.index_cast %swap3A_269 : i32 to index
    %swap3A_271 = arith.constant 48 : index
    %swap3A_272 = tpu.vector_load %arg6[%swap3A_270, %swap3A_271] {strides = array<i32>} : memref<8x64xi32, #tpu.memory_space<vmem>>, vector<1x16xi32>,
    %swap3A_273 = vector.shape_cast %swap3A_272 : vector<1x16xi32> to vector<16xi32>
    %swap3A_274 = vector.shape_cast %add3A_268 : vector<16xi32> to vector<1x16xi32>
    tpu.vector_store %arg6[%swap3A_270, %swap3A_271], %swap3A_274 {strides = array<i32>} : memref<8x64xi32, #tpu.memory_space<vmem>>, vector<1x16xi32>,
    %add3A_275 = arith.constant 1024 : i32
    %add3A_276 = arith.addi %mul3A_6, %add3A_275 : i32
    %get3A_277 = arith.constant 5 : i32
    %get3A_278 = arith.index_cast %get3A_277 : i32 to index
    %get3A_279 = arith.constant 0 : index
    %get3A_280 = tpu.vector_load %arg6[%get3A_278, %get3A_279] {strides = array<i32>} : memref<8x64xi32, #tpu.memory_space<vmem>>, vector<1x16xi32>,
    %get3A_281 = vector.shape_cast %get3A_280 : vector<1x16xi32> to vector<16xi32>
    %add3A_282 = vector.broadcast %add3A_276 : i32 to vector<16xi32>
    %add3A_283 = arith.addi %get3A_281, %add3A_282 : vector<16xi32>
    %swap3A_284 = arith.constant 5 : i32
    %swap3A_285 = arith.index_cast %swap3A_284 : i32 to index
    %swap3A_286 = arith.constant 0 : index
    %swap3A_287 = tpu.vector_load %arg6[%swap3A_285, %swap3A_286] {strides = array<i32>} : memref<8x64xi32, #tpu.memory_space<vmem>>, vector<1x16xi32>,
    %swap3A_288 = vector.shape_cast %swap3A_287 : vector<1x16xi32> to vector<16xi32>
    %swap3A_289 = vector.shape_cast %add3A_283 : vector<16xi32> to vector<1x16xi32>
    tpu.vector_store %arg6[%swap3A_285, %swap3A_286], %swap3A_289 {strides = array<i32>} : memref<8x64xi32, #tpu.memory_space<vmem>>, vector<1x16xi32>,
    %get3A_290 = arith.constant 5 : i32
    %get3A_291 = arith.index_cast %get3A_290 : i32 to index
    %get3A_292 = arith.constant 16 : index
    %get3A_293 = tpu.vector_load %arg6[%get3A_291, %get3A_292] {strides = array<i32>} : memref<8x64xi32, #tpu.memory_space<vmem>>, vector<1x16xi32>,
    %get3A_294 = vector.shape_cast %get3A_293 : vector<1x16xi32> to vector<16xi32>
    %add3A_295 = vector.broadcast %add3A_276 : i32 to vector<16xi32>
    %add3A_296 = arith.addi %get3A_294, %add3A_295 : vector<16xi32>
    %swap3A_297 = arith.constant 5 : i32
    %swap3A_298 = arith.index_cast %swap3A_297 : i32 to index
    %swap3A_299 = arith.constant 16 : index
    %swap3A_300 = tpu.vector_load %arg6[%swap3A_298, %swap3A_299] {strides = array<i32>} : memref<8x64xi32, #tpu.memory_space<vmem>>, vector<1x16xi32>,
    %swap3A_301 = vector.shape_cast %swap3A_300 : vector<1x16xi32> to vector<16xi32>
    %swap3A_302 = vector.shape_cast %add3A_296 : vector<16xi32> to vector<1x16xi32>
    tpu.vector_store %arg6[%swap3A_298, %swap3A_299], %swap3A_302 {strides = array<i32>} : memref<8x64xi32, #tpu.memory_space<vmem>>, vector<1x16xi32>,
    %get3A_303 = arith.constant 5 : i32
    %get3A_304 = arith.index_cast %get3A_303 : i32 to index
    %get3A_305 = arith.constant 32 : index
    %get3A_306 = tpu.vector_load %arg6[%get3A_304, %get3A_305] {strides = array<i32>} : memref<8x64xi32, #tpu.memory_space<vmem>>, vector<1x16xi32>,
    %get3A_307 = vector.shape_cast %get3A_306 : vector<1x16xi32> to vector<16xi32>
    %add3A_308 = vector.broadcast %add3A_276 : i32 to vector<16xi32>
    %add3A_309 = arith.addi %get3A_307, %add3A_308 : vector<16xi32>
    %swap3A_310 = arith.constant 5 : i32
    %swap3A_311 = arith.index_cast %swap3A_310 : i32 to index
    %swap3A_312 = arith.constant 32 : index
    %swap3A_313 = tpu.vector_load %arg6[%swap3A_311, %swap3A_312] {strides = array<i32>} : memref<8x64xi32, #tpu.memory_space<vmem>>, vector<1x16xi32>,
    %swap3A_314 = vector.shape_cast %swap3A_313 : vector<1x16xi32> to vector<16xi32>
    %swap3A_315 = vector.shape_cast %add3A_309 : vector<16xi32> to vector<1x16xi32>
    tpu.vector_store %arg6[%swap3A_311, %swap3A_312], %swap3A_315 {strides = array<i32>} : memref<8x64xi32, #tpu.memory_space<vmem>>, vector<1x16xi32>,
    %get3A_316 = arith.constant 5 : i32
    %get3A_317 = arith.index_cast %get3A_316 : i32 to index
    %get3A_318 = arith.constant 48 : index
    %get3A_319 = tpu.vector_load %arg6[%get3A_317, %get3A_318] {strides = array<i32>} : memref<8x64xi32, #tpu.memory_space<vmem>>, vector<1x16xi32>,
    %get3A_320 = vector.shape_cast %get3A_319 : vector<1x16xi32> to vector<16xi32>
    %add3A_321 = vector.broadcast %add3A_276 : i32 to vector<16xi32>
    %add3A_322 = arith.addi %get3A_320, %add3A_321 : vector<16xi32>
    %swap3A_323 = arith.constant 5 : i32
    %swap3A_324 = arith.index_cast %swap3A_323 : i32 to index
    %swap3A_325 = arith.constant 48 : index
    %swap3A_326 = tpu.vector_load %arg6[%swap3A_324, %swap3A_325] {strides = array<i32>} : memref<8x64xi32, #tpu.memory_space<vmem>>, vector<1x16xi32>,
    %swap3A_327 = vector.shape_cast %swap3A_326 : vector<1x16xi32> to vector<16xi32>
    %swap3A_328 = vector.shape_cast %add3A_322 : vector<16xi32> to vector<1x16xi32>
    tpu.vector_store %arg6[%swap3A_324, %swap3A_325], %swap3A_328 {strides = array<i32>} : memref<8x64xi32, #tpu.memory_space<vmem>>, vector<1x16xi32>,
    %add3A_329 = arith.constant 1024 : i32
    %add3A_330 = arith.addi %mul3A_6, %add3A_329 : i32
    %get3A_331 = arith.constant 6 : i32
    %get3A_332 = arith.index_cast %get3A_331 : i32 to index
    %get3A_333 = arith.constant 0 : index
    %get3A_334 = tpu.vector_load %arg6[%get3A_332, %get3A_333] {strides = array<i32>} : memref<8x64xi32, #tpu.memory_space<vmem>>, vector<1x16xi32>,
    %get3A_335 = vector.shape_cast %get3A_334 : vector<1x16xi32> to vector<16xi32>
    %add3A_336 = vector.broadcast %add3A_330 : i32 to vector<16xi32>
    %add3A_337 = arith.addi %get3A_335, %add3A_336 : vector<16xi32>
    %swap3A_338 = arith.constant 6 : i32
    %swap3A_339 = arith.index_cast %swap3A_338 : i32 to index
    %swap3A_340 = arith.constant 0 : index
    %swap3A_341 = tpu.vector_load %arg6[%swap3A_339, %swap3A_340] {strides = array<i32>} : memref<8x64xi32, #tpu.memory_space<vmem>>, vector<1x16xi32>,
    %swap3A_342 = vector.shape_cast %swap3A_341 : vector<1x16xi32> to vector<16xi32>
    %swap3A_343 = vector.shape_cast %add3A_337 : vector<16xi32> to vector<1x16xi32>
    tpu.vector_store %arg6[%swap3A_339, %swap3A_340], %swap3A_343 {strides = array<i32>} : memref<8x64xi32, #tpu.memory_space<vmem>>, vector<1x16xi32>,
    %get3A_344 = arith.constant 6 : i32
    %get3A_345 = arith.index_cast %get3A_344 : i32 to index
    %get3A_346 = arith.constant 16 : index
    %get3A_347 = tpu.vector_load %arg6[%get3A_345, %get3A_346] {strides = array<i32>} : memref<8x64xi32, #tpu.memory_space<vmem>>, vector<1x16xi32>,
    %get3A_348 = vector.shape_cast %get3A_347 : vector<1x16xi32> to vector<16xi32>
    %add3A_349 = vector.broadcast %add3A_330 : i32 to vector<16xi32>
    %add3A_350 = arith.addi %get3A_348, %add3A_349 : vector<16xi32>
    %swap3A_351 = arith.constant 6 : i32
    %swap3A_352 = arith.index_cast %swap3A_351 : i32 to index
    %swap3A_353 = arith.constant 16 : index
    %swap3A_354 = tpu.vector_load %arg6[%swap3A_352, %swap3A_353] {strides = array<i32>} : memref<8x64xi32, #tpu.memory_space<vmem>>, vector<1x16xi32>,
    %swap3A_355 = vector.shape_cast %swap3A_354 : vector<1x16xi32> to vector<16xi32>
    %swap3A_356 = vector.shape_cast %add3A_350 : vector<16xi32> to vector<1x16xi32>
    tpu.vector_store %arg6[%swap3A_352, %swap3A_353], %swap3A_356 {strides = array<i32>} : memref<8x64xi32, #tpu.memory_space<vmem>>, vector<1x16xi32>,
    %get3A_357 = arith.constant 6 : i32
    %get3A_358 = arith.index_cast %get3A_357 : i32 to index
    %get3A_359 = arith.constant 32 : index
    %get3A_360 = tpu.vector_load %arg6[%get3A_358, %get3A_359] {strides = array<i32>} : memref<8x64xi32, #tpu.memory_space<vmem>>, vector<1x16xi32>,
    %get3A_361 = vector.shape_cast %get3A_360 : vector<1x16xi32> to vector<16xi32>
    %add3A_362 = vector.broadcast %add3A_330 : i32 to vector<16xi32>
    %add3A_363 = arith.addi %get3A_361, %add3A_362 : vector<16xi32>
    %swap3A_364 = arith.constant 6 : i32
    %swap3A_365 = arith.index_cast %swap3A_364 : i32 to index
    %swap3A_366 = arith.constant 32 : index
    %swap3A_367 = tpu.vector_load %arg6[%swap3A_365, %swap3A_366] {strides = array<i32>} : memref<8x64xi32, #tpu.memory_space<vmem>>, vector<1x16xi32>,
    %swap3A_368 = vector.shape_cast %swap3A_367 : vector<1x16xi32> to vector<16xi32>
    %swap3A_369 = vector.shape_cast %add3A_363 : vector<16xi32> to vector<1x16xi32>
    tpu.vector_store %arg6[%swap3A_365, %swap3A_366], %swap3A_369 {strides = array<i32>} : memref<8x64xi32, #tpu.memory_space<vmem>>, vector<1x16xi32>,
    %get3A_370 = arith.constant 6 : i32
    %get3A_371 = arith.index_cast %get3A_370 : i32 to index
    %get3A_372 = arith.constant 48 : index
    %get3A_373 = tpu.vector_load %arg6[%get3A_371, %get3A_372] {strides = array<i32>} : memref<8x64xi32, #tpu.memory_space<vmem>>, vector<1x16xi32>,
    %get3A_374 = vector.shape_cast %get3A_373 : vector<1x16xi32> to vector<16xi32>
    %add3A_375 = vector.broadcast %add3A_330 : i32 to vector<16xi32>
    %add3A_376 = arith.addi %get3A_374, %add3A_375 : vector<16xi32>
    %swap3A_377 = arith.constant 6 : i32
    %swap3A_378 = arith.index_cast %swap3A_377 : i32 to index
    %swap3A_379 = arith.constant 48 : index
    %swap3A_380 = tpu.vector_load %arg6[%swap3A_378, %swap3A_379] {strides = array<i32>} : memref<8x64xi32, #tpu.memory_space<vmem>>, vector<1x16xi32>,
    %swap3A_381 = vector.shape_cast %swap3A_380 : vector<1x16xi32> to vector<16xi32>
    %swap3A_382 = vector.shape_cast %add3A_376 : vector<16xi32> to vector<1x16xi32>
    tpu.vector_store %arg6[%swap3A_378, %swap3A_379], %swap3A_382 {strides = array<i32>} : memref<8x64xi32, #tpu.memory_space<vmem>>, vector<1x16xi32>,
    %add3A_383 = arith.constant 1024 : i32
    %add3A_384 = arith.addi %mul3A_6, %add3A_383 : i32
    %get3A_385 = arith.constant 7 : i32
    %get3A_386 = arith.index_cast %get3A_385 : i32 to index
    %get3A_387 = arith.constant 0 : index
    %get3A_388 = tpu.vector_load %arg6[%get3A_386, %get3A_387] {strides = array<i32>} : memref<8x64xi32, #tpu.memory_space<vmem>>, vector<1x16xi32>,
    %get3A_389 = vector.shape_cast %get3A_388 : vector<1x16xi32> to vector<16xi32>
    %add3A_390 = vector.broadcast %add3A_384 : i32 to vector<16xi32>
    %add3A_391 = arith.addi %get3A_389, %add3A_390 : vector<16xi32>
    %swap3A_392 = arith.constant 7 : i32
    %swap3A_393 = arith.index_cast %swap3A_392 : i32 to index
    %swap3A_394 = arith.constant 0 : index
    %swap3A_395 = tpu.vector_load %arg6[%swap3A_393, %swap3A_394] {strides = array<i32>} : memref<8x64xi32, #tpu.memory_space<vmem>>, vector<1x16xi32>,
    %swap3A_396 = vector.shape_cast %swap3A_395 : vector<1x16xi32> to vector<16xi32>
    %swap3A_397 = vector.shape_cast %add3A_391 : vector<16xi32> to vector<1x16xi32>
    tpu.vector_store %arg6[%swap3A_393, %swap3A_394], %swap3A_397 {strides = array<i32>} : memref<8x64xi32, #tpu.memory_space<vmem>>, vector<1x16xi32>,
    %get3A_398 = arith.constant 7 : i32
    %get3A_399 = arith.index_cast %get3A_398 : i32 to index
    %get3A_400 = arith.constant 16 : index
    %get3A_401 = tpu.vector_load %arg6[%get3A_399, %get3A_400] {strides = array<i32>} : memref<8x64xi32, #tpu.memory_space<vmem>>, vector<1x16xi32>,
    %get3A_402 = vector.shape_cast %get3A_401 : vector<1x16xi32> to vector<16xi32>
    %add3A_403 = vector.broadcast %add3A_384 : i32 to vector<16xi32>
    %add3A_404 = arith.addi %get3A_402, %add3A_403 : vector<16xi32>
    %swap3A_405 = arith.constant 7 : i32
    %swap3A_406 = arith.index_cast %swap3A_405 : i32 to index
    %swap3A_407 = arith.constant 16 : index
    %swap3A_408 = tpu.vector_load %arg6[%swap3A_406, %swap3A_407] {strides = array<i32>} : memref<8x64xi32, #tpu.memory_space<vmem>>, vector<1x16xi32>,
    %swap3A_409 = vector.shape_cast %swap3A_408 : vector<1x16xi32> to vector<16xi32>
    %swap3A_410 = vector.shape_cast %add3A_404 : vector<16xi32> to vector<1x16xi32>
    tpu.vector_store %arg6[%swap3A_406, %swap3A_407], %swap3A_410 {strides = array<i32>} : memref<8x64xi32, #tpu.memory_space<vmem>>, vector<1x16xi32>,
    %get3A_411 = arith.constant 7 : i32
    %get3A_412 = arith.index_cast %get3A_411 : i32 to index
    %get3A_413 = arith.constant 32 : index
    %get3A_414 = tpu.vector_load %arg6[%get3A_412, %get3A_413] {strides = array<i32>} : memref<8x64xi32, #tpu.memory_space<vmem>>, vector<1x16xi32>,
    %get3A_415 = vector.shape_cast %get3A_414 : vector<1x16xi32> to vector<16xi32>
    %add3A_416 = vector.broadcast %add3A_384 : i32 to vector<16xi32>
    %add3A_417 = arith.addi %get3A_415, %add3A_416 : vector<16xi32>
    %swap3A_418 = arith.constant 7 : i32
    %swap3A_419 = arith.index_cast %swap3A_418 : i32 to index
    %swap3A_420 = arith.constant 32 : index
    %swap3A_421 = tpu.vector_load %arg6[%swap3A_419, %swap3A_420] {strides = array<i32>} : memref<8x64xi32, #tpu.memory_space<vmem>>, vector<1x16xi32>,
    %swap3A_422 = vector.shape_cast %swap3A_421 : vector<1x16xi32> to vector<16xi32>
    %swap3A_423 = vector.shape_cast %add3A_417 : vector<16xi32> to vector<1x16xi32>
    tpu.vector_store %arg6[%swap3A_419, %swap3A_420], %swap3A_423 {strides = array<i32>} : memref<8x64xi32, #tpu.memory_space<vmem>>, vector<1x16xi32>,
    %get3A_424 = arith.constant 7 : i32
    %get3A_425 = arith.index_cast %get3A_424 : i32 to index
    %get3A_426 = arith.constant 48 : index
    %get3A_427 = tpu.vector_load %arg6[%get3A_425, %get3A_426] {strides = array<i32>} : memref<8x64xi32, #tpu.memory_space<vmem>>, vector<1x16xi32>,
    %get3A_428 = vector.shape_cast %get3A_427 : vector<1x16xi32> to vector<16xi32>
    %add3A_429 = vector.broadcast %add3A_384 : i32 to vector<16xi32>
    %add3A_430 = arith.addi %get3A_428, %add3A_429 : vector<16xi32>
    %swap3A_431 = arith.constant 7 : i32
    %swap3A_432 = arith.index_cast %swap3A_431 : i32 to index
    %swap3A_433 = arith.constant 48 : index
    %swap3A_434 = tpu.vector_load %arg6[%swap3A_432, %swap3A_433] {strides = array<i32>} : memref<8x64xi32, #tpu.memory_space<vmem>>, vector<1x16xi32>,
    %swap3A_435 = vector.shape_cast %swap3A_434 : vector<1x16xi32> to vector<16xi32>
    %swap3A_436 = vector.shape_cast %add3A_430 : vector<16xi32> to vector<1x16xi32>
    tpu.vector_store %arg6[%swap3A_432, %swap3A_433], %swap3A_436 {strides = array<i32>} : memref<8x64xi32, #tpu.memory_space<vmem>>, vector<1x16xi32>,
    %mul3A_437 = arith.constant 8 : i32
    %mul3A_438 = arith.muli %add3A, %mul3A_437 : i32
    %mul3A_439 = arith.constant 64 : i32
    %mul3A_440 = arith.muli %mul3A_438, %mul3A_439 : i32
    %dma_start3A = arith.constant 0 : i32
    %dma_start3A_441 = tpu.memref_slice %arg2[%mul3A_440, %dma_start3A] : memref<16384x768xf32, #tpu.memory_space<hbm>> -> memref<64x768xf32, #tpu.memory_space<hbm>>
    %dma_start3A_442 = arith.constant 0 : i32
    %dma_start3A_443 = tpu.memref_slice %arg2[%mul3A_440, %dma_start3A_442] : memref<16384x768xf32, #tpu.memory_space<hbm>> -> memref<64x768xf32, #tpu.memory_space<hbm>>
    tpu.enqueue_dma source(%dma_start3A_443 : memref<64x768xf32, #tpu.memory_space<hbm>>) target(%arg7 : memref<64x768xf32, #tpu.memory_space<vmem>>) target_semaphore(%arg9 : memref<!tpu.dma_semaphore, #tpu.memory_space<semaphore_mem>>)
    %scan3A = arith.constant 0 : i32
    %scan3A_444 = arith.constant 0 : i32
    %scan3A_445 = arith.constant 4 : i32
    %scan3A_446 = arith.addi %scan3A_444, %scan3A_445 : i32
    %scan3A_447 = arith.constant 1 : i32
    scf.for %scan3A_455 = %scan3A_444 to %scan3A_446 step %scan3A_447  : i32 {
      %mul3A_456 = arith.constant 2 : i32
      %mul3A_457 = arith.muli %mul3A_456, %scan3A_455 : i32
      %add3A_458 = arith.addi %mul3A_438, %mul3A_457 : i32
      %mul3A_459 = arith.constant 2 : i32
      %mul3A_460 = arith.muli %mul3A_459, %scan3A_455 : i32
      %dma_wait3A_461 = arith.constant 0 : i32
      %dma_wait3A_462 = arith.constant 0 : i32
      %dma_wait3A_463 = tpu.memref_slice %arg2[%dma_wait3A_461, %dma_wait3A_462] : memref<16384x768xf32, #tpu.memory_space<hbm>> -> memref<64x768xf32, #tpu.memory_space<hbm>>
      %dma_wait3A_464 = arith.constant 0 : i32
      %dma_wait3A_465 = arith.constant 0 : i32
      %dma_wait3A_466 = tpu.memref_slice %arg2[%dma_wait3A_464, %dma_wait3A_465] : memref<16384x768xf32, #tpu.memory_space<hbm>> -> memref<64x768xf32, #tpu.memory_space<hbm>>
      tpu.wait_dma2 semaphore(%arg9 : memref<!tpu.dma_semaphore, #tpu.memory_space<semaphore_mem>>) src(%dma_wait3A_466 : memref<64x768xf32, #tpu.memory_space<hbm>>) dst(%arg7 : memref<64x768xf32, #tpu.memory_space<vmem>>)
      %dma_start3A_467 = arith.constant 0 : i32
      %dma_start3A_468 = tpu.memref_slice %arg6[%mul3A_460, %dma_start3A_467] : memref<8x64xi32, #tpu.memory_space<vmem>> -> memref<1x64xi32, #tpu.memory_space<vmem>>
      %dma_start3A_469 = tpu.memref_squeeze %dma_start3A_468 : memref<1x64xi32, #tpu.memory_space<vmem>> -> memref<64xi32, #tpu.memory_space<vmem>>
      %dma_start3A_470 = arith.constant 0 : i32
      %dma_start3A_471 = arith.constant 0 : i32
      %dma_start3A_472 = tpu.memref_slice %arg4[%dma_start3A_470, %dma_start3A_471] : memref<65536x768xf32, #tpu.memory_space<hbm>> -> memref<65536x768xf32, #tpu.memory_space<hbm>>
      tpu.enqueue_indirect_dma source(%arg7 : memref<64x768xf32, #tpu.memory_space<vmem>>) target(%dma_start3A_472 : memref<65536x768xf32, #tpu.memory_space<hbm>>) offsets(%dma_start3A_469 : memref<64xi32, #tpu.memory_space<vmem>>) semaphore(%arg11 : memref<!tpu.dma_semaphore, #tpu.memory_space<semaphore_mem>>)
      %gt3A = arith.constant 0 : i32
      %gt3A_473 = arith.cmpi sgt, %scan3A_455, %gt3A : i32
      %convert_element_type3A = arith.extui %gt3A_473 : i1 to i32
      %cond3A = arith.constant 0 : i32
      %cond3A_474 = arith.cmpi ne, %convert_element_type3A, %cond3A : i32
      scf.if %cond3A_474 {
        %sub3A = arith.constant 1 : i32
        %sub3A_509 = arith.subi %mul3A_460, %sub3A : i32
        %dma_wait3A_510 = arith.constant 0 : i32
        %dma_wait3A_511 = tpu.memref_slice %arg6[%sub3A_509, %dma_wait3A_510] : memref<8x64xi32, #tpu.memory_space<vmem>> -> memref<1x64xi32, #tpu.memory_space<vmem>>
        %dma_wait3A_512 = tpu.memref_squeeze %dma_wait3A_511 : memref<1x64xi32, #tpu.memory_space<vmem>> -> memref<64xi32, #tpu.memory_space<vmem>>
        %dma_wait3A_513 = arith.constant 0 : i32
        %dma_wait3A_514 = arith.constant 0 : i32
        %dma_wait3A_515 = tpu.memref_slice %arg4[%dma_wait3A_513, %dma_wait3A_514] : memref<65536x768xf32, #tpu.memory_space<hbm>> -> memref<65536x768xf32, #tpu.memory_space<hbm>>
        tpu.wait_indirect_dma semaphore(%arg12 : memref<!tpu.dma_semaphore, #tpu.memory_space<semaphore_mem>>) src(%arg8 : memref<64x768xf32, #tpu.memory_space<vmem>>) dst(%dma_wait3A_515 : memref<65536x768xf32, #tpu.memory_space<hbm>>)
      } else {
      }
      %add3A_475 = arith.constant 1 : i32
      %add3A_476 = arith.addi %add3A_458, %add3A_475 : i32
      %mul3A_477 = arith.constant 64 : i32
      %mul3A_478 = arith.muli %add3A_476, %mul3A_477 : i32
      %dma_start3A_479 = arith.constant 0 : i32
      %dma_start3A_480 = tpu.memref_slice %arg2[%mul3A_478, %dma_start3A_479] : memref<16384x768xf32, #tpu.memory_space<hbm>> -> memref<64x768xf32, #tpu.memory_space<hbm>>
      %dma_start3A_481 = arith.constant 0 : i32
      %dma_start3A_482 = tpu.memref_slice %arg2[%mul3A_478, %dma_start3A_481] : memref<16384x768xf32, #tpu.memory_space<hbm>> -> memref<64x768xf32, #tpu.memory_space<hbm>>
      tpu.enqueue_dma source(%dma_start3A_482 : memref<64x768xf32, #tpu.memory_space<hbm>>) target(%arg8 : memref<64x768xf32, #tpu.memory_space<vmem>>) target_semaphore(%arg10 : memref<!tpu.dma_semaphore, #tpu.memory_space<semaphore_mem>>)
      %dma_wait3A_483 = arith.constant 0 : i32
      %dma_wait3A_484 = arith.constant 0 : i32
      %dma_wait3A_485 = tpu.memref_slice %arg2[%dma_wait3A_483, %dma_wait3A_484] : memref<16384x768xf32, #tpu.memory_space<hbm>> -> memref<64x768xf32, #tpu.memory_space<hbm>>
      %dma_wait3A_486 = arith.constant 0 : i32
      %dma_wait3A_487 = arith.constant 0 : i32
      %dma_wait3A_488 = tpu.memref_slice %arg2[%dma_wait3A_486, %dma_wait3A_487] : memref<16384x768xf32, #tpu.memory_space<hbm>> -> memref<64x768xf32, #tpu.memory_space<hbm>>
      tpu.wait_dma2 semaphore(%arg10 : memref<!tpu.dma_semaphore, #tpu.memory_space<semaphore_mem>>) src(%dma_wait3A_488 : memref<64x768xf32, #tpu.memory_space<hbm>>) dst(%arg8 : memref<64x768xf32, #tpu.memory_space<vmem>>)
      %add3A_489 = arith.constant 1 : i32
      %add3A_490 = arith.addi %mul3A_460, %add3A_489 : i32
      %dma_start3A_491 = arith.constant 0 : i32
      %dma_start3A_492 = tpu.memref_slice %arg6[%add3A_490, %dma_start3A_491] : memref<8x64xi32, #tpu.memory_space<vmem>> -> memref<1x64xi32, #tpu.memory_space<vmem>>
      %dma_start3A_493 = tpu.memref_squeeze %dma_start3A_492 : memref<1x64xi32, #tpu.memory_space<vmem>> -> memref<64xi32, #tpu.memory_space<vmem>>
      %dma_start3A_494 = arith.constant 0 : i32
      %dma_start3A_495 = arith.constant 0 : i32
      %dma_start3A_496 = tpu.memref_slice %arg4[%dma_start3A_494, %dma_start3A_495] : memref<65536x768xf32, #tpu.memory_space<hbm>> -> memref<65536x768xf32, #tpu.memory_space<hbm>>
      tpu.enqueue_indirect_dma source(%arg8 : memref<64x768xf32, #tpu.memory_space<vmem>>) target(%dma_start3A_496 : memref<65536x768xf32, #tpu.memory_space<hbm>>) offsets(%dma_start3A_493 : memref<64xi32, #tpu.memory_space<vmem>>) semaphore(%arg12 : memref<!tpu.dma_semaphore, #tpu.memory_space<semaphore_mem>>)
      %dma_wait3A_497 = arith.constant 0 : i32
      %dma_wait3A_498 = tpu.memref_slice %arg6[%mul3A_460, %dma_wait3A_497] : memref<8x64xi32, #tpu.memory_space<vmem>> -> memref<1x64xi32, #tpu.memory_space<vmem>>
      %dma_wait3A_499 = tpu.memref_squeeze %dma_wait3A_498 : memref<1x64xi32, #tpu.memory_space<vmem>> -> memref<64xi32, #tpu.memory_space<vmem>>
      %dma_wait3A_500 = arith.constant 0 : i32
      %dma_wait3A_501 = arith.constant 0 : i32
      %dma_wait3A_502 = tpu.memref_slice %arg4[%dma_wait3A_500, %dma_wait3A_501] : memref<65536x768xf32, #tpu.memory_space<hbm>> -> memref<65536x768xf32, #tpu.memory_space<hbm>>
      tpu.wait_indirect_dma semaphore(%arg11 : memref<!tpu.dma_semaphore, #tpu.memory_space<semaphore_mem>>) src(%arg7 : memref<64x768xf32, #tpu.memory_space<vmem>>) dst(%dma_wait3A_502 : memref<65536x768xf32, #tpu.memory_space<hbm>>)
      %add3A_503 = arith.constant 1 : i32
      %add3A_504 = arith.addi %scan3A_455, %add3A_503 : i32
      %lt3A = arith.constant 4 : i32
      %lt3A_505 = arith.cmpi slt, %add3A_504, %lt3A : i32
      %convert_element_type3A_506 = arith.extui %lt3A_505 : i1 to i32
      %cond3A_507 = arith.constant 0 : i32
      %cond3A_508 = arith.cmpi ne, %convert_element_type3A_506, %cond3A_507 : i32
      scf.if %cond3A_508 {
        %add3A_509 = arith.constant 2 : i32
        %add3A_510 = arith.addi %add3A_458, %add3A_509 : i32
        %mul3A_511 = arith.constant 64 : i32
        %mul3A_512 = arith.muli %add3A_510, %mul3A_511 : i32
        %dma_start3A_513 = arith.constant 0 : i32
        %dma_start3A_514 = tpu.memref_slice %arg2[%mul3A_512, %dma_start3A_513] : memref<16384x768xf32, #tpu.memory_space<hbm>> -> memref<64x768xf32, #tpu.memory_space<hbm>>
        %dma_start3A_515 = arith.constant 0 : i32
        %dma_start3A_516 = tpu.memref_slice %arg2[%mul3A_512, %dma_start3A_515] : memref<16384x768xf32, #tpu.memory_space<hbm>> -> memref<64x768xf32, #tpu.memory_space<hbm>>
        tpu.enqueue_dma source(%dma_start3A_516 : memref<64x768xf32, #tpu.memory_space<hbm>>) target(%arg7 : memref<64x768xf32, #tpu.memory_space<vmem>>) target_semaphore(%arg9 : memref<!tpu.dma_semaphore, #tpu.memory_space<semaphore_mem>>)
      } else {
      }
    }
    %scan3A_448 = arith.constant 4 : i32
    %dma_wait3A = arith.constant 7 : i32
    %dma_wait3A_449 = arith.constant 0 : i32
    %dma_wait3A_450 = tpu.memref_slice %arg6[%dma_wait3A, %dma_wait3A_449] : memref<8x64xi32, #tpu.memory_space<vmem>> -> memref<1x64xi32, #tpu.memory_space<vmem>>
    %dma_wait3A_451 = tpu.memref_squeeze %dma_wait3A_450 : memref<1x64xi32, #tpu.memory_space<vmem>> -> memref<64xi32, #tpu.memory_space<vmem>>
    %dma_wait3A_452 = arith.constant 0 : i32
    %dma_wait3A_453 = arith.constant 0 : i32
    %dma_wait3A_454 = tpu.memref_slice %arg4[%dma_wait3A_452, %dma_wait3A_453] : memref<65536x768xf32, #tpu.memory_space<hbm>> -> memref<65536x768xf32, #tpu.memory_space<hbm>>
    tpu.wait_indirect_dma semaphore(%arg12 : memref<!tpu.dma_semaphore, #tpu.memory_space<semaphore_mem>>) src(%arg8 : memref<64x768xf32, #tpu.memory_space<vmem>>) dst(%dma_wait3A_454 : memref<65536x768xf32, #tpu.memory_space<hbm>>)
    return
  }
}

module attributes {stable_mosaic.version = 14 : i64} {
  func.func @_ln_body(%arg0: i32, %arg1: memref<1024x768xf32, #tpu.memory_space<vmem>>, %arg2: memref<1024x768xf32, #tpu.memory_space<vmem>>, %arg3: memref<1x768xf32, #tpu.memory_space<vmem>>, %arg4: memref<1x768xf32, #tpu.memory_space<vmem>>, %arg5: memref<1024x768xf32, #tpu.memory_space<vmem>>) attributes {dimension_semantics = [#tpu.dimension_semantics<arbitrary>], iteration_bounds = array<i64: 16>, scalar_prefetch = 0 : i64, scratch_operands = 0 : i64, tpu.core_type = #tpu.core_type<tc>, window_params = [{transform_indices = @transform_0, window_bounds = array<i64: 1024, 768>}, {transform_indices = @transform_1, window_bounds = array<i64: 1024, 768>}, {pipeline_mode = #tpu.pipeline_mode<synchronous>, transform_indices = @transform_2, window_bounds = array<i64: 1, 768>}, {pipeline_mode = #tpu.pipeline_mode<synchronous>, transform_indices = @transform_3, window_bounds = array<i64: 1, 768>}, {transform_indices = @transform_4, window_bounds = array<i64: 1024, 768>}]} {
    %get3A = arith.constant 0 : index
    %get3A_0 = arith.constant 0 : index
    %get3A_1 = vector.load %arg1[%get3A, %get3A_0] : memref<1024x768xf32, #tpu.memory_space<vmem>>, vector<1024x768xf32>
    %get3A_2 = arith.constant 0 : index
    %get3A_3 = arith.constant 0 : index
    %get3A_4 = vector.load %arg2[%get3A_2, %get3A_3] : memref<1024x768xf32, #tpu.memory_space<vmem>>, vector<1024x768xf32>
    %add3A = arith.addf %get3A_1, %get3A_4 : vector<1024x768xf32>
    %reduce_sum3A = arith.constant dense<0.000000e+00> : vector<1024xf32>
    %reduce_sum3A_5 = vector.multi_reduction <add>, %add3A, %reduce_sum3A [1] : vector<1024x768xf32> to vector<1024xf32>
    %broadcast_in_dim3A = vector.shape_cast %reduce_sum3A_5 : vector<1024xf32> to vector<1024x1xf32>
    %div3A = arith.constant 7.680000e+02 : f32
    %div3A_6 = vector.broadcast %div3A : f32 to vector<1024x1xf32>
    %div3A_7 = arith.divf %broadcast_in_dim3A, %div3A_6 : vector<1024x1xf32>
    %sub3A = vector.broadcast %div3A_7 : vector<1024x1xf32> to vector<1024x768xf32>
    %sub3A_8 = arith.subf %add3A, %sub3A : vector<1024x768xf32>
    %mul3A = arith.mulf %sub3A_8, %sub3A_8 : vector<1024x768xf32>
    %reduce_sum3A_9 = arith.constant dense<0.000000e+00> : vector<1024xf32>
    %reduce_sum3A_10 = vector.multi_reduction <add>, %mul3A, %reduce_sum3A_9 [1] : vector<1024x768xf32> to vector<1024xf32>
    %broadcast_in_dim3A_11 = vector.shape_cast %reduce_sum3A_10 : vector<1024xf32> to vector<1024x1xf32>
    %div3A_12 = arith.constant 7.680000e+02 : f32
    %div3A_13 = vector.broadcast %div3A_12 : f32 to vector<1024x1xf32>
    %div3A_14 = arith.divf %broadcast_in_dim3A_11, %div3A_13 : vector<1024x1xf32>
    %add3A_15 = arith.constant 9.99999974E-6 : f32
    %add3A_16 = vector.broadcast %add3A_15 : f32 to vector<1024x1xf32>
    %add3A_17 = arith.addf %div3A_14, %add3A_16 : vector<1024x1xf32>
    %sqrt3A = math.sqrt %add3A_17 : vector<1024x1xf32>
    %div3A_18 = vector.broadcast %sqrt3A : vector<1024x1xf32> to vector<1024x768xf32>
    %div3A_19 = arith.divf %sub3A_8, %div3A_18 : vector<1024x768xf32>
    %get3A_20 = arith.constant 0 : index
    %get3A_21 = arith.constant 0 : index
    %get3A_22 = vector.load %arg3[%get3A_20, %get3A_21] : memref<1x768xf32, #tpu.memory_space<vmem>>, vector<1x768xf32>
    %mul3A_23 = vector.broadcast %get3A_22 : vector<1x768xf32> to vector<1024x768xf32>
    %mul3A_24 = arith.mulf %div3A_19, %mul3A_23 : vector<1024x768xf32>
    %get3A_25 = arith.constant 0 : index
    %get3A_26 = arith.constant 0 : index
    %get3A_27 = vector.load %arg4[%get3A_25, %get3A_26] : memref<1x768xf32, #tpu.memory_space<vmem>>, vector<1x768xf32>
    %add3A_28 = vector.broadcast %get3A_27 : vector<1x768xf32> to vector<1024x768xf32>
    %add3A_29 = arith.addf %mul3A_24, %add3A_28 : vector<1024x768xf32>
    %swap3A = arith.constant 0 : index
    %swap3A_30 = arith.constant 0 : index
    %swap3A_31 = vector.load %arg5[%swap3A, %swap3A_30] : memref<1024x768xf32, #tpu.memory_space<vmem>>, vector<1024x768xf32>
    tpu.vector_store %arg5[%swap3A, %swap3A_30], %add3A_29 {strides = array<i32>} : memref<1024x768xf32, #tpu.memory_space<vmem>>, vector<1024x768xf32>,
    return
  }
  func.func @transform_0(%arg0: i32) -> (i32, i32) {
    %c0_i32 = arith.constant 0 : i32
    %c0_i32_0 = arith.constant 0 : i32
    return %arg0, %c0_i32 : i32, i32
  }
  func.func @transform_1(%arg0: i32) -> (i32, i32) {
    %c0_i32 = arith.constant 0 : i32
    %c0_i32_0 = arith.constant 0 : i32
    return %arg0, %c0_i32 : i32, i32
  }
  func.func @transform_2(%arg0: i32) -> (i32, i32) {
    %c0_i32 = arith.constant 0 : i32
    %c0_i32_0 = arith.constant 0 : i32
    %c0_i32_1 = arith.constant 0 : i32
    return %c0_i32, %c0_i32_0 : i32, i32
  }
  func.func @transform_3(%arg0: i32) -> (i32, i32) {
    %c0_i32 = arith.constant 0 : i32
    %c0_i32_0 = arith.constant 0 : i32
    %c0_i32_1 = arith.constant 0 : i32
    return %c0_i32, %c0_i32_0 : i32, i32
  }
  func.func @transform_4(%arg0: i32) -> (i32, i32) {
    %c0_i32 = arith.constant 0 : i32
    %c0_i32_0 = arith.constant 0 : i32
    return %arg0, %c0_i32 : i32, i32
  }
}

</mosaic_0001>

<sc_bundles>
// kernel: kernel.5.cloned.1.call-start
scs
__scs_entry_jumppad:
0x0: {  	(pc) =	sbr.rel $0x88, $3  }
0x1: {  	(tag) =	ssettag $0x0;
	lr =	simm.s32 $0x1  }
0x2: {  	[smem:$0x3F9A] =	sst lr;
	_ =	strace $0xD0000000  }
0x3: {  	_ = 	snop  }
0x4: {  	_ = 	snop  }
0x5: {  	_ = 	snop  }
0x6: {  	_ = 	snop  }
0x7: {  	_ = 	snop  }
__scs_overlays_trampoline_lowered:
0x8: {  	[smem:$0x3FA9] =	sst s0  }
0x9: {  	[smem:$0x3FAA] =	sst s1  }
0xa: {  	[smem:$0x3FAB] =	sst s2  }
0xb: {  	[smem:$0x3FAC] =	sst s3  }
0xc: {  	[smem:$0x3FAD] =	sst s4  }
0xd: {  	[smem:$0x3FAE] =	sst s5  }
0xe: {  	[smem:$0x3FAF] =	sst s6  }
0xf: {  	[smem:$0x3FB0] =	sst s7  }
0x10: {  	[smem:$0x3FB1] =	sst s8  }
0x11: {  	[smem:$0x3FB2] =	sst s9;
	s0 =	simm.s32 @!p0 $0x0  }
0x12: {  	s1 =	sld [smem:$0x3F98];
	s0 =	simm.s32 @p0 $0x1  }
0x13: {  	[smem:$0x3FB3] =	sst s0;
	s0 =	simm.s32 @!p1 $0x0  }
0x14: {  	s2 =	sld [smem:$0x3F97];
	s0 =	simm.s32 @p1 $0x1  }
0x15: {  	[smem:$0x3FB4] =	sst s0;
	s0 =	simm.s32 @!p2 $0x0  }
0x16: {  	s3 =	sld [smem:$0x3FDB];
	s0 =	simm.s32 @p2 $0x1  }
0x17: {  	s4 =	simm.s32 $0x1BF5;
	[smem:$0x3FB6] =	sst s0  }
0x18: {  	s0 =	sld [smem:$0x3F99];
	_ =	swait.ge [sflag:s4], $0x0  }
0x19: {  	s7 =	sld [smem:$0x3F9A]  }
0x1a: {  	s8 =	sadd.s32 $0xFFFFE003, lr  }
0x1b: {  	s9 =	sadd.s32 $0xFFFFFEF7, lr;
	s5 =	simm.s32 $0xFFFFFFFF;
	p2 =	slt.u32 s8, $0xFFFFF086  }
0x1c: {  	p1 =	slt.u32 s9, $0xF7A;
	s5 =	simm.s32 @!p2 $0x0  }
0x1d: {  	s5 =	simm.s32 @p1 $0x1;
	p0 =	seq.s32 s7, s2  }
0x1e: {  	s7 =	smul.u32 @!p0 $0xF7A, s2;
	p2 =	seq.s32 @!p0 s5, $0x0  }
0x1f: {  	s9 =	smul.u32 $0xF7A, s1;
	s8 =	simm.s32 @!p0 $0x1BF5;
	p2 =	por !p2, p0  }
0x20: {  	[sflag:s8] =	ssyncset.s32 @!p0 $0xFFFFF086;
	s6 =	sadd.s32 @!p0 s3, s7;
	s7 =	simm.s32 @!p0 $0x108  }
0x21: {  	s3 =	sadd.s32 s3, s9;
	s6 =	sadd.s32 @!p0 $0x88, s6;
	s7 =	simm.s32 @p2 $0x1082  }
0x22: {  	[simem:s7], [sflag:s8] =	dma.local @!p0 [hbm:s6], $0xF7A  }
0x23: {  	s9 =	sor.u32 $0xD0000000, s2;
	s6 =	simm.s32 $0x108;
	_ =	swait.ge @!p0 [sflag:s8], $0x0  }
0x24: {  	s3 =	sadd.s32 $0x88, s3;
	s6 =	simm.s32 @!p1 $0x1082;
	[sflag:s4] =	ssyncset.s32 $0xFFFFF086  }
0x25: {  	[simem:s6], [sflag:s4] =	dma.local [hbm:s3], $0xF7A  }
0x26: {  	[smem:$0x3F9A] =	sst s1;
	(tag) =	ssettag s2;
	_ =	strace s9  }
0x27: {  	s1 =	sld [smem:$0x3FAA]  }
0x28: {  	s2 =	sld [smem:$0x3FAB]  }
0x29: {  	s4 =	sld [smem:$0x3FAD]  }
0x2a: {  	p0 =	seq.s32 s5, $0x0;
	s5 =	sld [smem:$0x3FAE]  }
0x2b: {  	s6 =	sld [smem:$0x3FAF]  }
0x2c: {  	s7 =	sld [smem:$0x3FB0]  }
0x2d: {  	s3 =	simm.s32 $0x108;
	s8 =	sld [smem:$0x3FB1]  }
0x2e: {  	s3 =	simm.s32 @!p0 $0x1082;
	s9 =	sld [smem:$0x3FB2]  }
0x2f: {  	lr =	sadd.s32 s0, s3;
	s0 =	sld [smem:$0x3FA9]  }
0x30: {  	s3 =	sld [smem:$0x3FAC]  }
0x31: {  	[smem:$0x3FB5] =	sst s10  }
0x32: {  	s10 =	sld [smem:$0x3FB3];
	_ =	sdelay $0x3  }
0x33: {  	p0 =	seq.s32 s10, $0x1;
	s10 =	sld [smem:$0x3FB5];
	_ =	sdelay $0x3  }
0x34: {  	[smem:$0x3FB5] =	sst s10  }
0x35: {  	s10 =	sld [smem:$0x3FB4];
	_ =	sdelay $0x3  }
0x36: {  	p1 =	seq.s32 s10, $0x1;
	s10 =	sld [smem:$0x3FB5];
	_ =	sdelay $0x3  }
0x37: {  	[smem:$0x3FB5] =	sst s10  }
0x38: {  	s10 =	sld [smem:$0x3FB6]  }
0x39: {  	_ = 	snop;
	(pc) =	sbr.ind lr, $3  }
0x3a: {  	_ = 	snop  }
0x3b: {  	_ = 	snop  }
0x3c: {  	p2 =	seq.s32 s10, $0x1;
	s10 =	sld [smem:$0x3FB5]  }
0x3d: {  	_ =	shalt  }
0x3e: {  	_ =	shalt  }
0x3f: {  	_ =	shalt  }
0x40: {  	_ =	shalt  }
0x41: {  	_ =	shalt  }
0x42: {  	_ =	shalt  }
0x43: {  	_ =	shalt  }
0x44: {  	_ =	shalt  }
0x45: {  	_ =	shalt  }
0x46: {  	_ =	shalt  }
0x47: {  	_ =	shalt  }
0x48: {  	_ =	shalt  }
0x49: {  	_ =	shalt  }
0x4a: {  	_ =	shalt  }
0x4b: {  	_ =	shalt  }
0x4c: {  	_ =	shalt  }
0x4d: {  	_ =	shalt  }
0x4e: {  	_ =	shalt  }
0x4f: {  	_ =	shalt  }
0x50: {  	_ =	shalt  }
0x51: {  	_ =	shalt  }
0x52: {  	_ =	shalt  }
0x53: {  	_ =	shalt  }
0x54: {  	_ =	shalt  }
0x55: {  	_ =	shalt  }
0x56: {  	_ =	shalt  }
0x57: {  	_ =	shalt  }
0x58: {  	_ =	shalt  }
0x59: {  	_ =	shalt  }
0x5a: {  	_ =	shalt  }
0x5b: {  	_ =	shalt  }
0x5c: {  	_ =	shalt  }
0x5d: {  	_ =	shalt  }
0x5e: {  	_ =	shalt  }
0x5f: {  	_ =	shalt  }
0x60: {  	_ =	shalt  }
0x61: {  	_ =	shalt  }
0x62: {  	_ =	shalt  }
0x63: {  	_ =	shalt  }
0x64: {  	_ =	shalt  }
0x65: {  	_ =	shalt  }
0x66: {  	_ =	shalt  }
0x67: {  	_ =	shalt  }
0x68: {  	_ =	shalt  }
0x69: {  	_ =	shalt  }
0x6a: {  	_ =	shalt  }
0x6b: {  	_ =	shalt  }
0x6c: {  	_ =	shalt  }
0x6d: {  	_ =	shalt  }
0x6e: {  	_ =	shalt  }
0x6f: {  	_ =	shalt  }
0x70: {  	_ =	shalt  }
0x71: {  	_ =	shalt  }
0x72: {  	_ =	shalt  }
0x73: {  	_ =	shalt  }
0x74: {  	_ =	shalt  }
0x75: {  	_ =	shalt  }
0x76: {  	_ =	shalt  }
0x77: {  	_ =	shalt  }
0x78: {  	_ =	shalt  }
0x79: {  	_ =	shalt  }
0x7a: {  	_ =	shalt  }
0x7b: {  	_ =	shalt  }
0x7c: {  	_ =	shalt  }
0x7d: {  	_ =	shalt  }
0x7e: {  	_ =	shalt  }
0x7f: {  	_ =	shalt  }
0x80: {  	_ =	shalt  }
0x81: {  	_ =	shalt  }
0x82: {  	_ =	shalt  }
0x83: {  	_ =	shalt  }
0x84: {  	_ =	shalt  }
0x85: {  	_ =	shalt  }
0x86: {  	_ =	shalt  }
0x87: {  	_ =	shalt  }
.Lfunc_end0:
.L_simem_size_0:
called_computation_lowered:
.L_overlay_start_0:
0x88: {  	s2 =	sld [smem:$0x3FD9]  }
0x89: {  	s3 =	sld [smem:$0x3FFE];
	_ =	sdelay $0x1  }
0x8a: {  	s1 =	srdreg.scid  }
0x8b: {  	s0 =	sand.u32 $0x1, s1  }
0x8c: {  	s17 =	sshll.u32 s0, $0xA;
	s2 =	sadd.s32 s3, s2  }
0x8d: {  	s2 =	sadd.s32 s2, s17  }
0x8e: {  	[smem:$0x3FC1] =	sst s2  }
0x8f: {  	_ = 	snop  }
0x90: {  	s2 =	sld [smem:$0x3FC8]  }
0x91: {  	s18 =	sld [smem:$0x3FD0];
	(tm) =	ssettm $0x1  }
0x92: {  	s4 =	sld [smem:$0x3FFB];
	_ =	sdelay $0x3  }
0x93: {  	_ =	strace s4  }
0x94: {  	s4 =	sld [smem:$0x3FFC];
	_ =	sdelay $0x3  }
0x95: {  	_ =	strace s4  }
0x96: {  	s4 =	sld [smem:$0x3FFD];
	_ =	sdelay $0x3  }
0x97: {  	_ =	strace s4  }
0x98: {  	_ =	strace $0x8FFFFFFF  }
0x99: {  	s19 =	sld [smem:$0x3FDB];
	_ =	sdelay $0x1  }
0x9a: {  	s5 =	simm.s32 $_scs_section_size  }
0x9b: {  	s6 =	simm.s32 $_size__tile_overlayer_lowered;
	s7 =	simm.s32 $_tile_overlayer_lowered  }
0x9c: {  	s22 =	simm.s32 $0x1BFF;
	s21 =	sshll.u32 s7, $0x1;
	s4 =	sadd.s32 s5, s19  }
0x9d: {  	s8 =	simm.s32 $0x0;
	s20 =	sshll.u32 s6, $0x1;
	s6 =	sadd.s32 s21, s4  }
0x9e: {  	[timem:s8], [sflag:s22] =	dma.local [hbm:s6], s20  }
0x9f: {  	_ =	swait.ge [sflag:s22], s20  }
0xa0: {  	s5 =	ssub.s32 $0x0, s20;
	[sflag:s22] =	ssyncset.done $0x0  }
0xa1: {  	[sflag:s22] =	ssyncadd.s32 s5;
	_ =	sdelay $0x1  }
0xa2: {  	s23 =	simm.s32 $0x1B8B  }
0xa3: {  	_ =	swait.ge [sflag:s23], $0x1  }
0xa4: {  	[sflag:s23] =	ssyncset.done $0x0  }
0xa5: {  	s25 =	simm.s32 $0x1B8E;
	s24 =	sld [smem:$0x3FFE];
	[sflag:s23] =	ssyncadd.s32 $0xFFFFFFFF  }
0xa6: {  	s26 =	simm.s32 $execute0_lowered;
	[smem:$0x3FD2] =	sst s25  }
0xa7: {  	s6 =	sshll.u32 s26, $0x1;
	_ =	strace $0x80000046;
	[dreg:$0x1] =	wrdreg $0xFFFFFFFF  }
0xa8: {  	s28 =	simm.s32 $_size_execute0_lowered;
	s4 =	sadd.s32 s4, s6;
	[dreg:$0x0] =	wrdreg $0x0  }
0xa9: {  	s6 =	sshll.u32 s28, $0x1;
	[dreg:$0x2] =	wrdreg s4  }
0xaa: {  	[dreg:$0x3] =	wrdreg s6  }
0xab: {  	[dreg:$0x4] =	wrdreg $0xC0  }
0xac: {  	_ =	task [dreg:s8], $0x5FFFF  }
0xad: {  	[dreg:$0x1] =	wrdreg $0xFFFFFFFF  }
0xae: {  	[dreg:$0x0] =	wrdreg $0x60  }
0xaf: {  	[dreg:$0x2] =	wrdreg s2  }
0xb0: {  	[dreg:$0x3] =	wrdreg s24  }
0xb1: {  	[dreg:$0x4] =	wrdreg s18  }
0xb2: {  	[dreg:$0x5] =	wrdreg $0x9  }
0xb3: {  	_ =	task.clear_ibuf [dreg:s8], $0x6FFFF;
	_ =	strace $0x90000046  }
0xb4: {  	s29 =	simm.s32 $0x9;
	_ =	strace $0x80000048  }
0xb5: {  	_ =	swait.ge [sflag:s29], $0x1  }
0xb6: {  	[sflag:s29] =	ssyncadd.s32 $0xFFFFFFFF  }
0xb7: {  	_ =	strace $0x90000048  }
0xb8: {  	_ =	sfence  }
0xb9: {  	s30 =	sld [smem:$0x0];
	_ =	sdelay $0x2  }
0xba: {  	s31 =	sshll.u32 s1, $0xD;
	s1 =	sshrl.u32 s1, $0x2  }
0xbb: {  	s3 =	sand.u32 $0x4000, s31;
	s1 =	sadd.s32 s1, s30  }
0xbc: {  	s0 =	sor.u32 s3, s0;
	s1 =	sshll.u32 s1, $0x11  }
0xbd: {  	s0 =	sor.u32 s1, s0  }
0xbe: {  	s0 =	sadd.s32 $0x8F2B, s0  }
0xbf: {  	[sflag:s0] =	ssyncadd.remote.s32 $0x1  }
0xc0: {  	_ =	sfence.sel $0xFFFF  }
0xc1: {  	[dreg:$0x0] =	wrdreg $0xFFFFFFFF;
	(pc) =	sbr.abs _section_cstart, $3  }
0xc2: {  	[dreg:$0x1] =	wrdreg $0xFFFFFFFF  }
0xc3: {  	_ =	task.clear_ibuf [dreg:s8], $0x2FFFF;
	_ =	strace $0x9FFFFFFF  }
0xc4: {  	(tm) =	ssettm $0x7FFFFFFF  }
0xc5: {  	_ =	shalt  }
tec
execute0_lowered:
.L_overlay_start_1:
0x0: {  	(tag) =	ssettag $0x1  }
0x1: {  	s0 =	rddreg [dreg:$0x0]  }
0x2: {  	s1 =	rddreg [dreg:$0x1];
	s3 =	srdreg.scid  }
0x3: {  	s12 =	stileid.u32;
	s2 =	rddreg [dreg:$0x2]  }
0x4: {  	s13 =	simm.s32 $0xCC00;
	s15 =	simm.s32 $0x1;
	s16 =	simm.s32 $0x12400  }
0x5: {  	s17 =	simm.s32 $0x13C00;
	s28 =	simm.s32 $0x15400;
	s29 =	simm.s32 $0x3  }
0x6: {  	s30 =	simm.s32 $0x16400;
	s31 =	simm.s32 $0x16C00;
	s10 =	smul.u32 $0x240000, s12  }
0x7: {  	s4 =	sand.u32 $0x1, s3;
	s5 =	sshll.u32 s12, $0x1;
	s21 =	smul.u32 $0x48000, s12  }
0x8: {  	s3 =	simm.s32 $0x0;
	s5 =	sor.u32 s4, s5;
	s20 =	smul.u32 $0x120000, s4  }
0x9: {  	[smem:$0x7FF] =	sst s3;
	s7 =	ssub.s32 $0x2, s4;
	s4 =	smul.u32 $0x24000, s4  }
0xa: {  	s12 =	simm.s32 $0x15C00;
	s6 =	smul.u32 $0x180, s5;
	_ =	strace $0x80000047  }
0xb: {  	s9 =	smul.u32 $0x24000, s5;
	s19 =	sshrl.u32 s7, $0x1;
	s5 =	sshll.u32 s5, $0xB  }
0xc: {  	s11 =	ssub.s32 s7, s19;
	s8 =	sor.u32 $0x400, s5;
	s23 =	sadd.s32 s20, s10  }
0xd: {  	s7 =	sadd.s32 $0x200, s2;
	s20 =	simm.s32 $0xC00;
	v0 =	vmov s5;
	s5 =	simm.s32 $0x10C00  }
0xe: {  	s1 =	sadd.s32 s6, s1;
	s22 =	sadd.s32 s0, s9;
	s6 =	sadd.s32 $0x100, s2  }
0xf: {  	s24 =	sor.u32 $0xC000, s23;
	s26 =	smax.u32 s11, $0x1;
	s23 =	simm.s32 $0x2  }
0x10: {  	v1 =	vmov s8;
	s8 =	simm.s32 $0x11400;
	s11 =	simm.s32 $0x11C00;
	s9 =	simm.s32 $0x12C00  }
0x11: {  	s1 =	sadd.s32 $0xE00, s1;
	[dreg:$0x5] =	wrdreg s22;
	s25 =	sshrl.u32 s24, $0x3  }
0x12: {  	[dreg:$0x6] =	wrdreg s26;
	s22 =	simm.s32 $0x1C00;
	s24 =	simm.s32 $0x13400  }
0x13: {  	s26 =	simm.s32 $0x14C00;
	[dreg:$0x4] =	wrdreg s1;
	s1 =	sadd.s32 s21, s0  }
0x14: {  	v4 =	vlaneseq.u32;
	s0 =	sadd.s32 s25, s0;
	s21 =	simm.s32 $0x1400;
	s1 =	sadd.s32 s4, s1  }
0x15: {  	vm0 =	vmmov $0xffff;
	v3 =	vshrl.u32 v4, $0x3;
	s25 =	simm.s32 $0x14400;
	[dreg:$0x8] =	wrdreg s0;
	s1 =	sadd.s32 $0x3000, s1  }
0x16: {  	v2 =	vand.u32 $0x7, v4;
	v4 =	vor.u32 $0x8, v4;
	v3 =	vmul.u32 $0x8, v3;
	s4 =	simm.s32 $0x18400;
	[dreg:$0x7] =	wrdreg s1;
	s1 =	simm.s32 $0x0  }
.LBB2_1:
0x17: {  	[dreg:$0x9] =	wrdreg s1  }
0x18: {  	s18 =	rddreg [dreg:$0x4];
	s14 =	simm.s32 $0x5  }
0x19: {  	[tilespmem:s3], [sflag:$0x5] =	stream.linear.gather [hbm4b:s18+s3], $0xC00, $0x38;
	[tilespmem:$0x18C00] =	vst v63  }
0x1a: {  	_ =	swait.ge [sflag:s14], $0xC00  }
0x1b: {  	[sflag:s14] =	ssyncset.done $0x0  }
0x1c: {  	[sflag:s14] =	ssyncadd.s32 $0xFFFFF400  }
0x1d: {  	v5 =	vld [tilespmem:$0x0]  }
0x1e: {  	v6 =	vld [tilespmem:$0x10]  }
0x1f: {  	v7 =	vld [tilespmem:$0x20]  }
0x20: {  	v8 =	vld [tilespmem:$0x30]  }
0x21: {  	v9 =	vld [tilespmem:$0x80]  }
0x22: {  	v10 =	vld [tilespmem:$0x90];
	v5 =	vadd.s32 v0, v5  }
0x23: {  	[tilespmem:$0x0] =	vst v5;
	v5 =	vadd.s32 v0, v6;
	v6 =	vld [tilespmem:$0xA0]  }
0x24: {  	[tilespmem:$0x10] =	vst v5;
	v5 =	vadd.s32 v0, v7;
	v7 =	vld [tilespmem:$0xB0]  }
0x25: {  	v62 =	vld [tilespmem:$0x100];
	[tilespmem:$0x20] =	vst v5;
	v5 =	vadd.s32 v0, v8  }
0x26: {  	v63 =	vld [tilespmem:$0x110];
	[tilespmem:$0x30] =	vst v5;
	v5 =	vadd.s32 v0, v9  }
0x27: {  	v12 =	vld [tilespmem:$0x120];
	[tilespmem:$0x80] =	vst v5;
	v5 =	vadd.s32 v0, v10  }
0x28: {  	[tilespmem:$0x90] =	vst v5;
	v5 =	vadd.s32 v0, v6;
	v6 =	vld [tilespmem:$0x130]  }
0x29: {  	[tilespmem:$0xA0] =	vst v5;
	v5 =	vadd.s32 v0, v7;
	v7 =	vld [tilespmem:$0x180]  }
0x2a: {  	v13 =	vld [tilespmem:$0x190];
	[tilespmem:$0xB0] =	vst v5;
	v5 =	vadd.s32 v0, v62  }
0x2b: {  	v14 =	vld [tilespmem:$0x1A0];
	[tilespmem:$0x100] =	vst v5;
	v5 =	vadd.s32 v0, v63  }
0x2c: {  	v15 =	vld [tilespmem:$0x1B0];
	[tilespmem:$0x110] =	vst v5;
	v5 =	vadd.s32 v0, v12  }
0x2d: {  	[tilespmem:$0x120] =	vst v5;
	v5 =	vadd.s32 v0, v6;
	v6 =	vld [tilespmem:$0x200]  }
0x2e: {  	[tilespmem:$0x130] =	vst v5;
	v5 =	vadd.s32 v0, v7;
	v7 =	vld [tilespmem:$0x210]  }
0x2f: {  	v16 =	vld [tilespmem:$0x220];
	[tilespmem:$0x180] =	vst v5;
	v5 =	vadd.s32 v0, v13  }
0x30: {  	v17 =	vld [tilespmem:$0x230];
	[tilespmem:$0x190] =	vst v5;
	v5 =	vadd.s32 v0, v14  }
0x31: {  	v18 =	vld [tilespmem:$0x280];
	[tilespmem:$0x1A0] =	vst v5;
	v5 =	vadd.s32 v0, v15  }
0x32: {  	[tilespmem:$0x1B0] =	vst v5;
	v5 =	vadd.s32 v0, v6;
	v6 =	vld [tilespmem:$0x290]  }
0x33: {  	[tilespmem:$0x200] =	vst v5;
	v5 =	vadd.s32 v0, v7;
	v7 =	vld [tilespmem:$0x2A0]  }
0x34: {  	v19 =	vld [tilespmem:$0x2B0];
	[tilespmem:$0x210] =	vst v5;
	v5 =	vadd.s32 v0, v16  }
0x35: {  	v20 =	vld [tilespmem:$0x300];
	[tilespmem:$0x220] =	vst v5;
	v5 =	vadd.s32 v0, v17  }
0x36: {  	v21 =	vld [tilespmem:$0x310];
	[tilespmem:$0x230] =	vst v5;
	v5 =	vadd.s32 v0, v18  }
0x37: {  	[tilespmem:$0x280] =	vst v5;
	v5 =	vadd.s32 v0, v6;
	v6 =	vld [tilespmem:$0x320]  }
0x38: {  	[tilespmem:$0x290] =	vst v5;
	v5 =	vadd.s32 v0, v7;
	v7 =	vld [tilespmem:$0x330]  }
0x39: {  	v22 =	vld [tilespmem:$0x380];
	[tilespmem:$0x2A0] =	vst v5;
	v5 =	vadd.s32 v0, v19  }
0x3a: {  	v23 =	vld [tilespmem:$0x390];
	[tilespmem:$0x2B0] =	vst v5;
	v5 =	vadd.s32 v0, v20  }
0x3b: {  	v24 =	vld [tilespmem:$0x3A0];
	[tilespmem:$0x300] =	vst v5;
	v5 =	vadd.s32 v0, v21  }
0x3c: {  	[tilespmem:$0x310] =	vst v5;
	v5 =	vadd.s32 v0, v6;
	v6 =	vld [tilespmem:$0x3B0]  }
0x3d: {  	[tilespmem:$0x320] =	vst v5;
	v5 =	vadd.s32 v0, v7;
	v7 =	vld [tilespmem:$0x400]  }
0x3e: {  	v25 =	vld [tilespmem:$0x410];
	[tilespmem:$0x330] =	vst v5;
	v5 =	vadd.s32 v0, v22  }
0x3f: {  	v26 =	vld [tilespmem:$0x420];
	[tilespmem:$0x380] =	vst v5;
	v5 =	vadd.s32 v0, v23  }
0x40: {  	v27 =	vld [tilespmem:$0x430];
	[tilespmem:$0x390] =	vst v5;
	v5 =	vadd.s32 v0, v24  }
0x41: {  	[tilespmem:$0x3A0] =	vst v5;
	v5 =	vadd.s32 v0, v6;
	v6 =	vld [tilespmem:$0x480]  }
0x42: {  	[tilespmem:$0x3B0] =	vst v5;
	v5 =	vadd.s32 v0, v7;
	v7 =	vld [tilespmem:$0x490]  }
0x43: {  	v28 =	vld [tilespmem:$0x4A0];
	[tilespmem:$0x400] =	vst v5;
	v5 =	vadd.s32 v0, v25  }
0x44: {  	v29 =	vld [tilespmem:$0x4B0];
	[tilespmem:$0x410] =	vst v5;
	v5 =	vadd.s32 v0, v26  }
0x45: {  	v30 =	vld [tilespmem:$0x500];
	[tilespmem:$0x420] =	vst v5;
	v5 =	vadd.s32 v0, v27  }
0x46: {  	[tilespmem:$0x430] =	vst v5;
	v5 =	vadd.s32 v0, v6;
	v6 =	vld [tilespmem:$0x510]  }
0x47: {  	[tilespmem:$0x480] =	vst v5;
	v5 =	vadd.s32 v0, v7;
	v7 =	vld [tilespmem:$0x520]  }
0x48: {  	v31 =	vld [tilespmem:$0x530];
	[tilespmem:$0x490] =	vst v5;
	v5 =	vadd.s32 v0, v28  }
0x49: {  	v32 =	vld [tilespmem:$0x580];
	[tilespmem:$0x4A0] =	vst v5;
	v5 =	vadd.s32 v0, v29  }
0x4a: {  	v33 =	vld [tilespmem:$0x590];
	[tilespmem:$0x4B0] =	vst v5;
	v5 =	vadd.s32 v0, v30  }
0x4b: {  	[tilespmem:$0x500] =	vst v5;
	v5 =	vadd.s32 v0, v6;
	v6 =	vld [tilespmem:$0x5A0]  }
0x4c: {  	[tilespmem:$0x510] =	vst v5;
	v5 =	vadd.s32 v0, v7;
	v7 =	vld [tilespmem:$0x5B0]  }
0x4d: {  	v34 =	vld [tilespmem:$0x600];
	[tilespmem:$0x520] =	vst v5;
	v5 =	vadd.s32 v0, v31  }
0x4e: {  	v35 =	vld [tilespmem:$0x610];
	[tilespmem:$0x530] =	vst v5;
	v5 =	vadd.s32 v0, v32  }
0x4f: {  	v36 =	vld [tilespmem:$0x620];
	[tilespmem:$0x580] =	vst v5;
	v5 =	vadd.s32 v0, v33  }
0x50: {  	[tilespmem:$0x590] =	vst v5;
	v5 =	vadd.s32 v0, v6;
	v6 =	vld [tilespmem:$0x630]  }
0x51: {  	[tilespmem:$0x5A0] =	vst v5;
	v5 =	vadd.s32 v0, v7;
	v7 =	vld [tilespmem:$0x680]  }
0x52: {  	v37 =	vld [tilespmem:$0x690];
	[tilespmem:$0x5B0] =	vst v5;
	v5 =	vadd.s32 v1, v34  }
0x53: {  	v38 =	vld [tilespmem:$0x6A0];
	[tilespmem:$0x600] =	vst v5;
	v5 =	vadd.s32 v1, v35  }
0x54: {  	v39 =	vld [tilespmem:$0x6B0];
	[tilespmem:$0x610] =	vst v5;
	v5 =	vadd.s32 v1, v36  }
0x55: {  	[tilespmem:$0x620] =	vst v5;
	v5 =	vadd.s32 v1, v6;
	v6 =	vld [tilespmem:$0x700]  }
0x56: {  	[tilespmem:$0x630] =	vst v5;
	v5 =	vadd.s32 v1, v7;
	v7 =	vld [tilespmem:$0x710]  }
0x57: {  	v40 =	vld [tilespmem:$0x720];
	[tilespmem:$0x680] =	vst v5;
	v5 =	vadd.s32 v1, v37  }
0x58: {  	v41 =	vld [tilespmem:$0x730];
	[tilespmem:$0x690] =	vst v5;
	v5 =	vadd.s32 v1, v38  }
0x59: {  	v42 =	vld [tilespmem:$0x780];
	[tilespmem:$0x6A0] =	vst v5;
	v5 =	vadd.s32 v1, v39  }
0x5a: {  	[tilespmem:$0x6B0] =	vst v5;
	v5 =	vadd.s32 v1, v6;
	v6 =	vld [tilespmem:$0x790]  }
0x5b: {  	[tilespmem:$0x700] =	vst v5;
	v5 =	vadd.s32 v1, v7;
	v7 =	vld [tilespmem:$0x7A0]  }
0x5c: {  	v43 =	vld [tilespmem:$0x7B0];
	[tilespmem:$0x710] =	vst v5;
	v5 =	vadd.s32 v1, v40  }
0x5d: {  	v44 =	vld [tilespmem:$0x800];
	[tilespmem:$0x720] =	vst v5;
	v5 =	vadd.s32 v1, v41  }
0x5e: {  	v45 =	vld [tilespmem:$0x810];
	[tilespmem:$0x730] =	vst v5;
	v5 =	vadd.s32 v1, v42  }
0x5f: {  	[tilespmem:$0x780] =	vst v5;
	v5 =	vadd.s32 v1, v6;
	v6 =	vld [tilespmem:$0x820]  }
0x60: {  	[tilespmem:$0x790] =	vst v5;
	v5 =	vadd.s32 v1, v7;
	v7 =	vld [tilespmem:$0x830]  }
0x61: {  	v46 =	vld [tilespmem:$0x880];
	[tilespmem:$0x7A0] =	vst v5;
	v5 =	vadd.s32 v1, v43  }
0x62: {  	v47 =	vld [tilespmem:$0x890];
	[tilespmem:$0x7B0] =	vst v5;
	v5 =	vadd.s32 v1, v44  }
0x63: {  	v48 =	vld [tilespmem:$0x8A0];
	[tilespmem:$0x800] =	vst v5;
	v5 =	vadd.s32 v1, v45  }
0x64: {  	[tilespmem:$0x810] =	vst v5;
	v5 =	vadd.s32 v1, v6;
	v6 =	vld [tilespmem:$0x8B0]  }
0x65: {  	[tilespmem:$0x820] =	vst v5;
	v5 =	vadd.s32 v1, v7;
	v7 =	vld [tilespmem:$0x900]  }
0x66: {  	v49 =	vld [tilespmem:$0x910];
	[tilespmem:$0x830] =	vst v5;
	v5 =	vadd.s32 v1, v46  }
0x67: {  	v50 =	vld [tilespmem:$0x920];
	[tilespmem:$0x880] =	vst v5;
	v5 =	vadd.s32 v1, v47  }
0x68: {  	v51 =	vld [tilespmem:$0x930];
	[tilespmem:$0x890] =	vst v5;
	v5 =	vadd.s32 v1, v48  }
0x69: {  	[tilespmem:$0x8A0] =	vst v5;
	v5 =	vadd.s32 v1, v6;
	v6 =	vld [tilespmem:$0x980]  }
0x6a: {  	[tilespmem:$0x8B0] =	vst v5;
	v5 =	vadd.s32 v1, v7;
	v7 =	vld [tilespmem:$0x990]  }
0x6b: {  	v52 =	vld [tilespmem:$0x9A0];
	[tilespmem:$0x900] =	vst v5;
	v5 =	vadd.s32 v1, v49  }
0x6c: {  	v53 =	vld [tilespmem:$0x9B0];
	[tilespmem:$0x910] =	vst v5;
	v5 =	vadd.s32 v1, v50  }
0x6d: {  	v54 =	vld [tilespmem:$0xA00];
	[tilespmem:$0x920] =	vst v5;
	v5 =	vadd.s32 v1, v51  }
0x6e: {  	[tilespmem:$0x930] =	vst v5;
	v5 =	vadd.s32 v1, v6;
	v6 =	vld [tilespmem:$0xA10]  }
0x6f: {  	[tilespmem:$0x980] =	vst v5;
	v5 =	vadd.s32 v1, v7;
	v7 =	vld [tilespmem:$0xA20]  }
0x70: {  	v55 =	vld [tilespmem:$0xA30];
	[tilespmem:$0x990] =	vst v5;
	v5 =	vadd.s32 v1, v52  }
0x71: {  	v56 =	vld [tilespmem:$0xA80];
	[tilespmem:$0x9A0] =	vst v5;
	v5 =	vadd.s32 v1, v53  }
0x72: {  	v57 =	vld [tilespmem:$0xA90];
	[tilespmem:$0x9B0] =	vst v5;
	v5 =	vadd.s32 v1, v54  }
0x73: {  	[tilespmem:$0xA00] =	vst v5;
	v5 =	vadd.s32 v1, v6;
	v6 =	vld [tilespmem:$0xAA0]  }
0x74: {  	[tilespmem:$0xA10] =	vst v5;
	v5 =	vadd.s32 v1, v7;
	v7 =	vld [tilespmem:$0xAB0]  }
0x75: {  	v58 =	vld [tilespmem:$0xB00];
	[tilespmem:$0xA20] =	vst v5;
	v5 =	vadd.s32 v1, v55  }
0x76: {  	v59 =	vld [tilespmem:$0xB10];
	[tilespmem:$0xA30] =	vst v5;
	v5 =	vadd.s32 v1, v56  }
0x77: {  	v60 =	vld [tilespmem:$0xB20];
	[tilespmem:$0xA80] =	vst v5;
	v5 =	vadd.s32 v1, v57  }
0x78: {  	[tilespmem:$0xA90] =	vst v5;
	v5 =	vadd.s32 v1, v6;
	v6 =	vld [tilespmem:$0xB30]  }
0x79: {  	[tilespmem:$0xAA0] =	vst v5;
	v5 =	vadd.s32 v1, v7;
	v7 =	vld [tilespmem:$0xB80]  }
0x7a: {  	v61 =	vld [tilespmem:$0xB90];
	[tilespmem:$0xAB0] =	vst v5;
	v5 =	vadd.s32 v1, v58  }
0x7b: {  	v62 =	vld [tilespmem:$0xBA0];
	[tilespmem:$0xB00] =	vst v5;
	v5 =	vadd.s32 v1, v59  }
0x7c: {  	v63 =	vld [tilespmem:$0xBB0];
	[tilespmem:$0xB10] =	vst v5;
	v5 =	vadd.s32 v1, v60  }
0x7d: {  	[tilespmem:$0xB20] =	vst v5;
	v5 =	vadd.s32 v1, v6  }
0x7e: {  	[tilespmem:$0xB30] =	vst v5;
	v5 =	vadd.s32 v1, v7  }
0x7f: {  	[tilespmem:$0xB80] =	vst v5;
	v5 =	vadd.s32 v1, v61  }
0x80: {  	[tilespmem:$0xB90] =	vst v5;
	v5 =	vadd.s32 v1, v62  }
0x81: {  	s19 =	rddreg [dreg:$0x5];
	[tilespmem:$0xBA0] =	vst v5;
	v5 =	vadd.s32 v1, v63  }
0x82: {  	s1 =	simm.s32 $0x17400;
	s0 =	simm.s32 $0x17C00;
	s10 =	rddreg [dreg:$0x7];
	[tilespmem:$0xBB0] =	vst v5  }
0x83: {  	[tilespmem:s20], [sflag:$0x1] =	stream.linear.gather [hbm4b:s19+s3], $0xC000, $0x38;
	[tilespmem:$0x18C00] =	vst v63  }
0x84: {  	s18 =	simm.s32 $0x80;
	s14 =	rddreg [dreg:$0x8];
	s19 =	simm.s32 $0x0  }
.LBB2_2:
0x85: {  	_ =	swait.ge [sflag:s15], $0xC000  }
0x86: {  	[sflag:s15] =	ssyncset.done $0x0  }
0x87: {  	[sflag:s15] =	ssyncadd.s32 $0xFFFF4000  }
0x88: {  	v5 =	vld [tilespmem:s18+$0xFFFFFF80];
	_ =	sdelay $0x4  }
0x89: {  	v6 =	vshrl.u32 v5, $0x3  }
0x8a: {  	v6 =	vmul.u32 $0x30, v6  }
0x8b: {  	v5 =	vand.u32 $0x7, v5  }
0x8c: {  	v5 =	vor.u32 v5, v6  }
0x8d: {  	v6 =	vperm.xlane v5, v2;
	_ =	sdelay $0x1  }
0x8e: {  	v6 =	vadd.s32 v3, v6;
	_ =	sdelay $0x3  }
0x8f: {  	v5 =	vperm.xlane v5, v4  }
0x90: {  	[hbm4b:s2+s3] =	stream.indirect_vreg.scatter [tilespmem:s20], [sflag:$0x3], $0x80, v6, vm0, $0xb8;
	[tilespmem:$0x18C00] =	vst v63  }
0x91: {  	v5 =	vadd.s32 v3, v5  }
0x92: {  	[hbm4b:s6+s3] =	stream.indirect_vreg.scatter [tilespmem:s21], [sflag:$0x3], $0x80, v6, vm0, $0xb8;
	[tilespmem:$0x18C00] =	vst v63  }
0x93: {  	_ = 	snop  }
0x94: {  	[hbm4b:s7+s3] =	stream.indirect_vreg.scatter [tilespmem:s22], [sflag:$0x3], $0x80, v6, vm0, $0xb8;
	[tilespmem:$0x18C00] =	vst v63  }
0x95: {  	s22 =	simm.s32 $0x2400  }
0x96: {  	[hbm4b:s2+s3] =	stream.indirect_vreg.scatter [tilespmem:s22], [sflag:$0x3], $0x80, v5, vm0, $0xb8;
	[tilespmem:$0x18C00] =	vst v63  }
0x97: {  	s21 =	simm.s32 $0x2C00  }
0x98: {  	[hbm4b:s6+s3] =	stream.indirect_vreg.scatter [tilespmem:s21], [sflag:$0x3], $0x80, v5, vm0, $0xb8;
	[tilespmem:$0x18C00] =	vst v63  }
0x99: {  	s22 =	simm.s32 $0x3400  }
0x9a: {  	[hbm4b:s7+s3] =	stream.indirect_vreg.scatter [tilespmem:s22], [sflag:$0x3], $0x80, v5, vm0, $0xb8;
	[tilespmem:$0x18C00] =	vst v63  }
0x9b: {  	v5 =	vld [tilespmem:s18+$0xFFFFFF90];
	_ =	sdelay $0x4  }
0x9c: {  	v6 =	vshrl.u32 v5, $0x3  }
0x9d: {  	v6 =	vmul.u32 $0x30, v6  }
0x9e: {  	v5 =	vand.u32 $0x7, v5  }
0x9f: {  	v5 =	vor.u32 v5, v6  }
0xa0: {  	v6 =	vperm.xlane v5, v2;
	_ =	sdelay $0x1  }
0xa1: {  	v6 =	vadd.s32 v3, v6;
	_ =	sdelay $0x3  }
0xa2: {  	s21 =	simm.s32 $0x3C00;
	v5 =	vperm.xlane v5, v4  }
0xa3: {  	[hbm4b:s2+s3] =	stream.indirect_vreg.scatter [tilespmem:s21], [sflag:$0x3], $0x80, v6, vm0, $0xb8;
	[tilespmem:$0x18C00] =	vst v63  }
0xa4: {  	s22 =	simm.s32 $0x4400;
	v5 =	vadd.s32 v3, v5  }
0xa5: {  	[hbm4b:s6+s3] =	stream.indirect_vreg.scatter [tilespmem:s22], [sflag:$0x3], $0x80, v6, vm0, $0xb8;
	[tilespmem:$0x18C00] =	vst v63  }
0xa6: {  	s21 =	simm.s32 $0x4C00  }
0xa7: {  	[hbm4b:s7+s3] =	stream.indirect_vreg.scatter [tilespmem:s21], [sflag:$0x3], $0x80, v6, vm0, $0xb8;
	[tilespmem:$0x18C00] =	vst v63  }
0xa8: {  	s22 =	simm.s32 $0x5400  }
0xa9: {  	[hbm4b:s2+s3] =	stream.indirect_vreg.scatter [tilespmem:s22], [sflag:$0x3], $0x80, v5, vm0, $0xb8;
	[tilespmem:$0x18C00] =	vst v63  }
0xaa: {  	s21 =	simm.s32 $0x5C00  }
0xab: {  	[hbm4b:s6+s3] =	stream.indirect_vreg.scatter [tilespmem:s21], [sflag:$0x3], $0x80, v5, vm0, $0xb8;
	[tilespmem:$0x18C00] =	vst v63  }
0xac: {  	s22 =	simm.s32 $0x6400  }
0xad: {  	[hbm4b:s7+s3] =	stream.indirect_vreg.scatter [tilespmem:s22], [sflag:$0x3], $0x80, v5, vm0, $0xb8;
	[tilespmem:$0x18C00] =	vst v63  }
0xae: {  	v5 =	vld [tilespmem:s18+$0xFFFFFFA0];
	_ =	sdelay $0x4  }
0xaf: {  	v6 =	vshrl.u32 v5, $0x3  }
0xb0: {  	v6 =	vmul.u32 $0x30, v6  }
0xb1: {  	v5 =	vand.u32 $0x7, v5  }
0xb2: {  	v5 =	vor.u32 v5, v6  }
0xb3: {  	v6 =	vperm.xlane v5, v2;
	_ =	sdelay $0x1  }
0xb4: {  	v6 =	vadd.s32 v3, v6;
	_ =	sdelay $0x3  }
0xb5: {  	s21 =	simm.s32 $0x6C00;
	v5 =	vperm.xlane v5, v4  }
0xb6: {  	[hbm4b:s2+s3] =	stream.indirect_vreg.scatter [tilespmem:s21], [sflag:$0x3], $0x80, v6, vm0, $0xb8;
	[tilespmem:$0x18C00] =	vst v63  }
0xb7: {  	s22 =	simm.s32 $0x7400;
	v5 =	vadd.s32 v3, v5  }
0xb8: {  	[hbm4b:s6+s3] =	stream.indirect_vreg.scatter [tilespmem:s22], [sflag:$0x3], $0x80, v6, vm0, $0xb8;
	[tilespmem:$0x18C00] =	vst v63  }
0xb9: {  	s21 =	simm.s32 $0x7C00  }
0xba: {  	[hbm4b:s7+s3] =	stream.indirect_vreg.scatter [tilespmem:s21], [sflag:$0x3], $0x80, v6, vm0, $0xb8;
	[tilespmem:$0x18C00] =	vst v63  }
0xbb: {  	s22 =	simm.s32 $0x8400  }
0xbc: {  	[hbm4b:s2+s3] =	stream.indirect_vreg.scatter [tilespmem:s22], [sflag:$0x3], $0x80, v5, vm0, $0xb8;
	[tilespmem:$0x18C00] =	vst v63  }
0xbd: {  	s21 =	simm.s32 $0x8C00  }
0xbe: {  	[hbm4b:s6+s3] =	stream.indirect_vreg.scatter [tilespmem:s21], [sflag:$0x3], $0x80, v5, vm0, $0xb8;
	[tilespmem:$0x18C00] =	vst v63  }
0xbf: {  	s22 =	simm.s32 $0x9400  }
0xc0: {  	[hbm4b:s7+s3] =	stream.indirect_vreg.scatter [tilespmem:s22], [sflag:$0x3], $0x80, v5, vm0, $0xb8;
	[tilespmem:$0x18C00] =	vst v63  }
0xc1: {  	v5 =	vld [tilespmem:s18+$0xFFFFFFB0];
	_ =	sdelay $0x4  }
0xc2: {  	v6 =	vshrl.u32 v5, $0x3  }
0xc3: {  	v6 =	vmul.u32 $0x30, v6  }
0xc4: {  	v5 =	vand.u32 $0x7, v5  }
0xc5: {  	v5 =	vor.u32 v5, v6  }
0xc6: {  	v6 =	vperm.xlane v5, v2;
	_ =	sdelay $0x1  }
0xc7: {  	v6 =	vadd.s32 v3, v6;
	_ =	sdelay $0x3  }
0xc8: {  	s21 =	simm.s32 $0x9C00;
	v5 =	vperm.xlane v5, v4  }
0xc9: {  	[hbm4b:s2+s3] =	stream.indirect_vreg.scatter [tilespmem:s21], [sflag:$0x3], $0x80, v6, vm0, $0xb8;
	[tilespmem:$0x18C00] =	vst v63  }
0xca: {  	s22 =	simm.s32 $0xA400;
	v5 =	vadd.s32 v3, v5  }
0xcb: {  	[hbm4b:s6+s3] =	stream.indirect_vreg.scatter [tilespmem:s22], [sflag:$0x3], $0x80, v6, vm0, $0xb8;
	[tilespmem:$0x18C00] =	vst v63  }
0xcc: {  	s21 =	simm.s32 $0xAC00  }
0xcd: {  	[hbm4b:s7+s3] =	stream.indirect_vreg.scatter [tilespmem:s21], [sflag:$0x3], $0x80, v6, vm0, $0xb8;
	[tilespmem:$0x18C00] =	vst v63  }
0xce: {  	s22 =	simm.s32 $0xB400  }
0xcf: {  	[hbm4b:s2+s3] =	stream.indirect_vreg.scatter [tilespmem:s22], [sflag:$0x3], $0x80, v5, vm0, $0xb8;
	[tilespmem:$0x18C00] =	vst v63  }
0xd0: {  	p0 =	seq.s32 s19, $0x0;
	s21 =	simm.s32 $0xBC00  }
0xd1: {  	[hbm4b:s6+s3] =	stream.indirect_vreg.scatter [tilespmem:s21], [sflag:$0x3], $0x80, v5, vm0, $0xb8;
	[tilespmem:$0x18C00] =	vst v63  }
0xd2: {  	s20 =	simm.s32 @!p0 $0x4;
	s22 =	simm.s32 $0xC400  }
0xd3: {  	[hbm4b:s7+s3] =	stream.indirect_vreg.scatter [tilespmem:s22], [sflag:$0x3], $0x80, v5, vm0, $0xb8;
	[tilespmem:$0x18C00] =	vst v63  }
0xd4: {  	_ =	swait.ge @!p0 [sflag:s20], $0xC000  }
0xd5: {  	[sflag:s20] =	ssyncset.done @!p0 $0x0  }
0xd6: {  	s21 =	sadd.s32 s19, s14;
	[sflag:s20] =	ssyncadd.s32 @!p0 $0xFFFF4000  }
0xd7: {  	[tilespmem:s13], [sflag:$0x2] =	stream.linear.gather [hbm4b:s21+s3], $0xC000, $0x38;
	[tilespmem:$0x18C00] =	vst v63  }
0xd8: {  	_ =	swait.ge [sflag:s23], $0xC000  }
0xd9: {  	[sflag:s23] =	ssyncset.done $0x0  }
0xda: {  	[sflag:s23] =	ssyncadd.s32 $0xFFFF4000  }
0xdb: {  	v5 =	vld [tilespmem:s18+$0x0];
	_ =	sdelay $0x4  }
0xdc: {  	v6 =	vshrl.u32 v5, $0x3  }
0xdd: {  	v6 =	vmul.u32 $0x30, v6  }
0xde: {  	v5 =	vand.u32 $0x7, v5  }
0xdf: {  	v5 =	vor.u32 v5, v6  }
0xe0: {  	v6 =	vperm.xlane v5, v2;
	_ =	sdelay $0x1  }
0xe1: {  	v6 =	vadd.s32 v3, v6;
	_ =	sdelay $0x3  }
0xe2: {  	v5 =	vperm.xlane v5, v4  }
0xe3: {  	[hbm4b:s2+s3] =	stream.indirect_vreg.scatter [tilespmem:s13], [sflag:$0x4], $0x80, v6, vm0, $0xb8;
	[tilespmem:$0x18C00] =	vst v63  }
0xe4: {  	s22 =	simm.s32 $0xD400;
	v5 =	vadd.s32 v3, v5  }
0xe5: {  	[hbm4b:s6+s3] =	stream.indirect_vreg.scatter [tilespmem:s22], [sflag:$0x4], $0x80, v6, vm0, $0xb8;
	[tilespmem:$0x18C00] =	vst v63  }
0xe6: {  	s21 =	simm.s32 $0xDC00  }
0xe7: {  	[hbm4b:s7+s3] =	stream.indirect_vreg.scatter [tilespmem:s21], [sflag:$0x4], $0x80, v6, vm0, $0xb8;
	[tilespmem:$0x18C00] =	vst v63  }
0xe8: {  	s22 =	simm.s32 $0xE400  }
0xe9: {  	[hbm4b:s2+s3] =	stream.indirect_vreg.scatter [tilespmem:s22], [sflag:$0x4], $0x80, v5, vm0, $0xb8;
	[tilespmem:$0x18C00] =	vst v63  }
0xea: {  	s21 =	simm.s32 $0xEC00  }
0xeb: {  	[hbm4b:s6+s3] =	stream.indirect_vreg.scatter [tilespmem:s21], [sflag:$0x4], $0x80, v5, vm0, $0xb8;
	[tilespmem:$0x18C00] =	vst v63  }
0xec: {  	s22 =	simm.s32 $0xF400  }
0xed: {  	[hbm4b:s7+s3] =	stream.indirect_vreg.scatter [tilespmem:s22], [sflag:$0x4], $0x80, v5, vm0, $0xb8;
	[tilespmem:$0x18C00] =	vst v63  }
0xee: {  	v5 =	vld [tilespmem:s18+$0x10];
	_ =	sdelay $0x4  }
0xef: {  	v6 =	vshrl.u32 v5, $0x3  }
0xf0: {  	v6 =	vmul.u32 $0x30, v6  }
0xf1: {  	v5 =	vand.u32 $0x7, v5  }
0xf2: {  	v5 =	vor.u32 v5, v6  }
0xf3: {  	v6 =	vperm.xlane v5, v2;
	_ =	sdelay $0x1  }
0xf4: {  	v6 =	vadd.s32 v3, v6;
	_ =	sdelay $0x3  }
0xf5: {  	s21 =	simm.s32 $0xFC00;
	v5 =	vperm.xlane v5, v4  }
0xf6: {  	[hbm4b:s2+s3] =	stream.indirect_vreg.scatter [tilespmem:s21], [sflag:$0x4], $0x80, v6, vm0, $0xb8;
	[tilespmem:$0x18C00] =	vst v63  }
0xf7: {  	s22 =	simm.s32 $0x10400;
	v5 =	vadd.s32 v3, v5  }
0xf8: {  	[hbm4b:s6+s3] =	stream.indirect_vreg.scatter [tilespmem:s22], [sflag:$0x4], $0x80, v6, vm0, $0xb8;
	[tilespmem:$0x18C00] =	vst v63  }
0xf9: {  	_ = 	snop  }
0xfa: {  	[hbm4b:s7+s3] =	stream.indirect_vreg.scatter [tilespmem:s5], [sflag:$0x4], $0x80, v6, vm0, $0xb8;
	[tilespmem:$0x18C00] =	vst v63  }
0xfb: {  	_ = 	snop  }
0xfc: {  	[hbm4b:s2+s3] =	stream.indirect_vreg.scatter [tilespmem:s8], [sflag:$0x4], $0x80, v5, vm0, $0xb8;
	[tilespmem:$0x18C00] =	vst v63  }
0xfd: {  	_ = 	snop  }
0xfe: {  	[hbm4b:s6+s3] =	stream.indirect_vreg.scatter [tilespmem:s11], [sflag:$0x4], $0x80, v5, vm0, $0xb8;
	[tilespmem:$0x18C00] =	vst v63  }
0xff: {  	_ = 	snop  }
0x100: {  	[hbm4b:s7+s3] =	stream.indirect_vreg.scatter [tilespmem:s16], [sflag:$0x4], $0x80, v5, vm0, $0xb8;
	[tilespmem:$0x18C00] =	vst v63  }
0x101: {  	v5 =	vld [tilespmem:s18+$0x20];
	_ =	sdelay $0x4  }
0x102: {  	v6 =	vshrl.u32 v5, $0x3  }
0x103: {  	v6 =	vmul.u32 $0x30, v6  }
0x104: {  	v5 =	vand.u32 $0x7, v5  }
0x105: {  	v5 =	vor.u32 v5, v6  }
0x106: {  	v6 =	vperm.xlane v5, v2;
	_ =	sdelay $0x1  }
0x107: {  	v6 =	vadd.s32 v3, v6;
	_ =	sdelay $0x3  }
0x108: {  	v5 =	vperm.xlane v5, v4  }
0x109: {  	[hbm4b:s2+s3] =	stream.indirect_vreg.scatter [tilespmem:s9], [sflag:$0x4], $0x80, v6, vm0, $0xb8;
	[tilespmem:$0x18C00] =	vst v63  }
0x10a: {  	v5 =	vadd.s32 v3, v5  }
0x10b: {  	[hbm4b:s6+s3] =	stream.indirect_vreg.scatter [tilespmem:s24], [sflag:$0x4], $0x80, v6, vm0, $0xb8;
	[tilespmem:$0x18C00] =	vst v63  }
0x10c: {  	_ = 	snop  }
0x10d: {  	[hbm4b:s7+s3] =	stream.indirect_vreg.scatter [tilespmem:s17], [sflag:$0x4], $0x80, v6, vm0, $0xb8;
	[tilespmem:$0x18C00] =	vst v63  }
0x10e: {  	_ = 	snop  }
0x10f: {  	[hbm4b:s2+s3] =	stream.indirect_vreg.scatter [tilespmem:s25], [sflag:$0x4], $0x80, v5, vm0, $0xb8;
	[tilespmem:$0x18C00] =	vst v63  }
0x110: {  	_ = 	snop  }
0x111: {  	[hbm4b:s6+s3] =	stream.indirect_vreg.scatter [tilespmem:s26], [sflag:$0x4], $0x80, v5, vm0, $0xb8;
	[tilespmem:$0x18C00] =	vst v63  }
0x112: {  	_ = 	snop  }
0x113: {  	[hbm4b:s7+s3] =	stream.indirect_vreg.scatter [tilespmem:s28], [sflag:$0x4], $0x80, v5, vm0, $0xb8;
	[tilespmem:$0x18C00] =	vst v63  }
0x114: {  	v5 =	vld [tilespmem:s18+$0x30];
	_ =	sdelay $0x4  }
0x115: {  	v6 =	vshrl.u32 v5, $0x3  }
0x116: {  	v6 =	vmul.u32 $0x30, v6  }
0x117: {  	v5 =	vand.u32 $0x7, v5  }
0x118: {  	v5 =	vor.u32 v5, v6  }
0x119: {  	v6 =	vperm.xlane v5, v2;
	_ =	sdelay $0x1  }
0x11a: {  	v6 =	vadd.s32 v3, v6;
	_ =	sdelay $0x3  }
0x11b: {  	v5 =	vperm.xlane v5, v4  }
0x11c: {  	[hbm4b:s2+s3] =	stream.indirect_vreg.scatter [tilespmem:s12], [sflag:$0x4], $0x80, v6, vm0, $0xb8;
	[tilespmem:$0x18C00] =	vst v63  }
0x11d: {  	v5 =	vadd.s32 v3, v5  }
0x11e: {  	[hbm4b:s6+s3] =	stream.indirect_vreg.scatter [tilespmem:s30], [sflag:$0x4], $0x80, v6, vm0, $0xb8;
	[tilespmem:$0x18C00] =	vst v63  }
0x11f: {  	p0 =	seq.s32 s19, $0x21000  }
0x120: {  	[hbm4b:s7+s3] =	stream.indirect_vreg.scatter [tilespmem:s31], [sflag:$0x4], $0x80, v6, vm0, $0xb8;
	[tilespmem:$0x18C00] =	vst v63  }
0x121: {  	s20 =	sadd.s32 @!p0 s19, s10;
	s19 =	sadd.s32 @!p0 $0x3000, s19  }
0x122: {  	[hbm4b:s2+s3] =	stream.indirect_vreg.scatter [tilespmem:s1], [sflag:$0x4], $0x80, v5, vm0, $0xb8;
	[tilespmem:$0x18C00] =	vst v63  }
0x123: {  	p1 =	sne.s32 @!p0 s19, $0x24000  }
0x124: {  	[hbm4b:s6+s3] =	stream.indirect_vreg.scatter [tilespmem:s0], [sflag:$0x4], $0x80, v5, vm0, $0xb8;
	[tilespmem:$0x18C00] =	vst v63  }
0x125: {  	p1 =	por p0, !p1  }
0x126: {  	[hbm4b:s7+s3] =	stream.indirect_vreg.scatter [tilespmem:s4], [sflag:$0x4], $0x80, v5, vm0, $0xb8;
	[tilespmem:$0x18C00] =	vst v63  }
.Ltmp0:
0x127: {  	_ =	swait.ge [sflag:s29], $0xC000;
	(pc) =	sbr.rel @!p1 .LBB2_2-.Ltmp0, $4  }
0x128: {  	s21 =	simm.s32 @!p0 $0x0;
	[sflag:s29] =	ssyncset.done $0x0  }
0x129: {  	s22 =	simm.s32 @!p0 $0xC00;
	s18 =	sadd.s32 @!p0 $0x100, s18;
	[sflag:s29] =	ssyncadd.s32 $0xFFFF4000  }
0x12a: {  	[tilespmem:s22], [sflag:$0x1] =	stream.linear.gather @!p0 [hbm4b:s20+s21], $0xC000, $0x38;
	[tilespmem:$0x18C00] =	vst v63  }
0x12b: {  	s22 =	simm.s32 $0x1C00;
	s21 =	simm.s32 $0x1400;
	s20 =	simm.s32 $0xC00  }
0x12c: {  	s0 =	simm.s32 $0x4  }
0x12d: {  	_ =	swait.ge [sflag:s0], $0xC000  }
0x12e: {  	s1 =	rddreg [dreg:$0x9]  }
0x12f: {  	s18 =	rddreg [dreg:$0x6];
	s1 =	sadd.s32 $0x1, s1  }
0x130: {  	p0 =	sne.s32 s1, s18  }
.Ltmp1:
0x131: {  	_ = 	snop;
	(pc) =	sbr.rel @p0 .LBB2_1-.Ltmp1, $3  }
0x132: {  	_ =	sdelay $0x1  }
0x133: {  	[sflag:s0] =	ssyncset.done $0x0  }
0x134: {  	[sflag:s0] =	ssyncadd.s32 $0xFFFF4000  }
0x135: {  	_ =	sfence.sel $0x180000  }
0x136: {  	[bflag:$0x0] =	sbarrier.arrive $0xFFFF  }
0x137: {  	_ =	strace $0x90000047  }
0x138: {  	s0 =	stileid.u32;
	[bflag:$0x2] =	sbarrier.arrive $0xFFFF  }
0x139: {  	p0 =	sne.s32 s0, $0x0;
	s0 =	rddreg [dreg:$0x3]  }
0x13a: {  	s0 =	sadd.s32 @!p0 $0x100000, s0  }
0x13b: {  	[sflag:s0] =	ssyncadd.tile.s32 @!p0 $0x1;
	_ =	shalt  }
.Lfunc_end2:
_tile_overlayer_lowered:
.L_overlay_start_2:
0x13c: {  	(tag) =	ssettag $0x2  }
0x13d: {  	s0 =	rddreg [dreg:$0x0];
	s2 =	stileid.u32  }
0x13e: {  	s1 =	rddreg [dreg:$0x1];
	p0 =	sne.s32 s2, $0x0  }
0x13f: {  	s3 =	rddreg [dreg:$0x2];
	[bflag:$0x3] =	sbarrier.arrive $0xFFFF;
	s2 =	simm.s32 @!p0 $0x1C05  }
0x140: {  	[timem:s3], [sflag:s2] =	dma.local @!p0 [hbm:s0], s1  }
0x141: {  	s0 =	simm.s32 @!p0 $0x5  }
0x142: {  	_ =	swait.ge @!p0 [sflag:s0], s1  }
0x143: {  	s1 =	ssub.s32 @!p0 $0x0, s1;
	[sflag:s0] =	ssyncset.done @!p0 $0x0  }
0x144: {  	[sflag:s0] =	ssyncadd.s32 @!p0 s1  }
0x145: {  	[bflag:$0x3] =	sbarrier.arrive $0xFFFF  }
0x146: {  	_ =	shalt  }

// kernel: kernel.8.cloned.1.call-start
scs
__scs_entry_jumppad:
0x0: {  	(pc) =	sbr.rel $0x88, $3  }
0x1: {  	(tag) =	ssettag $0x0;
	lr =	simm.s32 $0x1  }
0x2: {  	[smem:$0x3F9A] =	sst lr;
	_ =	strace $0xD0000000  }
0x3: {  	_ = 	snop  }
0x4: {  	_ = 	snop  }
0x5: {  	_ = 	snop  }
0x6: {  	_ = 	snop  }
0x7: {  	_ = 	snop  }
__scs_overlays_trampoline_lowered:
0x8: {  	[smem:$0x3FA9] =	sst s0  }
0x9: {  	[smem:$0x3FAA] =	sst s1  }
0xa: {  	[smem:$0x3FAB] =	sst s2  }
0xb: {  	[smem:$0x3FAC] =	sst s3  }
0xc: {  	[smem:$0x3FAD] =	sst s4  }
0xd: {  	[smem:$0x3FAE] =	sst s5  }
0xe: {  	[smem:$0x3FAF] =	sst s6  }
0xf: {  	[smem:$0x3FB0] =	sst s7  }
0x10: {  	[smem:$0x3FB1] =	sst s8  }
0x11: {  	[smem:$0x3FB2] =	sst s9;
	s0 =	simm.s32 @!p0 $0x0  }
0x12: {  	s1 =	sld [smem:$0x3F98];
	s0 =	simm.s32 @p0 $0x1  }
0x13: {  	[smem:$0x3FB3] =	sst s0;
	s0 =	simm.s32 @!p1 $0x0  }
0x14: {  	s2 =	sld [smem:$0x3F97];
	s0 =	simm.s32 @p1 $0x1  }
0x15: {  	[smem:$0x3FB4] =	sst s0;
	s0 =	simm.s32 @!p2 $0x0  }
0x16: {  	s3 =	sld [smem:$0x3FDB];
	s0 =	simm.s32 @p2 $0x1  }
0x17: {  	s4 =	simm.s32 $0x1BF5;
	[smem:$0x3FB6] =	sst s0  }
0x18: {  	s0 =	sld [smem:$0x3F99];
	_ =	swait.ge [sflag:s4], $0x0  }
0x19: {  	s7 =	sld [smem:$0x3F9A]  }
0x1a: {  	s8 =	sadd.s32 $0xFFFFE003, lr  }
0x1b: {  	s9 =	sadd.s32 $0xFFFFFEF7, lr;
	s5 =	simm.s32 $0xFFFFFFFF;
	p2 =	slt.u32 s8, $0xFFFFF086  }
0x1c: {  	p1 =	slt.u32 s9, $0xF7A;
	s5 =	simm.s32 @!p2 $0x0  }
0x1d: {  	s5 =	simm.s32 @p1 $0x1;
	p0 =	seq.s32 s7, s2  }
0x1e: {  	s7 =	smul.u32 @!p0 $0xF7A, s2;
	p2 =	seq.s32 @!p0 s5, $0x0  }
0x1f: {  	s9 =	smul.u32 $0xF7A, s1;
	s8 =	simm.s32 @!p0 $0x1BF5;
	p2 =	por !p2, p0  }
0x20: {  	[sflag:s8] =	ssyncset.s32 @!p0 $0xFFFFF086;
	s6 =	sadd.s32 @!p0 s3, s7;
	s7 =	simm.s32 @!p0 $0x108  }
0x21: {  	s3 =	sadd.s32 s3, s9;
	s6 =	sadd.s32 @!p0 $0x88, s6;
	s7 =	simm.s32 @p2 $0x1082  }
0x22: {  	[simem:s7], [sflag:s8] =	dma.local @!p0 [hbm:s6], $0xF7A  }
0x23: {  	s9 =	sor.u32 $0xD0000000, s2;
	s6 =	simm.s32 $0x108;
	_ =	swait.ge @!p0 [sflag:s8], $0x0  }
0x24: {  	s3 =	sadd.s32 $0x88, s3;
	s6 =	simm.s32 @!p1 $0x1082;
	[sflag:s4] =	ssyncset.s32 $0xFFFFF086  }
0x25: {  	[simem:s6], [sflag:s4] =	dma.local [hbm:s3], $0xF7A  }
0x26: {  	[smem:$0x3F9A] =	sst s1;
	(tag) =	ssettag s2;
	_ =	strace s9  }
0x27: {  	s1 =	sld [smem:$0x3FAA]  }
0x28: {  	s2 =	sld [smem:$0x3FAB]  }
0x29: {  	s4 =	sld [smem:$0x3FAD]  }
0x2a: {  	p0 =	seq.s32 s5, $0x0;
	s5 =	sld [smem:$0x3FAE]  }
0x2b: {  	s6 =	sld [smem:$0x3FAF]  }
0x2c: {  	s7 =	sld [smem:$0x3FB0]  }
0x2d: {  	s3 =	simm.s32 $0x108;
	s8 =	sld [smem:$0x3FB1]  }
0x2e: {  	s3 =	simm.s32 @!p0 $0x1082;
	s9 =	sld [smem:$0x3FB2]  }
0x2f: {  	lr =	sadd.s32 s0, s3;
	s0 =	sld [smem:$0x3FA9]  }
0x30: {  	s3 =	sld [smem:$0x3FAC]  }
0x31: {  	[smem:$0x3FB5] =	sst s10  }
0x32: {  	s10 =	sld [smem:$0x3FB3];
	_ =	sdelay $0x3  }
0x33: {  	p0 =	seq.s32 s10, $0x1;
	s10 =	sld [smem:$0x3FB5];
	_ =	sdelay $0x3  }
0x34: {  	[smem:$0x3FB5] =	sst s10  }
0x35: {  	s10 =	sld [smem:$0x3FB4];
	_ =	sdelay $0x3  }
0x36: {  	p1 =	seq.s32 s10, $0x1;
	s10 =	sld [smem:$0x3FB5];
	_ =	sdelay $0x3  }
0x37: {  	[smem:$0x3FB5] =	sst s10  }
0x38: {  	s10 =	sld [smem:$0x3FB6]  }
0x39: {  	_ = 	snop;
	(pc) =	sbr.ind lr, $3  }
0x3a: {  	_ = 	snop  }
0x3b: {  	_ = 	snop  }
0x3c: {  	p2 =	seq.s32 s10, $0x1;
	s10 =	sld [smem:$0x3FB5]  }
0x3d: {  	_ =	shalt  }
0x3e: {  	_ =	shalt  }
0x3f: {  	_ =	shalt  }
0x40: {  	_ =	shalt  }
0x41: {  	_ =	shalt  }
0x42: {  	_ =	shalt  }
0x43: {  	_ =	shalt  }
0x44: {  	_ =	shalt  }
0x45: {  	_ =	shalt  }
0x46: {  	_ =	shalt  }
0x47: {  	_ =	shalt  }
0x48: {  	_ =	shalt  }
0x49: {  	_ =	shalt  }
0x4a: {  	_ =	shalt  }
0x4b: {  	_ =	shalt  }
0x4c: {  	_ =	shalt  }
0x4d: {  	_ =	shalt  }
0x4e: {  	_ =	shalt  }
0x4f: {  	_ =	shalt  }
0x50: {  	_ =	shalt  }
0x51: {  	_ =	shalt  }
0x52: {  	_ =	shalt  }
0x53: {  	_ =	shalt  }
0x54: {  	_ =	shalt  }
0x55: {  	_ =	shalt  }
0x56: {  	_ =	shalt  }
0x57: {  	_ =	shalt  }
0x58: {  	_ =	shalt  }
0x59: {  	_ =	shalt  }
0x5a: {  	_ =	shalt  }
0x5b: {  	_ =	shalt  }
0x5c: {  	_ =	shalt  }
0x5d: {  	_ =	shalt  }
0x5e: {  	_ =	shalt  }
0x5f: {  	_ =	shalt  }
0x60: {  	_ =	shalt  }
0x61: {  	_ =	shalt  }
0x62: {  	_ =	shalt  }
0x63: {  	_ =	shalt  }
0x64: {  	_ =	shalt  }
0x65: {  	_ =	shalt  }
0x66: {  	_ =	shalt  }
0x67: {  	_ =	shalt  }
0x68: {  	_ =	shalt  }
0x69: {  	_ =	shalt  }
0x6a: {  	_ =	shalt  }
0x6b: {  	_ =	shalt  }
0x6c: {  	_ =	shalt  }
0x6d: {  	_ =	shalt  }
0x6e: {  	_ =	shalt  }
0x6f: {  	_ =	shalt  }
0x70: {  	_ =	shalt  }
0x71: {  	_ =	shalt  }
0x72: {  	_ =	shalt  }
0x73: {  	_ =	shalt  }
0x74: {  	_ =	shalt  }
0x75: {  	_ =	shalt  }
0x76: {  	_ =	shalt  }
0x77: {  	_ =	shalt  }
0x78: {  	_ =	shalt  }
0x79: {  	_ =	shalt  }
0x7a: {  	_ =	shalt  }
0x7b: {  	_ =	shalt  }
0x7c: {  	_ =	shalt  }
0x7d: {  	_ =	shalt  }
0x7e: {  	_ =	shalt  }
0x7f: {  	_ =	shalt  }
0x80: {  	_ =	shalt  }
0x81: {  	_ =	shalt  }
0x82: {  	_ =	shalt  }
0x83: {  	_ =	shalt  }
0x84: {  	_ =	shalt  }
0x85: {  	_ =	shalt  }
0x86: {  	_ =	shalt  }
0x87: {  	_ =	shalt  }
.Lfunc_end0:
.L_simem_size_0:
called_computation.1_lowered:
.L_overlay_start_0:
0x88: {  	s2 =	sld [smem:$0x3FD9]  }
0x89: {  	s3 =	sld [smem:$0x3FFE];
	_ =	sdelay $0x1  }
0x8a: {  	s1 =	srdreg.scid  }
0x8b: {  	s0 =	sand.u32 $0x1, s1  }
0x8c: {  	s17 =	sshll.u32 s0, $0xA;
	s2 =	sadd.s32 s3, s2  }
0x8d: {  	s2 =	sadd.s32 s2, s17  }
0x8e: {  	[smem:$0x3FC1] =	sst s2  }
0x8f: {  	_ = 	snop  }
0x90: {  	s2 =	sld [smem:$0x3FD0];
	(tm) =	ssettm $0x1  }
0x91: {  	s18 =	sld [smem:$0x3FFB];
	_ =	sdelay $0x3  }
0x92: {  	_ =	strace s18  }
0x93: {  	s3 =	sld [smem:$0x3FFC];
	_ =	sdelay $0x3  }
0x94: {  	_ =	strace s3  }
0x95: {  	s3 =	sld [smem:$0x3FFD];
	_ =	sdelay $0x3  }
0x96: {  	_ =	strace s3  }
0x97: {  	_ =	strace $0x8FFFFFFF  }
0x98: {  	s19 =	sld [smem:$0x3FDB];
	_ =	sdelay $0x1  }
0x99: {  	s4 =	simm.s32 $_scs_section_size  }
0x9a: {  	s5 =	simm.s32 $_size__tile_overlayer_lowered;
	s6 =	simm.s32 $_tile_overlayer_lowered  }
0x9b: {  	s22 =	simm.s32 $0x1BFF;
	s21 =	sshll.u32 s6, $0x1;
	s3 =	sadd.s32 s4, s19  }
0x9c: {  	s7 =	simm.s32 $0x0;
	s20 =	sshll.u32 s5, $0x1;
	s5 =	sadd.s32 s21, s3  }
0x9d: {  	[timem:s7], [sflag:s22] =	dma.local [hbm:s5], s20  }
0x9e: {  	_ =	swait.ge [sflag:s22], s20  }
0x9f: {  	s4 =	ssub.s32 $0x0, s20;
	[sflag:s22] =	ssyncset.done $0x0  }
0xa0: {  	[sflag:s22] =	ssyncadd.s32 s4;
	_ =	sdelay $0x1  }
0xa1: {  	s23 =	simm.s32 $0x1B8B  }
0xa2: {  	_ =	swait.ge [sflag:s23], $0x1  }
0xa3: {  	[sflag:s23] =	ssyncset.done $0x0  }
0xa4: {  	s25 =	simm.s32 $0x1B8E;
	s24 =	sld [smem:$0x3FFE];
	[sflag:s23] =	ssyncadd.s32 $0xFFFFFFFF  }
0xa5: {  	s26 =	simm.s32 $execute0_lowered;
	[smem:$0x3FD2] =	sst s25  }
0xa6: {  	s5 =	sshll.u32 s26, $0x1;
	_ =	strace $0x80000049;
	[dreg:$0x1] =	wrdreg $0xFFFFFFFF  }
0xa7: {  	s28 =	simm.s32 $_size_execute0_lowered;
	s3 =	sadd.s32 s3, s5;
	[dreg:$0x0] =	wrdreg $0x0  }
0xa8: {  	s5 =	sshll.u32 s28, $0x1;
	[dreg:$0x2] =	wrdreg s3  }
0xa9: {  	[dreg:$0x3] =	wrdreg s5  }
0xaa: {  	[dreg:$0x4] =	wrdreg $0xC0  }
0xab: {  	_ =	task [dreg:s7], $0x5FFFF  }
0xac: {  	[dreg:$0x1] =	wrdreg $0xFFFFFFFF  }
0xad: {  	[dreg:$0x0] =	wrdreg $0x60  }
0xae: {  	[dreg:$0x2] =	wrdreg s24  }
0xaf: {  	[dreg:$0x3] =	wrdreg s2  }
0xb0: {  	[dreg:$0x4] =	wrdreg $0x9  }
0xb1: {  	_ =	task.clear_ibuf [dreg:s7], $0x5FFFF;
	_ =	strace $0x90000049  }
0xb2: {  	s29 =	simm.s32 $0x9;
	_ =	strace $0x8000004B  }
0xb3: {  	_ =	swait.ge [sflag:s29], $0x1  }
0xb4: {  	[sflag:s29] =	ssyncadd.s32 $0xFFFFFFFF  }
0xb5: {  	_ =	strace $0x9000004B  }
0xb6: {  	_ =	sfence  }
0xb7: {  	s30 =	sld [smem:$0x0];
	_ =	sdelay $0x2  }
0xb8: {  	s31 =	sshll.u32 s1, $0xD;
	s1 =	sshrl.u32 s1, $0x2  }
0xb9: {  	s3 =	sand.u32 $0x4000, s31;
	s1 =	sadd.s32 s1, s30  }
0xba: {  	s0 =	sor.u32 s3, s0;
	s1 =	sshll.u32 s1, $0x11  }
0xbb: {  	s0 =	sor.u32 s1, s0  }
0xbc: {  	s0 =	sadd.s32 $0x8F2B, s0  }
0xbd: {  	[sflag:s0] =	ssyncadd.remote.s32 $0x1  }
0xbe: {  	_ =	sfence.sel $0xFFFF  }
0xbf: {  	[dreg:$0x0] =	wrdreg $0xFFFFFFFF;
	(pc) =	sbr.abs _section_cstart, $3  }
0xc0: {  	[dreg:$0x1] =	wrdreg $0xFFFFFFFF  }
0xc1: {  	_ =	task.clear_ibuf [dreg:s7], $0x2FFFF;
	_ =	strace $0x9FFFFFFF  }
0xc2: {  	(tm) =	ssettm $0x7FFFFFFF  }
0xc3: {  	_ =	shalt  }
tec
execute0_lowered:
.L_overlay_start_1:
0x0: {  	(tag) =	ssettag $0x1  }
0x1: {  	s0 =	rddreg [dreg:$0x0]  }
0x2: {  	s2 =	rddreg [dreg:$0x1]  }
0x3: {  	s3 =	simm.s32 $0x0;
	s1 =	srdreg.scid;
	s12 =	stileid.u32  }
0x4: {  	s13 =	simm.s32 $0x1;
	s15 =	simm.s32 $0x2;
	s17 =	simm.s32 $0x3  }
0x5: {  	s16 =	simm.s32 $0x11C00;
	s14 =	simm.s32 $0x14400;
	s28 =	simm.s32 $0x14C00  }
0x6: {  	s29 =	simm.s32 $0x15400;
	s30 =	simm.s32 $0x15C00;
	s31 =	simm.s32 $0x16400  }
0x7: {  	[smem:$0x7FF] =	sst s3;
	s1 =	sand.u32 $0x1, s1;
	s10 =	smul.u32 $0xC0000, s12  }
0x8: {  	s4 =	sshll.u32 s12, $0x1;
	s5 =	sadd.s32 $0x4E00, s0;
	s20 =	smul.u32 $0x18000, s12  }
0x9: {  	_ =	strace $0x8000004A;
	s4 =	sor.u32 s1, s4;
	s19 =	smul.u32 $0x60000, s1  }
0xa: {  	s7 =	ssub.s32 $0x2, s1;
	s1 =	smul.u32 $0xC000, s1;
	s6 =	sshll.u32 s4, $0x7  }
0xb: {  	s9 =	smul.u32 $0xC000, s4;
	s18 =	sshrl.u32 s7, $0x1;
	s4 =	sshll.u32 s4, $0xB  }
0xc: {  	s0 =	sadd.s32 s6, s0;
	s11 =	ssub.s32 s7, s18;
	s8 =	sor.u32 $0x400, s4  }
0xd: {  	s22 =	sadd.s32 s19, s10;
	s6 =	sadd.s32 $0x100, s2;
	s7 =	sadd.s32 $0x200, s2  }
0xe: {  	v0 =	vmov s4;
	s4 =	simm.s32 $0x17C00;
	s0 =	sadd.s32 $0x3E00, s0;
	s21 =	sadd.s32 s5, s9  }
0xf: {  	s23 =	sor.u32 $0xC000, s22;
	s25 =	smax.u32 s11, $0x1;
	s22 =	simm.s32 $0x1400  }
0x10: {  	v1 =	vmov s8;
	s8 =	simm.s32 $0x10C00;
	s11 =	simm.s32 $0x11400;
	[dreg:$0x3] =	wrdreg s0  }
0x11: {  	s9 =	simm.s32 $0x12400;
	[dreg:$0x4] =	wrdreg s21;
	s0 =	sadd.s32 s20, s5  }
0x12: {  	s24 =	sshrl.u32 s23, $0x3;
	[dreg:$0x5] =	wrdreg s25;
	s20 =	simm.s32 $0x400  }
0x13: {  	s21 =	simm.s32 $0xC00;
	s23 =	simm.s32 $0x12C00;
	s25 =	simm.s32 $0x13C00  }
0x14: {  	v4 =	vlaneseq.u32;
	s0 =	sadd.s32 s1, s0;
	s26 =	sadd.s32 s24, s5;
	s1 =	simm.s32 $0x0  }
0x15: {  	vm0 =	vmmov $0xffff;
	v3 =	vshrl.u32 v4, $0x3;
	s5 =	simm.s32 $0x10400;
	s0 =	sadd.s32 $0x3000, s0;
	[dreg:$0x7] =	wrdreg s26  }
0x16: {  	v2 =	vand.u32 $0x7, v4;
	v4 =	vor.u32 $0x8, v4;
	v3 =	vmul.u32 $0x8, v3;
	s24 =	simm.s32 $0x13400;
	s26 =	simm.s32 $0xC400;
	[dreg:$0x6] =	wrdreg s0  }
.LBB2_1:
0x17: {  	[dreg:$0x8] =	wrdreg s1  }
0x18: {  	s18 =	rddreg [dreg:$0x3];
	s12 =	simm.s32 $0x5  }
0x19: {  	[tilespmem:s3], [sflag:$0x5] =	stream.linear.gather [hbm4b:s18+s3], $0x400, $0x38;
	[tilespmem:$0x18400] =	vst v63  }
0x1a: {  	_ =	swait.ge [sflag:s12], $0x400  }
0x1b: {  	[sflag:s12] =	ssyncset.done $0x0  }
0x1c: {  	[sflag:s12] =	ssyncadd.s32 $0xFFFFFC00  }
0x1d: {  	v5 =	vld [tilespmem:$0x0]  }
0x1e: {  	v6 =	vld [tilespmem:$0x10]  }
0x1f: {  	v7 =	vld [tilespmem:$0x20]  }
0x20: {  	v8 =	vld [tilespmem:$0x30]  }
0x21: {  	v9 =	vld [tilespmem:$0x80]  }
0x22: {  	v10 =	vld [tilespmem:$0x90];
	v5 =	vadd.s32 v0, v5  }
0x23: {  	[tilespmem:$0x0] =	vst v5;
	v5 =	vadd.s32 v0, v6;
	v6 =	vld [tilespmem:$0xA0]  }
0x24: {  	[tilespmem:$0x10] =	vst v5;
	v5 =	vadd.s32 v0, v7;
	v7 =	vld [tilespmem:$0xB0]  }
0x25: {  	v49 =	vld [tilespmem:$0x100];
	[tilespmem:$0x20] =	vst v5;
	v5 =	vadd.s32 v0, v8  }
0x26: {  	v50 =	vld [tilespmem:$0x110];
	[tilespmem:$0x30] =	vst v5;
	v5 =	vadd.s32 v0, v9  }
0x27: {  	v51 =	vld [tilespmem:$0x120];
	[tilespmem:$0x80] =	vst v5;
	v5 =	vadd.s32 v0, v10  }
0x28: {  	[tilespmem:$0x90] =	vst v5;
	v5 =	vadd.s32 v0, v6;
	v6 =	vld [tilespmem:$0x130]  }
0x29: {  	[tilespmem:$0xA0] =	vst v5;
	v5 =	vadd.s32 v0, v7;
	v7 =	vld [tilespmem:$0x180]  }
0x2a: {  	v52 =	vld [tilespmem:$0x190];
	[tilespmem:$0xB0] =	vst v5;
	v5 =	vadd.s32 v0, v49  }
0x2b: {  	v53 =	vld [tilespmem:$0x1A0];
	[tilespmem:$0x100] =	vst v5;
	v5 =	vadd.s32 v0, v50  }
0x2c: {  	v54 =	vld [tilespmem:$0x1B0];
	[tilespmem:$0x110] =	vst v5;
	v5 =	vadd.s32 v0, v51  }
0x2d: {  	[tilespmem:$0x120] =	vst v5;
	v5 =	vadd.s32 v0, v6;
	v6 =	vld [tilespmem:$0x200]  }
0x2e: {  	[tilespmem:$0x130] =	vst v5;
	v5 =	vadd.s32 v0, v7;
	v7 =	vld [tilespmem:$0x210]  }
0x2f: {  	v55 =	vld [tilespmem:$0x220];
	[tilespmem:$0x180] =	vst v5;
	v5 =	vadd.s32 v0, v52  }
0x30: {  	v56 =	vld [tilespmem:$0x230];
	[tilespmem:$0x190] =	vst v5;
	v5 =	vadd.s32 v0, v53  }
0x31: {  	v57 =	vld [tilespmem:$0x280];
	[tilespmem:$0x1A0] =	vst v5;
	v5 =	vadd.s32 v0, v54  }
0x32: {  	[tilespmem:$0x1B0] =	vst v5;
	v5 =	vadd.s32 v1, v6;
	v6 =	vld [tilespmem:$0x290]  }
0x33: {  	[tilespmem:$0x200] =	vst v5;
	v5 =	vadd.s32 v1, v7;
	v7 =	vld [tilespmem:$0x2A0]  }
0x34: {  	v58 =	vld [tilespmem:$0x2B0];
	[tilespmem:$0x210] =	vst v5;
	v5 =	vadd.s32 v1, v55  }
0x35: {  	v59 =	vld [tilespmem:$0x300];
	[tilespmem:$0x220] =	vst v5;
	v5 =	vadd.s32 v1, v56  }
0x36: {  	v60 =	vld [tilespmem:$0x310];
	[tilespmem:$0x230] =	vst v5;
	v5 =	vadd.s32 v1, v57  }
0x37: {  	[tilespmem:$0x280] =	vst v5;
	v5 =	vadd.s32 v1, v6;
	v6 =	vld [tilespmem:$0x320]  }
0x38: {  	[tilespmem:$0x290] =	vst v5;
	v5 =	vadd.s32 v1, v7;
	v7 =	vld [tilespmem:$0x330]  }
0x39: {  	v61 =	vld [tilespmem:$0x380];
	[tilespmem:$0x2A0] =	vst v5;
	v5 =	vadd.s32 v1, v58  }
0x3a: {  	v62 =	vld [tilespmem:$0x390];
	[tilespmem:$0x2B0] =	vst v5;
	v5 =	vadd.s32 v1, v59  }
0x3b: {  	v63 =	vld [tilespmem:$0x3A0];
	[tilespmem:$0x300] =	vst v5;
	v5 =	vadd.s32 v1, v60  }
0x3c: {  	[tilespmem:$0x310] =	vst v5;
	v5 =	vadd.s32 v1, v6;
	v6 =	vld [tilespmem:$0x3B0]  }
0x3d: {  	[tilespmem:$0x320] =	vst v5;
	v5 =	vadd.s32 v1, v7  }
0x3e: {  	[tilespmem:$0x330] =	vst v5;
	v5 =	vadd.s32 v1, v61  }
0x3f: {  	[tilespmem:$0x380] =	vst v5;
	v5 =	vadd.s32 v1, v62  }
0x40: {  	[tilespmem:$0x390] =	vst v5;
	v5 =	vadd.s32 v1, v63  }
0x41: {  	s19 =	rddreg [dreg:$0x4];
	[tilespmem:$0x3A0] =	vst v5;
	v5 =	vadd.s32 v1, v6  }
0x42: {  	s0 =	simm.s32 $0x16C00;
	s1 =	simm.s32 $0x17400;
	s10 =	rddreg [dreg:$0x6];
	[tilespmem:$0x3B0] =	vst v5  }
0x43: {  	[tilespmem:s20], [sflag:$0x1] =	stream.linear.gather [hbm4b:s19+s3], $0xC000, $0x38;
	[tilespmem:$0x18400] =	vst v63  }
0x44: {  	s18 =	simm.s32 $0x80;
	s12 =	rddreg [dreg:$0x7];
	s19 =	simm.s32 $0x0  }
.LBB2_2:
0x45: {  	_ =	swait.ge [sflag:s13], $0xC000  }
0x46: {  	[sflag:s13] =	ssyncset.done $0x0  }
0x47: {  	[sflag:s13] =	ssyncadd.s32 $0xFFFF4000  }
0x48: {  	v5 =	vld [tilespmem:s18+$0xFFFFFF80];
	_ =	sdelay $0x4  }
0x49: {  	v6 =	vshrl.u32 v5, $0x3  }
0x4a: {  	v6 =	vmul.u32 $0x30, v6  }
0x4b: {  	v5 =	vand.u32 $0x7, v5  }
0x4c: {  	v5 =	vor.u32 v5, v6  }
0x4d: {  	v6 =	vperm.xlane v5, v2;
	_ =	sdelay $0x1  }
0x4e: {  	v6 =	vadd.s32 v3, v6;
	_ =	sdelay $0x3  }
0x4f: {  	v5 =	vperm.xlane v5, v4  }
0x50: {  	[hbm4b:s2+s3] =	stream.indirect_vreg.scatter [tilespmem:s20], [sflag:$0x3], $0x80, v6, vm0, $0xb8;
	[tilespmem:$0x18400] =	vst v63  }
0x51: {  	v5 =	vadd.s32 v3, v5  }
0x52: {  	[hbm4b:s6+s3] =	stream.indirect_vreg.scatter [tilespmem:s21], [sflag:$0x3], $0x80, v6, vm0, $0xb8;
	[tilespmem:$0x18400] =	vst v63  }
0x53: {  	_ = 	snop  }
0x54: {  	[hbm4b:s7+s3] =	stream.indirect_vreg.scatter [tilespmem:s22], [sflag:$0x3], $0x80, v6, vm0, $0xb8;
	[tilespmem:$0x18400] =	vst v63  }
0x55: {  	s22 =	simm.s32 $0x1C00  }
0x56: {  	[hbm4b:s2+s3] =	stream.indirect_vreg.scatter [tilespmem:s22], [sflag:$0x3], $0x80, v5, vm0, $0xb8;
	[tilespmem:$0x18400] =	vst v63  }
0x57: {  	s21 =	simm.s32 $0x2400  }
0x58: {  	[hbm4b:s6+s3] =	stream.indirect_vreg.scatter [tilespmem:s21], [sflag:$0x3], $0x80, v5, vm0, $0xb8;
	[tilespmem:$0x18400] =	vst v63  }
0x59: {  	s22 =	simm.s32 $0x2C00  }
0x5a: {  	[hbm4b:s7+s3] =	stream.indirect_vreg.scatter [tilespmem:s22], [sflag:$0x3], $0x80, v5, vm0, $0xb8;
	[tilespmem:$0x18400] =	vst v63  }
0x5b: {  	v5 =	vld [tilespmem:s18+$0xFFFFFF90];
	_ =	sdelay $0x4  }
0x5c: {  	v6 =	vshrl.u32 v5, $0x3  }
0x5d: {  	v6 =	vmul.u32 $0x30, v6  }
0x5e: {  	v5 =	vand.u32 $0x7, v5  }
0x5f: {  	v5 =	vor.u32 v5, v6  }
0x60: {  	v6 =	vperm.xlane v5, v2;
	_ =	sdelay $0x1  }
0x61: {  	v6 =	vadd.s32 v3, v6;
	_ =	sdelay $0x3  }
0x62: {  	s21 =	simm.s32 $0x3400;
	v5 =	vperm.xlane v5, v4  }
0x63: {  	[hbm4b:s2+s3] =	stream.indirect_vreg.scatter [tilespmem:s21], [sflag:$0x3], $0x80, v6, vm0, $0xb8;
	[tilespmem:$0x18400] =	vst v63  }
0x64: {  	s22 =	simm.s32 $0x3C00;
	v5 =	vadd.s32 v3, v5  }
0x65: {  	[hbm4b:s6+s3] =	stream.indirect_vreg.scatter [tilespmem:s22], [sflag:$0x3], $0x80, v6, vm0, $0xb8;
	[tilespmem:$0x18400] =	vst v63  }
0x66: {  	s21 =	simm.s32 $0x4400  }
0x67: {  	[hbm4b:s7+s3] =	stream.indirect_vreg.scatter [tilespmem:s21], [sflag:$0x3], $0x80, v6, vm0, $0xb8;
	[tilespmem:$0x18400] =	vst v63  }
0x68: {  	s22 =	simm.s32 $0x4C00  }
0x69: {  	[hbm4b:s2+s3] =	stream.indirect_vreg.scatter [tilespmem:s22], [sflag:$0x3], $0x80, v5, vm0, $0xb8;
	[tilespmem:$0x18400] =	vst v63  }
0x6a: {  	s21 =	simm.s32 $0x5400  }
0x6b: {  	[hbm4b:s6+s3] =	stream.indirect_vreg.scatter [tilespmem:s21], [sflag:$0x3], $0x80, v5, vm0, $0xb8;
	[tilespmem:$0x18400] =	vst v63  }
0x6c: {  	s22 =	simm.s32 $0x5C00  }
0x6d: {  	[hbm4b:s7+s3] =	stream.indirect_vreg.scatter [tilespmem:s22], [sflag:$0x3], $0x80, v5, vm0, $0xb8;
	[tilespmem:$0x18400] =	vst v63  }
0x6e: {  	v5 =	vld [tilespmem:s18+$0xFFFFFFA0];
	_ =	sdelay $0x4  }
0x6f: {  	v6 =	vshrl.u32 v5, $0x3  }
0x70: {  	v6 =	vmul.u32 $0x30, v6  }
0x71: {  	v5 =	vand.u32 $0x7, v5  }
0x72: {  	v5 =	vor.u32 v5, v6  }
0x73: {  	v6 =	vperm.xlane v5, v2;
	_ =	sdelay $0x1  }
0x74: {  	v6 =	vadd.s32 v3, v6;
	_ =	sdelay $0x3  }
0x75: {  	s21 =	simm.s32 $0x6400;
	v5 =	vperm.xlane v5, v4  }
0x76: {  	[hbm4b:s2+s3] =	stream.indirect_vreg.scatter [tilespmem:s21], [sflag:$0x3], $0x80, v6, vm0, $0xb8;
	[tilespmem:$0x18400] =	vst v63  }
0x77: {  	s22 =	simm.s32 $0x6C00;
	v5 =	vadd.s32 v3, v5  }
0x78: {  	[hbm4b:s6+s3] =	stream.indirect_vreg.scatter [tilespmem:s22], [sflag:$0x3], $0x80, v6, vm0, $0xb8;
	[tilespmem:$0x18400] =	vst v63  }
0x79: {  	s21 =	simm.s32 $0x7400  }
0x7a: {  	[hbm4b:s7+s3] =	stream.indirect_vreg.scatter [tilespmem:s21], [sflag:$0x3], $0x80, v6, vm0, $0xb8;
	[tilespmem:$0x18400] =	vst v63  }
0x7b: {  	s22 =	simm.s32 $0x7C00  }
0x7c: {  	[hbm4b:s2+s3] =	stream.indirect_vreg.scatter [tilespmem:s22], [sflag:$0x3], $0x80, v5, vm0, $0xb8;
	[tilespmem:$0x18400] =	vst v63  }
0x7d: {  	s21 =	simm.s32 $0x8400  }
0x7e: {  	[hbm4b:s6+s3] =	stream.indirect_vreg.scatter [tilespmem:s21], [sflag:$0x3], $0x80, v5, vm0, $0xb8;
	[tilespmem:$0x18400] =	vst v63  }
0x7f: {  	s22 =	simm.s32 $0x8C00  }
0x80: {  	[hbm4b:s7+s3] =	stream.indirect_vreg.scatter [tilespmem:s22], [sflag:$0x3], $0x80, v5, vm0, $0xb8;
	[tilespmem:$0x18400] =	vst v63  }
0x81: {  	v5 =	vld [tilespmem:s18+$0xFFFFFFB0];
	_ =	sdelay $0x4  }
0x82: {  	v6 =	vshrl.u32 v5, $0x3  }
0x83: {  	v6 =	vmul.u32 $0x30, v6  }
0x84: {  	v5 =	vand.u32 $0x7, v5  }
0x85: {  	v5 =	vor.u32 v5, v6  }
0x86: {  	v6 =	vperm.xlane v5, v2;
	_ =	sdelay $0x1  }
0x87: {  	v6 =	vadd.s32 v3, v6;
	_ =	sdelay $0x3  }
0x88: {  	s21 =	simm.s32 $0x9400;
	v5 =	vperm.xlane v5, v4  }
0x89: {  	[hbm4b:s2+s3] =	stream.indirect_vreg.scatter [tilespmem:s21], [sflag:$0x3], $0x80, v6, vm0, $0xb8;
	[tilespmem:$0x18400] =	vst v63  }
0x8a: {  	s22 =	simm.s32 $0x9C00;
	v5 =	vadd.s32 v3, v5  }
0x8b: {  	[hbm4b:s6+s3] =	stream.indirect_vreg.scatter [tilespmem:s22], [sflag:$0x3], $0x80, v6, vm0, $0xb8;
	[tilespmem:$0x18400] =	vst v63  }
0x8c: {  	s21 =	simm.s32 $0xA400  }
0x8d: {  	[hbm4b:s7+s3] =	stream.indirect_vreg.scatter [tilespmem:s21], [sflag:$0x3], $0x80, v6, vm0, $0xb8;
	[tilespmem:$0x18400] =	vst v63  }
0x8e: {  	s22 =	simm.s32 $0xAC00  }
0x8f: {  	[hbm4b:s2+s3] =	stream.indirect_vreg.scatter [tilespmem:s22], [sflag:$0x3], $0x80, v5, vm0, $0xb8;
	[tilespmem:$0x18400] =	vst v63  }
0x90: {  	p0 =	seq.s32 s19, $0x0;
	s21 =	simm.s32 $0xB400  }
0x91: {  	[hbm4b:s6+s3] =	stream.indirect_vreg.scatter [tilespmem:s21], [sflag:$0x3], $0x80, v5, vm0, $0xb8;
	[tilespmem:$0x18400] =	vst v63  }
0x92: {  	s20 =	simm.s32 @!p0 $0x4;
	s22 =	simm.s32 $0xBC00  }
0x93: {  	[hbm4b:s7+s3] =	stream.indirect_vreg.scatter [tilespmem:s22], [sflag:$0x3], $0x80, v5, vm0, $0xb8;
	[tilespmem:$0x18400] =	vst v63  }
0x94: {  	_ =	swait.ge @!p0 [sflag:s20], $0xC000  }
0x95: {  	[sflag:s20] =	ssyncset.done @!p0 $0x0  }
0x96: {  	s21 =	sadd.s32 s19, s12;
	[sflag:s20] =	ssyncadd.s32 @!p0 $0xFFFF4000  }
0x97: {  	[tilespmem:s26], [sflag:$0x2] =	stream.linear.gather [hbm4b:s21+s3], $0xC000, $0x38;
	[tilespmem:$0x18400] =	vst v63  }
0x98: {  	_ =	swait.ge [sflag:s15], $0xC000  }
0x99: {  	[sflag:s15] =	ssyncset.done $0x0  }
0x9a: {  	[sflag:s15] =	ssyncadd.s32 $0xFFFF4000  }
0x9b: {  	v5 =	vld [tilespmem:s18+$0x0];
	_ =	sdelay $0x4  }
0x9c: {  	v6 =	vshrl.u32 v5, $0x3  }
0x9d: {  	v6 =	vmul.u32 $0x30, v6  }
0x9e: {  	v5 =	vand.u32 $0x7, v5  }
0x9f: {  	v5 =	vor.u32 v5, v6  }
0xa0: {  	v6 =	vperm.xlane v5, v2;
	_ =	sdelay $0x1  }
0xa1: {  	v6 =	vadd.s32 v3, v6;
	_ =	sdelay $0x3  }
0xa2: {  	v5 =	vperm.xlane v5, v4  }
0xa3: {  	[hbm4b:s2+s3] =	stream.indirect_vreg.scatter [tilespmem:s26], [sflag:$0x4], $0x80, v6, vm0, $0xb8;
	[tilespmem:$0x18400] =	vst v63  }
0xa4: {  	s22 =	simm.s32 $0xCC00;
	v5 =	vadd.s32 v3, v5  }
0xa5: {  	[hbm4b:s6+s3] =	stream.indirect_vreg.scatter [tilespmem:s22], [sflag:$0x4], $0x80, v6, vm0, $0xb8;
	[tilespmem:$0x18400] =	vst v63  }
0xa6: {  	s21 =	simm.s32 $0xD400  }
0xa7: {  	[hbm4b:s7+s3] =	stream.indirect_vreg.scatter [tilespmem:s21], [sflag:$0x4], $0x80, v6, vm0, $0xb8;
	[tilespmem:$0x18400] =	vst v63  }
0xa8: {  	s22 =	simm.s32 $0xDC00  }
0xa9: {  	[hbm4b:s2+s3] =	stream.indirect_vreg.scatter [tilespmem:s22], [sflag:$0x4], $0x80, v5, vm0, $0xb8;
	[tilespmem:$0x18400] =	vst v63  }
0xaa: {  	s21 =	simm.s32 $0xE400  }
0xab: {  	[hbm4b:s6+s3] =	stream.indirect_vreg.scatter [tilespmem:s21], [sflag:$0x4], $0x80, v5, vm0, $0xb8;
	[tilespmem:$0x18400] =	vst v63  }
0xac: {  	s22 =	simm.s32 $0xEC00  }
0xad: {  	[hbm4b:s7+s3] =	stream.indirect_vreg.scatter [tilespmem:s22], [sflag:$0x4], $0x80, v5, vm0, $0xb8;
	[tilespmem:$0x18400] =	vst v63  }
0xae: {  	v5 =	vld [tilespmem:s18+$0x10];
	_ =	sdelay $0x4  }
0xaf: {  	v6 =	vshrl.u32 v5, $0x3  }
0xb0: {  	v6 =	vmul.u32 $0x30, v6  }
0xb1: {  	v5 =	vand.u32 $0x7, v5  }
0xb2: {  	v5 =	vor.u32 v5, v6  }
0xb3: {  	v6 =	vperm.xlane v5, v2;
	_ =	sdelay $0x1  }
0xb4: {  	v6 =	vadd.s32 v3, v6;
	_ =	sdelay $0x3  }
0xb5: {  	s21 =	simm.s32 $0xF400;
	v5 =	vperm.xlane v5, v4  }
0xb6: {  	[hbm4b:s2+s3] =	stream.indirect_vreg.scatter [tilespmem:s21], [sflag:$0x4], $0x80, v6, vm0, $0xb8;
	[tilespmem:$0x18400] =	vst v63  }
0xb7: {  	s22 =	simm.s32 $0xFC00;
	v5 =	vadd.s32 v3, v5  }
0xb8: {  	[hbm4b:s6+s3] =	stream.indirect_vreg.scatter [tilespmem:s22], [sflag:$0x4], $0x80, v6, vm0, $0xb8;
	[tilespmem:$0x18400] =	vst v63  }
0xb9: {  	_ = 	snop  }
0xba: {  	[hbm4b:s7+s3] =	stream.indirect_vreg.scatter [tilespmem:s5], [sflag:$0x4], $0x80, v6, vm0, $0xb8;
	[tilespmem:$0x18400] =	vst v63  }
0xbb: {  	_ = 	snop  }
0xbc: {  	[hbm4b:s2+s3] =	stream.indirect_vreg.scatter [tilespmem:s8], [sflag:$0x4], $0x80, v5, vm0, $0xb8;
	[tilespmem:$0x18400] =	vst v63  }
0xbd: {  	_ = 	snop  }
0xbe: {  	[hbm4b:s6+s3] =	stream.indirect_vreg.scatter [tilespmem:s11], [sflag:$0x4], $0x80, v5, vm0, $0xb8;
	[tilespmem:$0x18400] =	vst v63  }
0xbf: {  	_ = 	snop  }
0xc0: {  	[hbm4b:s7+s3] =	stream.indirect_vreg.scatter [tilespmem:s16], [sflag:$0x4], $0x80, v5, vm0, $0xb8;
	[tilespmem:$0x18400] =	vst v63  }
0xc1: {  	v5 =	vld [tilespmem:s18+$0x20];
	_ =	sdelay $0x4  }
0xc2: {  	v6 =	vshrl.u32 v5, $0x3  }
0xc3: {  	v6 =	vmul.u32 $0x30, v6  }
0xc4: {  	v5 =	vand.u32 $0x7, v5  }
0xc5: {  	v5 =	vor.u32 v5, v6  }
0xc6: {  	v6 =	vperm.xlane v5, v2;
	_ =	sdelay $0x1  }
0xc7: {  	v6 =	vadd.s32 v3, v6;
	_ =	sdelay $0x3  }
0xc8: {  	v5 =	vperm.xlane v5, v4  }
0xc9: {  	[hbm4b:s2+s3] =	stream.indirect_vreg.scatter [tilespmem:s9], [sflag:$0x4], $0x80, v6, vm0, $0xb8;
	[tilespmem:$0x18400] =	vst v63  }
0xca: {  	v5 =	vadd.s32 v3, v5  }
0xcb: {  	[hbm4b:s6+s3] =	stream.indirect_vreg.scatter [tilespmem:s23], [sflag:$0x4], $0x80, v6, vm0, $0xb8;
	[tilespmem:$0x18400] =	vst v63  }
0xcc: {  	_ = 	snop  }
0xcd: {  	[hbm4b:s7+s3] =	stream.indirect_vreg.scatter [tilespmem:s24], [sflag:$0x4], $0x80, v6, vm0, $0xb8;
	[tilespmem:$0x18400] =	vst v63  }
0xce: {  	_ = 	snop  }
0xcf: {  	[hbm4b:s2+s3] =	stream.indirect_vreg.scatter [tilespmem:s25], [sflag:$0x4], $0x80, v5, vm0, $0xb8;
	[tilespmem:$0x18400] =	vst v63  }
0xd0: {  	_ = 	snop  }
0xd1: {  	[hbm4b:s6+s3] =	stream.indirect_vreg.scatter [tilespmem:s14], [sflag:$0x4], $0x80, v5, vm0, $0xb8;
	[tilespmem:$0x18400] =	vst v63  }
0xd2: {  	_ = 	snop  }
0xd3: {  	[hbm4b:s7+s3] =	stream.indirect_vreg.scatter [tilespmem:s28], [sflag:$0x4], $0x80, v5, vm0, $0xb8;
	[tilespmem:$0x18400] =	vst v63  }
0xd4: {  	v5 =	vld [tilespmem:s18+$0x30];
	_ =	sdelay $0x4  }
0xd5: {  	v6 =	vshrl.u32 v5, $0x3  }
0xd6: {  	v6 =	vmul.u32 $0x30, v6  }
0xd7: {  	v5 =	vand.u32 $0x7, v5  }
0xd8: {  	v5 =	vor.u32 v5, v6  }
0xd9: {  	v6 =	vperm.xlane v5, v2;
	_ =	sdelay $0x1  }
0xda: {  	v6 =	vadd.s32 v3, v6;
	_ =	sdelay $0x3  }
0xdb: {  	v5 =	vperm.xlane v5, v4  }
0xdc: {  	[hbm4b:s2+s3] =	stream.indirect_vreg.scatter [tilespmem:s29], [sflag:$0x4], $0x80, v6, vm0, $0xb8;
	[tilespmem:$0x18400] =	vst v63  }
0xdd: {  	v5 =	vadd.s32 v3, v5  }
0xde: {  	[hbm4b:s6+s3] =	stream.indirect_vreg.scatter [tilespmem:s30], [sflag:$0x4], $0x80, v6, vm0, $0xb8;
	[tilespmem:$0x18400] =	vst v63  }
0xdf: {  	p0 =	seq.s32 s19, $0x9000  }
0xe0: {  	[hbm4b:s7+s3] =	stream.indirect_vreg.scatter [tilespmem:s31], [sflag:$0x4], $0x80, v6, vm0, $0xb8;
	[tilespmem:$0x18400] =	vst v63  }
0xe1: {  	s20 =	sadd.s32 @!p0 s19, s10;
	s19 =	sadd.s32 @!p0 $0x3000, s19  }
0xe2: {  	[hbm4b:s2+s3] =	stream.indirect_vreg.scatter [tilespmem:s0], [sflag:$0x4], $0x80, v5, vm0, $0xb8;
	[tilespmem:$0x18400] =	vst v63  }
0xe3: {  	p1 =	sne.s32 @!p0 s19, $0xC000  }
0xe4: {  	[hbm4b:s6+s3] =	stream.indirect_vreg.scatter [tilespmem:s1], [sflag:$0x4], $0x80, v5, vm0, $0xb8;
	[tilespmem:$0x18400] =	vst v63  }
0xe5: {  	p1 =	por p0, !p1  }
0xe6: {  	[hbm4b:s7+s3] =	stream.indirect_vreg.scatter [tilespmem:s4], [sflag:$0x4], $0x80, v5, vm0, $0xb8;
	[tilespmem:$0x18400] =	vst v63  }
.Ltmp0:
0xe7: {  	_ =	swait.ge [sflag:s17], $0xC000;
	(pc) =	sbr.rel @!p1 .LBB2_2-.Ltmp0, $4  }
0xe8: {  	s21 =	simm.s32 @!p0 $0x0;
	[sflag:s17] =	ssyncset.done $0x0  }
0xe9: {  	s22 =	simm.s32 @!p0 $0x400;
	s18 =	sadd.s32 @!p0 $0x100, s18;
	[sflag:s17] =	ssyncadd.s32 $0xFFFF4000  }
0xea: {  	[tilespmem:s22], [sflag:$0x1] =	stream.linear.gather @!p0 [hbm4b:s20+s21], $0xC000, $0x38;
	[tilespmem:$0x18400] =	vst v63  }
0xeb: {  	s22 =	simm.s32 $0x1400;
	s21 =	simm.s32 $0xC00;
	s20 =	simm.s32 $0x400  }
0xec: {  	s0 =	simm.s32 $0x4  }
0xed: {  	_ =	swait.ge [sflag:s0], $0xC000  }
0xee: {  	s1 =	rddreg [dreg:$0x8]  }
0xef: {  	s18 =	rddreg [dreg:$0x5];
	s1 =	sadd.s32 $0x1, s1  }
0xf0: {  	p0 =	sne.s32 s1, s18  }
.Ltmp1:
0xf1: {  	_ = 	snop;
	(pc) =	sbr.rel @p0 .LBB2_1-.Ltmp1, $3  }
0xf2: {  	_ =	sdelay $0x1  }
0xf3: {  	[sflag:s0] =	ssyncset.done $0x0  }
0xf4: {  	[sflag:s0] =	ssyncadd.s32 $0xFFFF4000  }
0xf5: {  	_ =	sfence.sel $0x180000  }
0xf6: {  	[bflag:$0x0] =	sbarrier.arrive $0xFFFF  }
0xf7: {  	_ =	strace $0x9000004A  }
0xf8: {  	s0 =	stileid.u32;
	[bflag:$0x2] =	sbarrier.arrive $0xFFFF  }
0xf9: {  	p0 =	sne.s32 s0, $0x0;
	s0 =	rddreg [dreg:$0x2]  }
0xfa: {  	s0 =	sadd.s32 @!p0 $0x100000, s0  }
0xfb: {  	[sflag:s0] =	ssyncadd.tile.s32 @!p0 $0x1;
	_ =	shalt  }
.Lfunc_end2:
_tile_overlayer_lowered:
.L_overlay_start_2:
0xfc: {  	(tag) =	ssettag $0x2  }
0xfd: {  	s0 =	rddreg [dreg:$0x0];
	s2 =	stileid.u32  }
0xfe: {  	s1 =	rddreg [dreg:$0x1];
	p0 =	sne.s32 s2, $0x0  }
0xff: {  	s3 =	rddreg [dreg:$0x2];
	[bflag:$0x3] =	sbarrier.arrive $0xFFFF;
	s2 =	simm.s32 @!p0 $0x1C05  }
0x100: {  	[timem:s3], [sflag:s2] =	dma.local @!p0 [hbm:s0], s1  }
0x101: {  	s0 =	simm.s32 @!p0 $0x5  }
0x102: {  	_ =	swait.ge @!p0 [sflag:s0], s1  }
0x103: {  	s1 =	ssub.s32 @!p0 $0x0, s1;
	[sflag:s0] =	ssyncset.done @!p0 $0x0  }
0x104: {  	[sflag:s0] =	ssyncadd.s32 @!p0 s1  }
0x105: {  	[bflag:$0x3] =	sbarrier.arrive $0xFFFF  }
0x106: {  	_ =	shalt  }

</sc_bundles>
